<compile_context>
chip_gen: v7x
topology: tpu7x:2x2x1
jax: 0.10.2.dev20260603
libtpu: 0.0.44.dev20260713+nightly
codegen_flags: <defaults>
</compile_context>

<pallas_src>
import functools

import jax
import jax.numpy as jnp
from jax import lax
from jax.experimental import pallas as pl
from jax.experimental.pallas import tpu as pltpu
from jax.experimental.pallas import tpu_sc as plsc

VOCAB = 50368
HIDDEN = 768
EPS = 1e-05

_NC = 2
_NS = 16
_NW = _NC * _NS
_CHUNK = 128


def _sc_gather(table, ids_flat):
    ids, bi, off0, n_tok = ids_flat
    b_per_w = n_tok // _NW
    n_chunks = b_per_w // _CHUNK
    mesh = plsc.VectorSubcoreMesh(core_axis_name="c", subcore_axis_name="s")

    @functools.partial(
        pl.kernel,
        mesh=mesh,
        out_type=jax.ShapeDtypeStruct((n_tok, HIDDEN), jnp.float32),
        scratch_types=[
            pltpu.VMEM((_CHUNK,), jnp.int32),
            pltpu.VMEM((_CHUNK, HIDDEN), jnp.float32),
            pltpu.SemaphoreType.DMA,
        ],
    )
    def gather_kernel(table_hbm, ids_hbm, out_hbm, idx_v, rows_v, sem_g):
        wid = lax.axis_index("s") * _NC + lax.axis_index("c")
        base = wid * b_per_w
        for ci in range(n_chunks):
            pltpu.sync_copy(
                ids_hbm.at[bi, pl.ds(off0 + base + ci * _CHUNK, _CHUNK)], idx_v)
            pltpu.async_copy(table_hbm.at[idx_v], rows_v, sem_g).wait()
            pltpu.sync_copy(rows_v, out_hbm.at[pl.ds(base + ci * _CHUNK, _CHUNK)])

    return gather_kernel(table, ids)


def _ln_body(rows_ref, w_ref, out_ref):
    x = rows_ref[...]
    mean = jnp.mean(x, axis=1, keepdims=True)
    zm = x - mean
    var = jnp.mean(zm * zm, axis=1, keepdims=True)
    y = zm * lax.rsqrt(var + EPS) * w_ref[...]
    out_ref[0, :, 0, :] = y.T


def _ln_body_alias(rows_ref, w_ref, prev_ref, out_ref):
    del prev_ref
    _ln_body(rows_ref, w_ref, out_ref)


def _tc_ln_chunk(rows, w2, out_prev, bi, off, b, s):
    t = 2048
    n_tok = rows.shape[0]
    j0 = off // t
    grid = (n_tok // t,)
    in_specs = [
        pl.BlockSpec((t, HIDDEN), lambda j: (j, 0)),
        pl.BlockSpec((1, HIDDEN), lambda j: (0, 0)),
    ]
    args = [rows, w2]
    kwargs = {}
    body = _ln_body
    if out_prev is not None:
        in_specs.append(pl.BlockSpec(memory_space=pl.ANY))
        args.append(out_prev)
        kwargs["input_output_aliases"] = {2: 0}
        body = _ln_body_alias
    return pl.pallas_call(
        body,
        grid=grid,
        in_specs=in_specs,
        out_specs=pl.BlockSpec(
            (1, HIDDEN, 1, t), lambda j, bi=bi, j0=j0: (bi, 0, 0, j + j0)),
        out_shape=jax.ShapeDtypeStruct((b, HIDDEN, 1, s), jnp.float32),
        **kwargs,
    )(*args)


def kernel(input_ids, table, ln_weight):
    b, s = input_ids.shape
    w2 = ln_weight.reshape(1, HIDDEN)
    ids = input_ids.astype(jnp.int32)
    half = s // 2
    spans = [(0, 0, half), (0, half, half), (1, 0, s), (2, 0, s),
             (3, 0, half), (3, half, half)]
    out = None
    for bi, off, n_tok in spans:
        rows = _sc_gather(table, (ids, bi, off, n_tok))
        out = _tc_ln_chunk(rows, w2, out, bi, off, b, s)
    return out

# --- scband reference (transcript-rebuilt; emitter-appended) ---
"""Pipeline reference for scband-embeddings-53317724012688 (READ-ONLY COPY).

The authoritative reference and input builder live on the scoring server;
editing this copy changes nothing except your own understanding.
"""

import jax, jax.numpy as jnp
import numpy as np

VOCAB = 50368
HIDDEN = 768
PAD = 50283
EPS = 1e-05
B, S = 4, 8192

def setup_inputs(seed: int = 0) -> dict:
    key = jax.random.key(seed)
    k_ids, k_tab, k_w = jax.random.split(key, 3)
    input_ids = jax.random.randint(k_ids, (B, S), 0, VOCAB, dtype=jnp.int64) if jax.config.jax_enable_x64 else jax.random.randint(k_ids, (B, S), 0, VOCAB, dtype=jnp.int32)
    table = jax.random.normal(k_tab, (VOCAB, HIDDEN), dtype=jnp.float32) * 0.02
    # nn.Embedding zeroes the padding_idx row at init
    table = table.at[PAD].set(0.0)
    ln_weight = jnp.ones((HIDDEN,), dtype=jnp.float32)
    return {"input_ids": input_ids, "table": table, "ln_weight": ln_weight}

def reference(input_ids, table, ln_weight):
    # embedding lookup: [B, S, H]
    x = jnp.take(table, input_ids, axis=0)
    # x.transpose(-1, -2).unsqueeze(2) -> [B, H, 1, S]
    x = jnp.transpose(x, (0, 2, 1))[:, :, None, :]
    # custom LayerNorm over channel dim (dim=1), norm_bias=False
    mean = jnp.mean(x, axis=1, keepdims=True)
    zm = x - mean
    var = jnp.mean(zm * zm, axis=1, keepdims=True)
    denom = jax.lax.rsqrt(var + EPS)
    out = (zm * denom) * ln_weight.reshape(1, HIDDEN, 1, 1)
    return out

if False:  # reference __main__ guard neutralized (emitter)
    inp = setup_inputs()
    o = reference(**inp)
    print(o.shape, o.dtype)

if __name__ == "__main__":
    import jax
    _d = setup_inputs()
    print(jax.jit(kernel)(*tuple(_d.values())))

</pallas_src>

<mosaic_0001>
#map = affine_map<(d0, d1) -> (0, 0)>
module attributes {stable_mosaic.version = 14 : i64} {
  func.func @gather_kernel(%arg0: i32, %arg1: i32, %arg2: memref<50368x768xf32, #tpu.memory_space<hbm>>, %arg3: memref<4x8192xi32, #tpu.memory_space<hbm>>, %arg4: memref<4096x768xf32, #tpu.memory_space<hbm>>, %arg5: memref<128xi32, #tpu.memory_space<vmem>>, %arg6: memref<128x768xf32, #tpu.memory_space<vmem>>, %arg7: memref<!tpu.dma_semaphore, #tpu.memory_space<semaphore_mem>>) attributes {dimension_semantics = [#tpu.dimension_semantics<core_parallel>, #tpu.dimension_semantics<subcore_parallel>], iteration_bounds = array<i64: 2, 16>, scalar_prefetch = 0 : i64, scratch_operands = 3 : i64, tpu.core_type = #tpu.core_type<sc_vector_subcore>, window_params = [{transform_indices = #map}, {transform_indices = #map}, {transform_indices = #map}]} {
    %mul3A = arith.constant 2 : i32
    %mul3A_0 = arith.muli %arg1, %mul3A : i32
    %add3A = arith.addi %mul3A_0, %arg0 : i32
    %mul3A_1 = arith.constant 128 : i32
    %mul3A_2 = arith.muli %add3A, %mul3A_1 : i32
    %add3A_3 = arith.constant 0 : i32
    %add3A_4 = arith.addi %add3A_3, %mul3A_2 : i32
    %add3A_5 = arith.constant 0 : i32
    %add3A_6 = arith.addi %add3A_4, %add3A_5 : i32
    %run_scoped3A = arith.constant 0 : i32
    "tpu.region"() ({
      %run_scoped3A_13 = tpu.sem_alloc : memref<!tpu.dma_semaphore, #tpu.memory_space<semaphore_mem>>
      %dma_start3A_14 = tpu.memref_slice %arg3[%run_scoped3A, %add3A_6] : memref<4x8192xi32, #tpu.memory_space<hbm>> -> memref<1x128xi32, #tpu.memory_space<hbm>>
      %dma_start3A_15 = tpu.memref_squeeze %dma_start3A_14 : memref<1x128xi32, #tpu.memory_space<hbm>> -> memref<128xi32, #tpu.memory_space<hbm>>
      %dma_start3A_16 = tpu.memref_slice %arg3[%run_scoped3A, %add3A_6] : memref<4x8192xi32, #tpu.memory_space<hbm>> -> memref<1x128xi32, #tpu.memory_space<hbm>>
      %dma_start3A_17 = tpu.memref_squeeze %dma_start3A_16 : memref<1x128xi32, #tpu.memory_space<hbm>> -> memref<128xi32, #tpu.memory_space<hbm>>
      tpu.enqueue_dma source(%dma_start3A_17 : memref<128xi32, #tpu.memory_space<hbm>>) target(%arg5 : memref<128xi32, #tpu.memory_space<vmem>>) target_semaphore(%run_scoped3A_13 : memref<!tpu.dma_semaphore, #tpu.memory_space<semaphore_mem>>)
      %dma_wait3A_18 = tpu.memref_slice %arg3[%run_scoped3A, %add3A_6] : memref<4x8192xi32, #tpu.memory_space<hbm>> -> memref<1x128xi32, #tpu.memory_space<hbm>>
      %dma_wait3A_19 = tpu.memref_squeeze %dma_wait3A_18 : memref<1x128xi32, #tpu.memory_space<hbm>> -> memref<128xi32, #tpu.memory_space<hbm>>
      %dma_wait3A_20 = tpu.memref_slice %arg3[%run_scoped3A, %add3A_6] : memref<4x8192xi32, #tpu.memory_space<hbm>> -> memref<1x128xi32, #tpu.memory_space<hbm>>
      %dma_wait3A_21 = tpu.memref_squeeze %dma_wait3A_20 : memref<1x128xi32, #tpu.memory_space<hbm>> -> memref<128xi32, #tpu.memory_space<hbm>>
      tpu.wait_dma2 semaphore(%run_scoped3A_13 : memref<!tpu.dma_semaphore, #tpu.memory_space<semaphore_mem>>) src(%dma_wait3A_21 : memref<128xi32, #tpu.memory_space<hbm>>) dst(%arg5 : memref<128xi32, #tpu.memory_space<vmem>>)
      tpu.yield
    }) : () -> ()
    %dma_start3A = arith.constant 0 : i32
    %dma_start3A_7 = arith.constant 0 : i32
    %dma_start3A_8 = tpu.memref_slice %arg2[%dma_start3A, %dma_start3A_7] : memref<50368x768xf32, #tpu.memory_space<hbm>> -> memref<50368x768xf32, #tpu.memory_space<hbm>>
    tpu.enqueue_indirect_dma source(%dma_start3A_8 : memref<50368x768xf32, #tpu.memory_space<hbm>>) target(%arg6 : memref<128x768xf32, #tpu.memory_space<vmem>>) offsets(%arg5 : memref<128xi32, #tpu.memory_space<vmem>>) semaphore(%arg7 : memref<!tpu.dma_semaphore, #tpu.memory_space<semaphore_mem>>)
    %dma_wait3A = arith.constant 0 : i32
    %dma_wait3A_9 = arith.constant 0 : i32
    %dma_wait3A_10 = tpu.memref_slice %arg2[%dma_wait3A, %dma_wait3A_9] : memref<50368x768xf32, #tpu.memory_space<hbm>> -> memref<50368x768xf32, #tpu.memory_space<hbm>>
    tpu.wait_indirect_dma semaphore(%arg7 : memref<!tpu.dma_semaphore, #tpu.memory_space<semaphore_mem>>) src(%dma_wait3A_10 : memref<50368x768xf32, #tpu.memory_space<hbm>>) dst(%arg6 : memref<128x768xf32, #tpu.memory_space<vmem>>)
    %add3A_11 = arith.constant 0 : i32
    %add3A_12 = arith.addi %mul3A_2, %add3A_11 : i32
    "tpu.region"() ({
      %run_scoped3A_13 = tpu.sem_alloc : memref<!tpu.dma_semaphore, #tpu.memory_space<semaphore_mem>>
      %dma_start3A_14 = arith.constant 0 : i32
      %dma_start3A_15 = tpu.memref_slice %arg4[%add3A_12, %dma_start3A_14] : memref<4096x768xf32, #tpu.memory_space<hbm>> -> memref<128x768xf32, #tpu.memory_space<hbm>>
      %dma_start3A_16 = arith.constant 0 : i32
      %dma_start3A_17 = tpu.memref_slice %arg4[%add3A_12, %dma_start3A_16] : memref<4096x768xf32, #tpu.memory_space<hbm>> -> memref<128x768xf32, #tpu.memory_space<hbm>>
      tpu.enqueue_dma source(%arg6 : memref<128x768xf32, #tpu.memory_space<vmem>>) target(%dma_start3A_17 : memref<128x768xf32, #tpu.memory_space<hbm>>) target_semaphore(%run_scoped3A_13 : memref<!tpu.dma_semaphore, #tpu.memory_space<semaphore_mem>>)
      %dma_wait3A_18 = arith.constant 0 : i32
      %dma_wait3A_19 = tpu.memref_slice %arg4[%add3A_12, %dma_wait3A_18] : memref<4096x768xf32, #tpu.memory_space<hbm>> -> memref<128x768xf32, #tpu.memory_space<hbm>>
      %dma_wait3A_20 = arith.constant 0 : i32
      %dma_wait3A_21 = tpu.memref_slice %arg4[%add3A_12, %dma_wait3A_20] : memref<4096x768xf32, #tpu.memory_space<hbm>> -> memref<128x768xf32, #tpu.memory_space<hbm>>
      tpu.wait_dma2 semaphore(%run_scoped3A_13 : memref<!tpu.dma_semaphore, #tpu.memory_space<semaphore_mem>>) src(%arg6 : memref<128x768xf32, #tpu.memory_space<vmem>>) dst(%dma_wait3A_21 : memref<128x768xf32, #tpu.memory_space<hbm>>)
      tpu.yield
    }) : () -> ()
    return
  }
}

#map = affine_map<(d0, d1) -> (0, 0)>
module attributes {stable_mosaic.version = 14 : i64} {
  func.func @gather_kernel(%arg0: i32, %arg1: i32, %arg2: memref<50368x768xf32, #tpu.memory_space<hbm>>, %arg3: memref<4x8192xi32, #tpu.memory_space<hbm>>, %arg4: memref<4096x768xf32, #tpu.memory_space<hbm>>, %arg5: memref<128xi32, #tpu.memory_space<vmem>>, %arg6: memref<128x768xf32, #tpu.memory_space<vmem>>, %arg7: memref<!tpu.dma_semaphore, #tpu.memory_space<semaphore_mem>>) attributes {dimension_semantics = [#tpu.dimension_semantics<core_parallel>, #tpu.dimension_semantics<subcore_parallel>], iteration_bounds = array<i64: 2, 16>, scalar_prefetch = 0 : i64, scratch_operands = 3 : i64, tpu.core_type = #tpu.core_type<sc_vector_subcore>, window_params = [{transform_indices = #map}, {transform_indices = #map}, {transform_indices = #map}]} {
    %mul3A = arith.constant 2 : i32
    %mul3A_0 = arith.muli %arg1, %mul3A : i32
    %add3A = arith.addi %mul3A_0, %arg0 : i32
    %mul3A_1 = arith.constant 128 : i32
    %mul3A_2 = arith.muli %add3A, %mul3A_1 : i32
    %add3A_3 = arith.constant 4096 : i32
    %add3A_4 = arith.addi %add3A_3, %mul3A_2 : i32
    %add3A_5 = arith.constant 0 : i32
    %add3A_6 = arith.addi %add3A_4, %add3A_5 : i32
    %run_scoped3A = arith.constant 0 : i32
    "tpu.region"() ({
      %run_scoped3A_13 = tpu.sem_alloc : memref<!tpu.dma_semaphore, #tpu.memory_space<semaphore_mem>>
      %dma_start3A_14 = tpu.memref_slice %arg3[%run_scoped3A, %add3A_6] : memref<4x8192xi32, #tpu.memory_space<hbm>> -> memref<1x128xi32, #tpu.memory_space<hbm>>
      %dma_start3A_15 = tpu.memref_squeeze %dma_start3A_14 : memref<1x128xi32, #tpu.memory_space<hbm>> -> memref<128xi32, #tpu.memory_space<hbm>>
      %dma_start3A_16 = tpu.memref_slice %arg3[%run_scoped3A, %add3A_6] : memref<4x8192xi32, #tpu.memory_space<hbm>> -> memref<1x128xi32, #tpu.memory_space<hbm>>
      %dma_start3A_17 = tpu.memref_squeeze %dma_start3A_16 : memref<1x128xi32, #tpu.memory_space<hbm>> -> memref<128xi32, #tpu.memory_space<hbm>>
      tpu.enqueue_dma source(%dma_start3A_17 : memref<128xi32, #tpu.memory_space<hbm>>) target(%arg5 : memref<128xi32, #tpu.memory_space<vmem>>) target_semaphore(%run_scoped3A_13 : memref<!tpu.dma_semaphore, #tpu.memory_space<semaphore_mem>>)
      %dma_wait3A_18 = tpu.memref_slice %arg3[%run_scoped3A, %add3A_6] : memref<4x8192xi32, #tpu.memory_space<hbm>> -> memref<1x128xi32, #tpu.memory_space<hbm>>
      %dma_wait3A_19 = tpu.memref_squeeze %dma_wait3A_18 : memref<1x128xi32, #tpu.memory_space<hbm>> -> memref<128xi32, #tpu.memory_space<hbm>>
      %dma_wait3A_20 = tpu.memref_slice %arg3[%run_scoped3A, %add3A_6] : memref<4x8192xi32, #tpu.memory_space<hbm>> -> memref<1x128xi32, #tpu.memory_space<hbm>>
      %dma_wait3A_21 = tpu.memref_squeeze %dma_wait3A_20 : memref<1x128xi32, #tpu.memory_space<hbm>> -> memref<128xi32, #tpu.memory_space<hbm>>
      tpu.wait_dma2 semaphore(%run_scoped3A_13 : memref<!tpu.dma_semaphore, #tpu.memory_space<semaphore_mem>>) src(%dma_wait3A_21 : memref<128xi32, #tpu.memory_space<hbm>>) dst(%arg5 : memref<128xi32, #tpu.memory_space<vmem>>)
      tpu.yield
    }) : () -> ()
    %dma_start3A = arith.constant 0 : i32
    %dma_start3A_7 = arith.constant 0 : i32
    %dma_start3A_8 = tpu.memref_slice %arg2[%dma_start3A, %dma_start3A_7] : memref<50368x768xf32, #tpu.memory_space<hbm>> -> memref<50368x768xf32, #tpu.memory_space<hbm>>
    tpu.enqueue_indirect_dma source(%dma_start3A_8 : memref<50368x768xf32, #tpu.memory_space<hbm>>) target(%arg6 : memref<128x768xf32, #tpu.memory_space<vmem>>) offsets(%arg5 : memref<128xi32, #tpu.memory_space<vmem>>) semaphore(%arg7 : memref<!tpu.dma_semaphore, #tpu.memory_space<semaphore_mem>>)
    %dma_wait3A = arith.constant 0 : i32
    %dma_wait3A_9 = arith.constant 0 : i32
    %dma_wait3A_10 = tpu.memref_slice %arg2[%dma_wait3A, %dma_wait3A_9] : memref<50368x768xf32, #tpu.memory_space<hbm>> -> memref<50368x768xf32, #tpu.memory_space<hbm>>
    tpu.wait_indirect_dma semaphore(%arg7 : memref<!tpu.dma_semaphore, #tpu.memory_space<semaphore_mem>>) src(%dma_wait3A_10 : memref<50368x768xf32, #tpu.memory_space<hbm>>) dst(%arg6 : memref<128x768xf32, #tpu.memory_space<vmem>>)
    %add3A_11 = arith.constant 0 : i32
    %add3A_12 = arith.addi %mul3A_2, %add3A_11 : i32
    "tpu.region"() ({
      %run_scoped3A_13 = tpu.sem_alloc : memref<!tpu.dma_semaphore, #tpu.memory_space<semaphore_mem>>
      %dma_start3A_14 = arith.constant 0 : i32
      %dma_start3A_15 = tpu.memref_slice %arg4[%add3A_12, %dma_start3A_14] : memref<4096x768xf32, #tpu.memory_space<hbm>> -> memref<128x768xf32, #tpu.memory_space<hbm>>
      %dma_start3A_16 = arith.constant 0 : i32
      %dma_start3A_17 = tpu.memref_slice %arg4[%add3A_12, %dma_start3A_16] : memref<4096x768xf32, #tpu.memory_space<hbm>> -> memref<128x768xf32, #tpu.memory_space<hbm>>
      tpu.enqueue_dma source(%arg6 : memref<128x768xf32, #tpu.memory_space<vmem>>) target(%dma_start3A_17 : memref<128x768xf32, #tpu.memory_space<hbm>>) target_semaphore(%run_scoped3A_13 : memref<!tpu.dma_semaphore, #tpu.memory_space<semaphore_mem>>)
      %dma_wait3A_18 = arith.constant 0 : i32
      %dma_wait3A_19 = tpu.memref_slice %arg4[%add3A_12, %dma_wait3A_18] : memref<4096x768xf32, #tpu.memory_space<hbm>> -> memref<128x768xf32, #tpu.memory_space<hbm>>
      %dma_wait3A_20 = arith.constant 0 : i32
      %dma_wait3A_21 = tpu.memref_slice %arg4[%add3A_12, %dma_wait3A_20] : memref<4096x768xf32, #tpu.memory_space<hbm>> -> memref<128x768xf32, #tpu.memory_space<hbm>>
      tpu.wait_dma2 semaphore(%run_scoped3A_13 : memref<!tpu.dma_semaphore, #tpu.memory_space<semaphore_mem>>) src(%arg6 : memref<128x768xf32, #tpu.memory_space<vmem>>) dst(%dma_wait3A_21 : memref<128x768xf32, #tpu.memory_space<hbm>>)
      tpu.yield
    }) : () -> ()
    return
  }
}

#map = affine_map<(d0, d1) -> (0, 0)>
module attributes {stable_mosaic.version = 14 : i64} {
  func.func @gather_kernel(%arg0: i32, %arg1: i32, %arg2: memref<50368x768xf32, #tpu.memory_space<hbm>>, %arg3: memref<4x8192xi32, #tpu.memory_space<hbm>>, %arg4: memref<8192x768xf32, #tpu.memory_space<hbm>>, %arg5: memref<128xi32, #tpu.memory_space<vmem>>, %arg6: memref<128x768xf32, #tpu.memory_space<vmem>>, %arg7: memref<!tpu.dma_semaphore, #tpu.memory_space<semaphore_mem>>) attributes {dimension_semantics = [#tpu.dimension_semantics<core_parallel>, #tpu.dimension_semantics<subcore_parallel>], iteration_bounds = array<i64: 2, 16>, scalar_prefetch = 0 : i64, scratch_operands = 3 : i64, tpu.core_type = #tpu.core_type<sc_vector_subcore>, window_params = [{transform_indices = #map}, {transform_indices = #map}, {transform_indices = #map}]} {
    %mul3A = arith.constant 2 : i32
    %mul3A_0 = arith.muli %arg1, %mul3A : i32
    %add3A = arith.addi %mul3A_0, %arg0 : i32
    %mul3A_1 = arith.constant 256 : i32
    %mul3A_2 = arith.muli %add3A, %mul3A_1 : i32
    %add3A_3 = arith.constant 0 : i32
    %add3A_4 = arith.addi %add3A_3, %mul3A_2 : i32
    %add3A_5 = arith.constant 0 : i32
    %add3A_6 = arith.addi %add3A_4, %add3A_5 : i32
    %run_scoped3A = arith.constant 2 : i32
    "tpu.region"() ({
      %run_scoped3A_26 = tpu.sem_alloc : memref<!tpu.dma_semaphore, #tpu.memory_space<semaphore_mem>>
      %dma_start3A_27 = tpu.memref_slice %arg3[%run_scoped3A, %add3A_6] : memref<4x8192xi32, #tpu.memory_space<hbm>> -> memref<1x128xi32, #tpu.memory_space<hbm>>
      %dma_start3A_28 = tpu.memref_squeeze %dma_start3A_27 : memref<1x128xi32, #tpu.memory_space<hbm>> -> memref<128xi32, #tpu.memory_space<hbm>>
      %dma_start3A_29 = tpu.memref_slice %arg3[%run_scoped3A, %add3A_6] : memref<4x8192xi32, #tpu.memory_space<hbm>> -> memref<1x128xi32, #tpu.memory_space<hbm>>
      %dma_start3A_30 = tpu.memref_squeeze %dma_start3A_29 : memref<1x128xi32, #tpu.memory_space<hbm>> -> memref<128xi32, #tpu.memory_space<hbm>>
      tpu.enqueue_dma source(%dma_start3A_30 : memref<128xi32, #tpu.memory_space<hbm>>) target(%arg5 : memref<128xi32, #tpu.memory_space<vmem>>) target_semaphore(%run_scoped3A_26 : memref<!tpu.dma_semaphore, #tpu.memory_space<semaphore_mem>>)
      %dma_wait3A_31 = tpu.memref_slice %arg3[%run_scoped3A, %add3A_6] : memref<4x8192xi32, #tpu.memory_space<hbm>> -> memref<1x128xi32, #tpu.memory_space<hbm>>
      %dma_wait3A_32 = tpu.memref_squeeze %dma_wait3A_31 : memref<1x128xi32, #tpu.memory_space<hbm>> -> memref<128xi32, #tpu.memory_space<hbm>>
      %dma_wait3A_33 = tpu.memref_slice %arg3[%run_scoped3A, %add3A_6] : memref<4x8192xi32, #tpu.memory_space<hbm>> -> memref<1x128xi32, #tpu.memory_space<hbm>>
      %dma_wait3A_34 = tpu.memref_squeeze %dma_wait3A_33 : memref<1x128xi32, #tpu.memory_space<hbm>> -> memref<128xi32, #tpu.memory_space<hbm>>
      tpu.wait_dma2 semaphore(%run_scoped3A_26 : memref<!tpu.dma_semaphore, #tpu.memory_space<semaphore_mem>>) src(%dma_wait3A_34 : memref<128xi32, #tpu.memory_space<hbm>>) dst(%arg5 : memref<128xi32, #tpu.memory_space<vmem>>)
      tpu.yield
    }) : () -> ()
    %dma_start3A = arith.constant 0 : i32
    %dma_start3A_7 = arith.constant 0 : i32
    %dma_start3A_8 = tpu.memref_slice %arg2[%dma_start3A, %dma_start3A_7] : memref<50368x768xf32, #tpu.memory_space<hbm>> -> memref<50368x768xf32, #tpu.memory_space<hbm>>
    tpu.enqueue_indirect_dma source(%dma_start3A_8 : memref<50368x768xf32, #tpu.memory_space<hbm>>) target(%arg6 : memref<128x768xf32, #tpu.memory_space<vmem>>) offsets(%arg5 : memref<128xi32, #tpu.memory_space<vmem>>) semaphore(%arg7 : memref<!tpu.dma_semaphore, #tpu.memory_space<semaphore_mem>>)
    %dma_wait3A = arith.constant 0 : i32
    %dma_wait3A_9 = arith.constant 0 : i32
    %dma_wait3A_10 = tpu.memref_slice %arg2[%dma_wait3A, %dma_wait3A_9] : memref<50368x768xf32, #tpu.memory_space<hbm>> -> memref<50368x768xf32, #tpu.memory_space<hbm>>
    tpu.wait_indirect_dma semaphore(%arg7 : memref<!tpu.dma_semaphore, #tpu.memory_space<semaphore_mem>>) src(%dma_wait3A_10 : memref<50368x768xf32, #tpu.memory_space<hbm>>) dst(%arg6 : memref<128x768xf32, #tpu.memory_space<vmem>>)
    %add3A_11 = arith.constant 0 : i32
    %add3A_12 = arith.addi %mul3A_2, %add3A_11 : i32
    "tpu.region"() ({
      %run_scoped3A_26 = tpu.sem_alloc : memref<!tpu.dma_semaphore, #tpu.memory_space<semaphore_mem>>
      %dma_start3A_27 = arith.constant 0 : i32
      %dma_start3A_28 = tpu.memref_slice %arg4[%add3A_12, %dma_start3A_27] : memref<8192x768xf32, #tpu.memory_space<hbm>> -> memref<128x768xf32, #tpu.memory_space<hbm>>
      %dma_start3A_29 = arith.constant 0 : i32
      %dma_start3A_30 = tpu.memref_slice %arg4[%add3A_12, %dma_start3A_29] : memref<8192x768xf32, #tpu.memory_space<hbm>> -> memref<128x768xf32, #tpu.memory_space<hbm>>
      tpu.enqueue_dma source(%arg6 : memref<128x768xf32, #tpu.memory_space<vmem>>) target(%dma_start3A_30 : memref<128x768xf32, #tpu.memory_space<hbm>>) target_semaphore(%run_scoped3A_26 : memref<!tpu.dma_semaphore, #tpu.memory_space<semaphore_mem>>)
      %dma_wait3A_31 = arith.constant 0 : i32
      %dma_wait3A_32 = tpu.memref_slice %arg4[%add3A_12, %dma_wait3A_31] : memref<8192x768xf32, #tpu.memory_space<hbm>> -> memref<128x768xf32, #tpu.memory_space<hbm>>
      %dma_wait3A_33 = arith.constant 0 : i32
      %dma_wait3A_34 = tpu.memref_slice %arg4[%add3A_12, %dma_wait3A_33] : memref<8192x768xf32, #tpu.memory_space<hbm>> -> memref<128x768xf32, #tpu.memory_space<hbm>>
      tpu.wait_dma2 semaphore(%run_scoped3A_26 : memref<!tpu.dma_semaphore, #tpu.memory_space<semaphore_mem>>) src(%arg6 : memref<128x768xf32, #tpu.memory_space<vmem>>) dst(%dma_wait3A_34 : memref<128x768xf32, #tpu.memory_space<hbm>>)
      tpu.yield
    }) : () -> ()
    %add3A_13 = arith.constant 0 : i32
    %add3A_14 = arith.addi %add3A_13, %mul3A_2 : i32
    %add3A_15 = arith.constant 128 : i32
    %add3A_16 = arith.addi %add3A_14, %add3A_15 : i32
    %run_scoped3A_17 = arith.constant 2 : i32
    "tpu.region"() ({
      %run_scoped3A_26 = tpu.sem_alloc : memref<!tpu.dma_semaphore, #tpu.memory_space<semaphore_mem>>
      %dma_start3A_27 = tpu.memref_slice %arg3[%run_scoped3A_17, %add3A_16] : memref<4x8192xi32, #tpu.memory_space<hbm>> -> memref<1x128xi32, #tpu.memory_space<hbm>>
      %dma_start3A_28 = tpu.memref_squeeze %dma_start3A_27 : memref<1x128xi32, #tpu.memory_space<hbm>> -> memref<128xi32, #tpu.memory_space<hbm>>
      %dma_start3A_29 = tpu.memref_slice %arg3[%run_scoped3A_17, %add3A_16] : memref<4x8192xi32, #tpu.memory_space<hbm>> -> memref<1x128xi32, #tpu.memory_space<hbm>>
      %dma_start3A_30 = tpu.memref_squeeze %dma_start3A_29 : memref<1x128xi32, #tpu.memory_space<hbm>> -> memref<128xi32, #tpu.memory_space<hbm>>
      tpu.enqueue_dma source(%dma_start3A_30 : memref<128xi32, #tpu.memory_space<hbm>>) target(%arg5 : memref<128xi32, #tpu.memory_space<vmem>>) target_semaphore(%run_scoped3A_26 : memref<!tpu.dma_semaphore, #tpu.memory_space<semaphore_mem>>)
      %dma_wait3A_31 = tpu.memref_slice %arg3[%run_scoped3A_17, %add3A_16] : memref<4x8192xi32, #tpu.memory_space<hbm>> -> memref<1x128xi32, #tpu.memory_space<hbm>>
      %dma_wait3A_32 = tpu.memref_squeeze %dma_wait3A_31 : memref<1x128xi32, #tpu.memory_space<hbm>> -> memref<128xi32, #tpu.memory_space<hbm>>
      %dma_wait3A_33 = tpu.memref_slice %arg3[%run_scoped3A_17, %add3A_16] : memref<4x8192xi32, #tpu.memory_space<hbm>> -> memref<1x128xi32, #tpu.memory_space<hbm>>
      %dma_wait3A_34 = tpu.memref_squeeze %dma_wait3A_33 : memref<1x128xi32, #tpu.memory_space<hbm>> -> memref<128xi32, #tpu.memory_space<hbm>>
      tpu.wait_dma2 semaphore(%run_scoped3A_26 : memref<!tpu.dma_semaphore, #tpu.memory_space<semaphore_mem>>) src(%dma_wait3A_34 : memref<128xi32, #tpu.memory_space<hbm>>) dst(%arg5 : memref<128xi32, #tpu.memory_space<vmem>>)
      tpu.yield
    }) : () -> ()
    %dma_start3A_18 = arith.constant 0 : i32
    %dma_start3A_19 = arith.constant 0 : i32
    %dma_start3A_20 = tpu.memref_slice %arg2[%dma_start3A_18, %dma_start3A_19] : memref<50368x768xf32, #tpu.memory_space<hbm>> -> memref<50368x768xf32, #tpu.memory_space<hbm>>
    tpu.enqueue_indirect_dma source(%dma_start3A_20 : memref<50368x768xf32, #tpu.memory_space<hbm>>) target(%arg6 : memref<128x768xf32, #tpu.memory_space<vmem>>) offsets(%arg5 : memref<128xi32, #tpu.memory_space<vmem>>) semaphore(%arg7 : memref<!tpu.dma_semaphore, #tpu.memory_space<semaphore_mem>>)
    %dma_wait3A_21 = arith.constant 0 : i32
    %dma_wait3A_22 = arith.constant 0 : i32
    %dma_wait3A_23 = tpu.memref_slice %arg2[%dma_wait3A_21, %dma_wait3A_22] : memref<50368x768xf32, #tpu.memory_space<hbm>> -> memref<50368x768xf32, #tpu.memory_space<hbm>>
    tpu.wait_indirect_dma semaphore(%arg7 : memref<!tpu.dma_semaphore, #tpu.memory_space<semaphore_mem>>) src(%dma_wait3A_23 : memref<50368x768xf32, #tpu.memory_space<hbm>>) dst(%arg6 : memref<128x768xf32, #tpu.memory_space<vmem>>)
    %add3A_24 = arith.constant 128 : i32
    %add3A_25 = arith.addi %mul3A_2, %add3A_24 : i32
    "tpu.region"() ({
      %run_scoped3A_26 = tpu.sem_alloc : memref<!tpu.dma_semaphore, #tpu.memory_space<semaphore_mem>>
      %dma_start3A_27 = arith.constant 0 : i32
      %dma_start3A_28 = tpu.memref_slice %arg4[%add3A_25, %dma_start3A_27] : memref<8192x768xf32, #tpu.memory_space<hbm>> -> memref<128x768xf32, #tpu.memory_space<hbm>>
      %dma_start3A_29 = arith.constant 0 : i32
      %dma_start3A_30 = tpu.memref_slice %arg4[%add3A_25, %dma_start3A_29] : memref<8192x768xf32, #tpu.memory_space<hbm>> -> memref<128x768xf32, #tpu.memory_space<hbm>>
      tpu.enqueue_dma source(%arg6 : memref<128x768xf32, #tpu.memory_space<vmem>>) target(%dma_start3A_30 : memref<128x768xf32, #tpu.memory_space<hbm>>) target_semaphore(%run_scoped3A_26 : memref<!tpu.dma_semaphore, #tpu.memory_space<semaphore_mem>>)
      %dma_wait3A_31 = arith.constant 0 : i32
      %dma_wait3A_32 = tpu.memref_slice %arg4[%add3A_25, %dma_wait3A_31] : memref<8192x768xf32, #tpu.memory_space<hbm>> -> memref<128x768xf32, #tpu.memory_space<hbm>>
      %dma_wait3A_33 = arith.constant 0 : i32
      %dma_wait3A_34 = tpu.memref_slice %arg4[%add3A_25, %dma_wait3A_33] : memref<8192x768xf32, #tpu.memory_space<hbm>> -> memref<128x768xf32, #tpu.memory_space<hbm>>
      tpu.wait_dma2 semaphore(%run_scoped3A_26 : memref<!tpu.dma_semaphore, #tpu.memory_space<semaphore_mem>>) src(%arg6 : memref<128x768xf32, #tpu.memory_space<vmem>>) dst(%dma_wait3A_34 : memref<128x768xf32, #tpu.memory_space<hbm>>)
      tpu.yield
    }) : () -> ()
    return
  }
}

#map = affine_map<(d0, d1) -> (0, 0)>
module attributes {stable_mosaic.version = 14 : i64} {
  func.func @gather_kernel(%arg0: i32, %arg1: i32, %arg2: memref<50368x768xf32, #tpu.memory_space<hbm>>, %arg3: memref<4x8192xi32, #tpu.memory_space<hbm>>, %arg4: memref<8192x768xf32, #tpu.memory_space<hbm>>, %arg5: memref<128xi32, #tpu.memory_space<vmem>>, %arg6: memref<128x768xf32, #tpu.memory_space<vmem>>, %arg7: memref<!tpu.dma_semaphore, #tpu.memory_space<semaphore_mem>>) attributes {dimension_semantics = [#tpu.dimension_semantics<core_parallel>, #tpu.dimension_semantics<subcore_parallel>], iteration_bounds = array<i64: 2, 16>, scalar_prefetch = 0 : i64, scratch_operands = 3 : i64, tpu.core_type = #tpu.core_type<sc_vector_subcore>, window_params = [{transform_indices = #map}, {transform_indices = #map}, {transform_indices = #map}]} {
    %mul3A = arith.constant 2 : i32
    %mul3A_0 = arith.muli %arg1, %mul3A : i32
    %add3A = arith.addi %mul3A_0, %arg0 : i32
    %mul3A_1 = arith.constant 256 : i32
    %mul3A_2 = arith.muli %add3A, %mul3A_1 : i32
    %add3A_3 = arith.constant 0 : i32
    %add3A_4 = arith.addi %add3A_3, %mul3A_2 : i32
    %add3A_5 = arith.constant 0 : i32
    %add3A_6 = arith.addi %add3A_4, %add3A_5 : i32
    %run_scoped3A = arith.constant 1 : i32
    "tpu.region"() ({
      %run_scoped3A_26 = tpu.sem_alloc : memref<!tpu.dma_semaphore, #tpu.memory_space<semaphore_mem>>
      %dma_start3A_27 = tpu.memref_slice %arg3[%run_scoped3A, %add3A_6] : memref<4x8192xi32, #tpu.memory_space<hbm>> -> memref<1x128xi32, #tpu.memory_space<hbm>>
      %dma_start3A_28 = tpu.memref_squeeze %dma_start3A_27 : memref<1x128xi32, #tpu.memory_space<hbm>> -> memref<128xi32, #tpu.memory_space<hbm>>
      %dma_start3A_29 = tpu.memref_slice %arg3[%run_scoped3A, %add3A_6] : memref<4x8192xi32, #tpu.memory_space<hbm>> -> memref<1x128xi32, #tpu.memory_space<hbm>>
      %dma_start3A_30 = tpu.memref_squeeze %dma_start3A_29 : memref<1x128xi32, #tpu.memory_space<hbm>> -> memref<128xi32, #tpu.memory_space<hbm>>
      tpu.enqueue_dma source(%dma_start3A_30 : memref<128xi32, #tpu.memory_space<hbm>>) target(%arg5 : memref<128xi32, #tpu.memory_space<vmem>>) target_semaphore(%run_scoped3A_26 : memref<!tpu.dma_semaphore, #tpu.memory_space<semaphore_mem>>)
      %dma_wait3A_31 = tpu.memref_slice %arg3[%run_scoped3A, %add3A_6] : memref<4x8192xi32, #tpu.memory_space<hbm>> -> memref<1x128xi32, #tpu.memory_space<hbm>>
      %dma_wait3A_32 = tpu.memref_squeeze %dma_wait3A_31 : memref<1x128xi32, #tpu.memory_space<hbm>> -> memref<128xi32, #tpu.memory_space<hbm>>
      %dma_wait3A_33 = tpu.memref_slice %arg3[%run_scoped3A, %add3A_6] : memref<4x8192xi32, #tpu.memory_space<hbm>> -> memref<1x128xi32, #tpu.memory_space<hbm>>
      %dma_wait3A_34 = tpu.memref_squeeze %dma_wait3A_33 : memref<1x128xi32, #tpu.memory_space<hbm>> -> memref<128xi32, #tpu.memory_space<hbm>>
      tpu.wait_dma2 semaphore(%run_scoped3A_26 : memref<!tpu.dma_semaphore, #tpu.memory_space<semaphore_mem>>) src(%dma_wait3A_34 : memref<128xi32, #tpu.memory_space<hbm>>) dst(%arg5 : memref<128xi32, #tpu.memory_space<vmem>>)
      tpu.yield
    }) : () -> ()
    %dma_start3A = arith.constant 0 : i32
    %dma_start3A_7 = arith.constant 0 : i32
    %dma_start3A_8 = tpu.memref_slice %arg2[%dma_start3A, %dma_start3A_7] : memref<50368x768xf32, #tpu.memory_space<hbm>> -> memref<50368x768xf32, #tpu.memory_space<hbm>>
    tpu.enqueue_indirect_dma source(%dma_start3A_8 : memref<50368x768xf32, #tpu.memory_space<hbm>>) target(%arg6 : memref<128x768xf32, #tpu.memory_space<vmem>>) offsets(%arg5 : memref<128xi32, #tpu.memory_space<vmem>>) semaphore(%arg7 : memref<!tpu.dma_semaphore, #tpu.memory_space<semaphore_mem>>)
    %dma_wait3A = arith.constant 0 : i32
    %dma_wait3A_9 = arith.constant 0 : i32
    %dma_wait3A_10 = tpu.memref_slice %arg2[%dma_wait3A, %dma_wait3A_9] : memref<50368x768xf32, #tpu.memory_space<hbm>> -> memref<50368x768xf32, #tpu.memory_space<hbm>>
    tpu.wait_indirect_dma semaphore(%arg7 : memref<!tpu.dma_semaphore, #tpu.memory_space<semaphore_mem>>) src(%dma_wait3A_10 : memref<50368x768xf32, #tpu.memory_space<hbm>>) dst(%arg6 : memref<128x768xf32, #tpu.memory_space<vmem>>)
    %add3A_11 = arith.constant 0 : i32
    %add3A_12 = arith.addi %mul3A_2, %add3A_11 : i32
    "tpu.region"() ({
      %run_scoped3A_26 = tpu.sem_alloc : memref<!tpu.dma_semaphore, #tpu.memory_space<semaphore_mem>>
      %dma_start3A_27 = arith.constant 0 : i32
      %dma_start3A_28 = tpu.memref_slice %arg4[%add3A_12, %dma_start3A_27] : memref<8192x768xf32, #tpu.memory_space<hbm>> -> memref<128x768xf32, #tpu.memory_space<hbm>>
      %dma_start3A_29 = arith.constant 0 : i32
      %dma_start3A_30 = tpu.memref_slice %arg4[%add3A_12, %dma_start3A_29] : memref<8192x768xf32, #tpu.memory_space<hbm>> -> memref<128x768xf32, #tpu.memory_space<hbm>>
      tpu.enqueue_dma source(%arg6 : memref<128x768xf32, #tpu.memory_space<vmem>>) target(%dma_start3A_30 : memref<128x768xf32, #tpu.memory_space<hbm>>) target_semaphore(%run_scoped3A_26 : memref<!tpu.dma_semaphore, #tpu.memory_space<semaphore_mem>>)
      %dma_wait3A_31 = arith.constant 0 : i32
      %dma_wait3A_32 = tpu.memref_slice %arg4[%add3A_12, %dma_wait3A_31] : memref<8192x768xf32, #tpu.memory_space<hbm>> -> memref<128x768xf32, #tpu.memory_space<hbm>>
      %dma_wait3A_33 = arith.constant 0 : i32
      %dma_wait3A_34 = tpu.memref_slice %arg4[%add3A_12, %dma_wait3A_33] : memref<8192x768xf32, #tpu.memory_space<hbm>> -> memref<128x768xf32, #tpu.memory_space<hbm>>
      tpu.wait_dma2 semaphore(%run_scoped3A_26 : memref<!tpu.dma_semaphore, #tpu.memory_space<semaphore_mem>>) src(%arg6 : memref<128x768xf32, #tpu.memory_space<vmem>>) dst(%dma_wait3A_34 : memref<128x768xf32, #tpu.memory_space<hbm>>)
      tpu.yield
    }) : () -> ()
    %add3A_13 = arith.constant 0 : i32
    %add3A_14 = arith.addi %add3A_13, %mul3A_2 : i32
    %add3A_15 = arith.constant 128 : i32
    %add3A_16 = arith.addi %add3A_14, %add3A_15 : i32
    %run_scoped3A_17 = arith.constant 1 : i32
    "tpu.region"() ({
      %run_scoped3A_26 = tpu.sem_alloc : memref<!tpu.dma_semaphore, #tpu.memory_space<semaphore_mem>>
      %dma_start3A_27 = tpu.memref_slice %arg3[%run_scoped3A_17, %add3A_16] : memref<4x8192xi32, #tpu.memory_space<hbm>> -> memref<1x128xi32, #tpu.memory_space<hbm>>
      %dma_start3A_28 = tpu.memref_squeeze %dma_start3A_27 : memref<1x128xi32, #tpu.memory_space<hbm>> -> memref<128xi32, #tpu.memory_space<hbm>>
      %dma_start3A_29 = tpu.memref_slice %arg3[%run_scoped3A_17, %add3A_16] : memref<4x8192xi32, #tpu.memory_space<hbm>> -> memref<1x128xi32, #tpu.memory_space<hbm>>
      %dma_start3A_30 = tpu.memref_squeeze %dma_start3A_29 : memref<1x128xi32, #tpu.memory_space<hbm>> -> memref<128xi32, #tpu.memory_space<hbm>>
      tpu.enqueue_dma source(%dma_start3A_30 : memref<128xi32, #tpu.memory_space<hbm>>) target(%arg5 : memref<128xi32, #tpu.memory_space<vmem>>) target_semaphore(%run_scoped3A_26 : memref<!tpu.dma_semaphore, #tpu.memory_space<semaphore_mem>>)
      %dma_wait3A_31 = tpu.memref_slice %arg3[%run_scoped3A_17, %add3A_16] : memref<4x8192xi32, #tpu.memory_space<hbm>> -> memref<1x128xi32, #tpu.memory_space<hbm>>
      %dma_wait3A_32 = tpu.memref_squeeze %dma_wait3A_31 : memref<1x128xi32, #tpu.memory_space<hbm>> -> memref<128xi32, #tpu.memory_space<hbm>>
      %dma_wait3A_33 = tpu.memref_slice %arg3[%run_scoped3A_17, %add3A_16] : memref<4x8192xi32, #tpu.memory_space<hbm>> -> memref<1x128xi32, #tpu.memory_space<hbm>>
      %dma_wait3A_34 = tpu.memref_squeeze %dma_wait3A_33 : memref<1x128xi32, #tpu.memory_space<hbm>> -> memref<128xi32, #tpu.memory_space<hbm>>
      tpu.wait_dma2 semaphore(%run_scoped3A_26 : memref<!tpu.dma_semaphore, #tpu.memory_space<semaphore_mem>>) src(%dma_wait3A_34 : memref<128xi32, #tpu.memory_space<hbm>>) dst(%arg5 : memref<128xi32, #tpu.memory_space<vmem>>)
      tpu.yield
    }) : () -> ()
    %dma_start3A_18 = arith.constant 0 : i32
    %dma_start3A_19 = arith.constant 0 : i32
    %dma_start3A_20 = tpu.memref_slice %arg2[%dma_start3A_18, %dma_start3A_19] : memref<50368x768xf32, #tpu.memory_space<hbm>> -> memref<50368x768xf32, #tpu.memory_space<hbm>>
    tpu.enqueue_indirect_dma source(%dma_start3A_20 : memref<50368x768xf32, #tpu.memory_space<hbm>>) target(%arg6 : memref<128x768xf32, #tpu.memory_space<vmem>>) offsets(%arg5 : memref<128xi32, #tpu.memory_space<vmem>>) semaphore(%arg7 : memref<!tpu.dma_semaphore, #tpu.memory_space<semaphore_mem>>)
    %dma_wait3A_21 = arith.constant 0 : i32
    %dma_wait3A_22 = arith.constant 0 : i32
    %dma_wait3A_23 = tpu.memref_slice %arg2[%dma_wait3A_21, %dma_wait3A_22] : memref<50368x768xf32, #tpu.memory_space<hbm>> -> memref<50368x768xf32, #tpu.memory_space<hbm>>
    tpu.wait_indirect_dma semaphore(%arg7 : memref<!tpu.dma_semaphore, #tpu.memory_space<semaphore_mem>>) src(%dma_wait3A_23 : memref<50368x768xf32, #tpu.memory_space<hbm>>) dst(%arg6 : memref<128x768xf32, #tpu.memory_space<vmem>>)
    %add3A_24 = arith.constant 128 : i32
    %add3A_25 = arith.addi %mul3A_2, %add3A_24 : i32
    "tpu.region"() ({
      %run_scoped3A_26 = tpu.sem_alloc : memref<!tpu.dma_semaphore, #tpu.memory_space<semaphore_mem>>
      %dma_start3A_27 = arith.constant 0 : i32
      %dma_start3A_28 = tpu.memref_slice %arg4[%add3A_25, %dma_start3A_27] : memref<8192x768xf32, #tpu.memory_space<hbm>> -> memref<128x768xf32, #tpu.memory_space<hbm>>
      %dma_start3A_29 = arith.constant 0 : i32
      %dma_start3A_30 = tpu.memref_slice %arg4[%add3A_25, %dma_start3A_29] : memref<8192x768xf32, #tpu.memory_space<hbm>> -> memref<128x768xf32, #tpu.memory_space<hbm>>
      tpu.enqueue_dma source(%arg6 : memref<128x768xf32, #tpu.memory_space<vmem>>) target(%dma_start3A_30 : memref<128x768xf32, #tpu.memory_space<hbm>>) target_semaphore(%run_scoped3A_26 : memref<!tpu.dma_semaphore, #tpu.memory_space<semaphore_mem>>)
      %dma_wait3A_31 = arith.constant 0 : i32
      %dma_wait3A_32 = tpu.memref_slice %arg4[%add3A_25, %dma_wait3A_31] : memref<8192x768xf32, #tpu.memory_space<hbm>> -> memref<128x768xf32, #tpu.memory_space<hbm>>
      %dma_wait3A_33 = arith.constant 0 : i32
      %dma_wait3A_34 = tpu.memref_slice %arg4[%add3A_25, %dma_wait3A_33] : memref<8192x768xf32, #tpu.memory_space<hbm>> -> memref<128x768xf32, #tpu.memory_space<hbm>>
      tpu.wait_dma2 semaphore(%run_scoped3A_26 : memref<!tpu.dma_semaphore, #tpu.memory_space<semaphore_mem>>) src(%arg6 : memref<128x768xf32, #tpu.memory_space<vmem>>) dst(%dma_wait3A_34 : memref<128x768xf32, #tpu.memory_space<hbm>>)
      tpu.yield
    }) : () -> ()
    return
  }
}

#map = affine_map<(d0, d1) -> (0, 0)>
module attributes {stable_mosaic.version = 14 : i64} {
  func.func @gather_kernel(%arg0: i32, %arg1: i32, %arg2: memref<50368x768xf32, #tpu.memory_space<hbm>>, %arg3: memref<4x8192xi32, #tpu.memory_space<hbm>>, %arg4: memref<4096x768xf32, #tpu.memory_space<hbm>>, %arg5: memref<128xi32, #tpu.memory_space<vmem>>, %arg6: memref<128x768xf32, #tpu.memory_space<vmem>>, %arg7: memref<!tpu.dma_semaphore, #tpu.memory_space<semaphore_mem>>) attributes {dimension_semantics = [#tpu.dimension_semantics<core_parallel>, #tpu.dimension_semantics<subcore_parallel>], iteration_bounds = array<i64: 2, 16>, scalar_prefetch = 0 : i64, scratch_operands = 3 : i64, tpu.core_type = #tpu.core_type<sc_vector_subcore>, window_params = [{transform_indices = #map}, {transform_indices = #map}, {transform_indices = #map}]} {
    %mul3A = arith.constant 2 : i32
    %mul3A_0 = arith.muli %arg1, %mul3A : i32
    %add3A = arith.addi %mul3A_0, %arg0 : i32
    %mul3A_1 = arith.constant 128 : i32
    %mul3A_2 = arith.muli %add3A, %mul3A_1 : i32
    %add3A_3 = arith.constant 0 : i32
    %add3A_4 = arith.addi %add3A_3, %mul3A_2 : i32
    %add3A_5 = arith.constant 0 : i32
    %add3A_6 = arith.addi %add3A_4, %add3A_5 : i32
    %run_scoped3A = arith.constant 3 : i32
    "tpu.region"() ({
      %run_scoped3A_13 = tpu.sem_alloc : memref<!tpu.dma_semaphore, #tpu.memory_space<semaphore_mem>>
      %dma_start3A_14 = tpu.memref_slice %arg3[%run_scoped3A, %add3A_6] : memref<4x8192xi32, #tpu.memory_space<hbm>> -> memref<1x128xi32, #tpu.memory_space<hbm>>
      %dma_start3A_15 = tpu.memref_squeeze %dma_start3A_14 : memref<1x128xi32, #tpu.memory_space<hbm>> -> memref<128xi32, #tpu.memory_space<hbm>>
      %dma_start3A_16 = tpu.memref_slice %arg3[%run_scoped3A, %add3A_6] : memref<4x8192xi32, #tpu.memory_space<hbm>> -> memref<1x128xi32, #tpu.memory_space<hbm>>
      %dma_start3A_17 = tpu.memref_squeeze %dma_start3A_16 : memref<1x128xi32, #tpu.memory_space<hbm>> -> memref<128xi32, #tpu.memory_space<hbm>>
      tpu.enqueue_dma source(%dma_start3A_17 : memref<128xi32, #tpu.memory_space<hbm>>) target(%arg5 : memref<128xi32, #tpu.memory_space<vmem>>) target_semaphore(%run_scoped3A_13 : memref<!tpu.dma_semaphore, #tpu.memory_space<semaphore_mem>>)
      %dma_wait3A_18 = tpu.memref_slice %arg3[%run_scoped3A, %add3A_6] : memref<4x8192xi32, #tpu.memory_space<hbm>> -> memref<1x128xi32, #tpu.memory_space<hbm>>
      %dma_wait3A_19 = tpu.memref_squeeze %dma_wait3A_18 : memref<1x128xi32, #tpu.memory_space<hbm>> -> memref<128xi32, #tpu.memory_space<hbm>>
      %dma_wait3A_20 = tpu.memref_slice %arg3[%run_scoped3A, %add3A_6] : memref<4x8192xi32, #tpu.memory_space<hbm>> -> memref<1x128xi32, #tpu.memory_space<hbm>>
      %dma_wait3A_21 = tpu.memref_squeeze %dma_wait3A_20 : memref<1x128xi32, #tpu.memory_space<hbm>> -> memref<128xi32, #tpu.memory_space<hbm>>
      tpu.wait_dma2 semaphore(%run_scoped3A_13 : memref<!tpu.dma_semaphore, #tpu.memory_space<semaphore_mem>>) src(%dma_wait3A_21 : memref<128xi32, #tpu.memory_space<hbm>>) dst(%arg5 : memref<128xi32, #tpu.memory_space<vmem>>)
      tpu.yield
    }) : () -> ()
    %dma_start3A = arith.constant 0 : i32
    %dma_start3A_7 = arith.constant 0 : i32
    %dma_start3A_8 = tpu.memref_slice %arg2[%dma_start3A, %dma_start3A_7] : memref<50368x768xf32, #tpu.memory_space<hbm>> -> memref<50368x768xf32, #tpu.memory_space<hbm>>
    tpu.enqueue_indirect_dma source(%dma_start3A_8 : memref<50368x768xf32, #tpu.memory_space<hbm>>) target(%arg6 : memref<128x768xf32, #tpu.memory_space<vmem>>) offsets(%arg5 : memref<128xi32, #tpu.memory_space<vmem>>) semaphore(%arg7 : memref<!tpu.dma_semaphore, #tpu.memory_space<semaphore_mem>>)
    %dma_wait3A = arith.constant 0 : i32
    %dma_wait3A_9 = arith.constant 0 : i32
    %dma_wait3A_10 = tpu.memref_slice %arg2[%dma_wait3A, %dma_wait3A_9] : memref<50368x768xf32, #tpu.memory_space<hbm>> -> memref<50368x768xf32, #tpu.memory_space<hbm>>
    tpu.wait_indirect_dma semaphore(%arg7 : memref<!tpu.dma_semaphore, #tpu.memory_space<semaphore_mem>>) src(%dma_wait3A_10 : memref<50368x768xf32, #tpu.memory_space<hbm>>) dst(%arg6 : memref<128x768xf32, #tpu.memory_space<vmem>>)
    %add3A_11 = arith.constant 0 : i32
    %add3A_12 = arith.addi %mul3A_2, %add3A_11 : i32
    "tpu.region"() ({
      %run_scoped3A_13 = tpu.sem_alloc : memref<!tpu.dma_semaphore, #tpu.memory_space<semaphore_mem>>
      %dma_start3A_14 = arith.constant 0 : i32
      %dma_start3A_15 = tpu.memref_slice %arg4[%add3A_12, %dma_start3A_14] : memref<4096x768xf32, #tpu.memory_space<hbm>> -> memref<128x768xf32, #tpu.memory_space<hbm>>
      %dma_start3A_16 = arith.constant 0 : i32
      %dma_start3A_17 = tpu.memref_slice %arg4[%add3A_12, %dma_start3A_16] : memref<4096x768xf32, #tpu.memory_space<hbm>> -> memref<128x768xf32, #tpu.memory_space<hbm>>
      tpu.enqueue_dma source(%arg6 : memref<128x768xf32, #tpu.memory_space<vmem>>) target(%dma_start3A_17 : memref<128x768xf32, #tpu.memory_space<hbm>>) target_semaphore(%run_scoped3A_13 : memref<!tpu.dma_semaphore, #tpu.memory_space<semaphore_mem>>)
      %dma_wait3A_18 = arith.constant 0 : i32
      %dma_wait3A_19 = tpu.memref_slice %arg4[%add3A_12, %dma_wait3A_18] : memref<4096x768xf32, #tpu.memory_space<hbm>> -> memref<128x768xf32, #tpu.memory_space<hbm>>
      %dma_wait3A_20 = arith.constant 0 : i32
      %dma_wait3A_21 = tpu.memref_slice %arg4[%add3A_12, %dma_wait3A_20] : memref<4096x768xf32, #tpu.memory_space<hbm>> -> memref<128x768xf32, #tpu.memory_space<hbm>>
      tpu.wait_dma2 semaphore(%run_scoped3A_13 : memref<!tpu.dma_semaphore, #tpu.memory_space<semaphore_mem>>) src(%arg6 : memref<128x768xf32, #tpu.memory_space<vmem>>) dst(%dma_wait3A_21 : memref<128x768xf32, #tpu.memory_space<hbm>>)
      tpu.yield
    }) : () -> ()
    return
  }
}

#map = affine_map<(d0, d1) -> (0, 0)>
module attributes {stable_mosaic.version = 14 : i64} {
  func.func @gather_kernel(%arg0: i32, %arg1: i32, %arg2: memref<50368x768xf32, #tpu.memory_space<hbm>>, %arg3: memref<4x8192xi32, #tpu.memory_space<hbm>>, %arg4: memref<4096x768xf32, #tpu.memory_space<hbm>>, %arg5: memref<128xi32, #tpu.memory_space<vmem>>, %arg6: memref<128x768xf32, #tpu.memory_space<vmem>>, %arg7: memref<!tpu.dma_semaphore, #tpu.memory_space<semaphore_mem>>) attributes {dimension_semantics = [#tpu.dimension_semantics<core_parallel>, #tpu.dimension_semantics<subcore_parallel>], iteration_bounds = array<i64: 2, 16>, scalar_prefetch = 0 : i64, scratch_operands = 3 : i64, tpu.core_type = #tpu.core_type<sc_vector_subcore>, window_params = [{transform_indices = #map}, {transform_indices = #map}, {transform_indices = #map}]} {
    %mul3A = arith.constant 2 : i32
    %mul3A_0 = arith.muli %arg1, %mul3A : i32
    %add3A = arith.addi %mul3A_0, %arg0 : i32
    %mul3A_1 = arith.constant 128 : i32
    %mul3A_2 = arith.muli %add3A, %mul3A_1 : i32
    %add3A_3 = arith.constant 4096 : i32
    %add3A_4 = arith.addi %add3A_3, %mul3A_2 : i32
    %add3A_5 = arith.constant 0 : i32
    %add3A_6 = arith.addi %add3A_4, %add3A_5 : i32
    %run_scoped3A = arith.constant 3 : i32
    "tpu.region"() ({
      %run_scoped3A_13 = tpu.sem_alloc : memref<!tpu.dma_semaphore, #tpu.memory_space<semaphore_mem>>
      %dma_start3A_14 = tpu.memref_slice %arg3[%run_scoped3A, %add3A_6] : memref<4x8192xi32, #tpu.memory_space<hbm>> -> memref<1x128xi32, #tpu.memory_space<hbm>>
      %dma_start3A_15 = tpu.memref_squeeze %dma_start3A_14 : memref<1x128xi32, #tpu.memory_space<hbm>> -> memref<128xi32, #tpu.memory_space<hbm>>
      %dma_start3A_16 = tpu.memref_slice %arg3[%run_scoped3A, %add3A_6] : memref<4x8192xi32, #tpu.memory_space<hbm>> -> memref<1x128xi32, #tpu.memory_space<hbm>>
      %dma_start3A_17 = tpu.memref_squeeze %dma_start3A_16 : memref<1x128xi32, #tpu.memory_space<hbm>> -> memref<128xi32, #tpu.memory_space<hbm>>
      tpu.enqueue_dma source(%dma_start3A_17 : memref<128xi32, #tpu.memory_space<hbm>>) target(%arg5 : memref<128xi32, #tpu.memory_space<vmem>>) target_semaphore(%run_scoped3A_13 : memref<!tpu.dma_semaphore, #tpu.memory_space<semaphore_mem>>)
      %dma_wait3A_18 = tpu.memref_slice %arg3[%run_scoped3A, %add3A_6] : memref<4x8192xi32, #tpu.memory_space<hbm>> -> memref<1x128xi32, #tpu.memory_space<hbm>>
      %dma_wait3A_19 = tpu.memref_squeeze %dma_wait3A_18 : memref<1x128xi32, #tpu.memory_space<hbm>> -> memref<128xi32, #tpu.memory_space<hbm>>
      %dma_wait3A_20 = tpu.memref_slice %arg3[%run_scoped3A, %add3A_6] : memref<4x8192xi32, #tpu.memory_space<hbm>> -> memref<1x128xi32, #tpu.memory_space<hbm>>
      %dma_wait3A_21 = tpu.memref_squeeze %dma_wait3A_20 : memref<1x128xi32, #tpu.memory_space<hbm>> -> memref<128xi32, #tpu.memory_space<hbm>>
      tpu.wait_dma2 semaphore(%run_scoped3A_13 : memref<!tpu.dma_semaphore, #tpu.memory_space<semaphore_mem>>) src(%dma_wait3A_21 : memref<128xi32, #tpu.memory_space<hbm>>) dst(%arg5 : memref<128xi32, #tpu.memory_space<vmem>>)
      tpu.yield
    }) : () -> ()
    %dma_start3A = arith.constant 0 : i32
    %dma_start3A_7 = arith.constant 0 : i32
    %dma_start3A_8 = tpu.memref_slice %arg2[%dma_start3A, %dma_start3A_7] : memref<50368x768xf32, #tpu.memory_space<hbm>> -> memref<50368x768xf32, #tpu.memory_space<hbm>>
    tpu.enqueue_indirect_dma source(%dma_start3A_8 : memref<50368x768xf32, #tpu.memory_space<hbm>>) target(%arg6 : memref<128x768xf32, #tpu.memory_space<vmem>>) offsets(%arg5 : memref<128xi32, #tpu.memory_space<vmem>>) semaphore(%arg7 : memref<!tpu.dma_semaphore, #tpu.memory_space<semaphore_mem>>)
    %dma_wait3A = arith.constant 0 : i32
    %dma_wait3A_9 = arith.constant 0 : i32
    %dma_wait3A_10 = tpu.memref_slice %arg2[%dma_wait3A, %dma_wait3A_9] : memref<50368x768xf32, #tpu.memory_space<hbm>> -> memref<50368x768xf32, #tpu.memory_space<hbm>>
    tpu.wait_indirect_dma semaphore(%arg7 : memref<!tpu.dma_semaphore, #tpu.memory_space<semaphore_mem>>) src(%dma_wait3A_10 : memref<50368x768xf32, #tpu.memory_space<hbm>>) dst(%arg6 : memref<128x768xf32, #tpu.memory_space<vmem>>)
    %add3A_11 = arith.constant 0 : i32
    %add3A_12 = arith.addi %mul3A_2, %add3A_11 : i32
    "tpu.region"() ({
      %run_scoped3A_13 = tpu.sem_alloc : memref<!tpu.dma_semaphore, #tpu.memory_space<semaphore_mem>>
      %dma_start3A_14 = arith.constant 0 : i32
      %dma_start3A_15 = tpu.memref_slice %arg4[%add3A_12, %dma_start3A_14] : memref<4096x768xf32, #tpu.memory_space<hbm>> -> memref<128x768xf32, #tpu.memory_space<hbm>>
      %dma_start3A_16 = arith.constant 0 : i32
      %dma_start3A_17 = tpu.memref_slice %arg4[%add3A_12, %dma_start3A_16] : memref<4096x768xf32, #tpu.memory_space<hbm>> -> memref<128x768xf32, #tpu.memory_space<hbm>>
      tpu.enqueue_dma source(%arg6 : memref<128x768xf32, #tpu.memory_space<vmem>>) target(%dma_start3A_17 : memref<128x768xf32, #tpu.memory_space<hbm>>) target_semaphore(%run_scoped3A_13 : memref<!tpu.dma_semaphore, #tpu.memory_space<semaphore_mem>>)
      %dma_wait3A_18 = arith.constant 0 : i32
      %dma_wait3A_19 = tpu.memref_slice %arg4[%add3A_12, %dma_wait3A_18] : memref<4096x768xf32, #tpu.memory_space<hbm>> -> memref<128x768xf32, #tpu.memory_space<hbm>>
      %dma_wait3A_20 = arith.constant 0 : i32
      %dma_wait3A_21 = tpu.memref_slice %arg4[%add3A_12, %dma_wait3A_20] : memref<4096x768xf32, #tpu.memory_space<hbm>> -> memref<128x768xf32, #tpu.memory_space<hbm>>
      tpu.wait_dma2 semaphore(%run_scoped3A_13 : memref<!tpu.dma_semaphore, #tpu.memory_space<semaphore_mem>>) src(%arg6 : memref<128x768xf32, #tpu.memory_space<vmem>>) dst(%dma_wait3A_21 : memref<128x768xf32, #tpu.memory_space<hbm>>)
      tpu.yield
    }) : () -> ()
    return
  }
}

module attributes {stable_mosaic.version = 14 : i64} {
  func.func @_ln_body_alias(%arg0: i32, %arg1: memref<2048x768xf32, #tpu.memory_space<vmem>>, %arg2: memref<1x768xf32, #tpu.memory_space<vmem>>, %arg3: memref<4x768x1x8192xf32, #tpu.memory_space<any>>, %arg4: memref<1x768x1x2048xf32, #tpu.memory_space<vmem>>) attributes {dimension_semantics = [#tpu.dimension_semantics<arbitrary>], iteration_bounds = array<i64: 4>, scalar_prefetch = 0 : i64, scratch_operands = 0 : i64, tpu.core_type = #tpu.core_type<tc>, window_params = [{transform_indices = @transform_0, window_bounds = array<i64: 2048, 768>}, {pipeline_mode = #tpu.pipeline_mode<synchronous>, transform_indices = @transform_1, window_bounds = array<i64: 1, 768>}, {}, {transform_indices = @transform_3, window_bounds = array<i64: 1, 768, 1, 2048>}]} {
    %get3A = arith.constant 0 : index
    %get3A_0 = arith.constant 0 : index
    %get3A_1 = vector.load %arg1[%get3A, %get3A_0] : memref<2048x768xf32, #tpu.memory_space<vmem>>, vector<2048x768xf32>
    %reduce_sum3A = arith.constant dense<0.000000e+00> : vector<2048xf32>
    %reduce_sum3A_2 = vector.multi_reduction <add>, %get3A_1, %reduce_sum3A [1] : vector<2048x768xf32> to vector<2048xf32>
    %broadcast_in_dim3A = vector.shape_cast %reduce_sum3A_2 : vector<2048xf32> to vector<2048x1xf32>
    %div3A = arith.constant 7.680000e+02 : f32
    %div3A_3 = vector.broadcast %div3A : f32 to vector<2048x1xf32>
    %div3A_4 = arith.divf %broadcast_in_dim3A, %div3A_3 : vector<2048x1xf32>
    %sub3A = vector.broadcast %div3A_4 : vector<2048x1xf32> to vector<2048x768xf32>
    %sub3A_5 = arith.subf %get3A_1, %sub3A : vector<2048x768xf32>
    %mul3A = arith.mulf %sub3A_5, %sub3A_5 : vector<2048x768xf32>
    %reduce_sum3A_6 = arith.constant dense<0.000000e+00> : vector<2048xf32>
    %reduce_sum3A_7 = vector.multi_reduction <add>, %mul3A, %reduce_sum3A_6 [1] : vector<2048x768xf32> to vector<2048xf32>
    %broadcast_in_dim3A_8 = vector.shape_cast %reduce_sum3A_7 : vector<2048xf32> to vector<2048x1xf32>
    %div3A_9 = arith.constant 7.680000e+02 : f32
    %div3A_10 = vector.broadcast %div3A_9 : f32 to vector<2048x1xf32>
    %div3A_11 = arith.divf %broadcast_in_dim3A_8, %div3A_10 : vector<2048x1xf32>
    %add3A = arith.constant 9.99999974E-6 : f32
    %add3A_12 = vector.broadcast %add3A : f32 to vector<2048x1xf32>
    %add3A_13 = arith.addf %div3A_11, %add3A_12 : vector<2048x1xf32>
    %rsqrt3A = math.rsqrt %add3A_13 : vector<2048x1xf32>
    %mul3A_14 = vector.broadcast %rsqrt3A : vector<2048x1xf32> to vector<2048x768xf32>
    %mul3A_15 = arith.mulf %sub3A_5, %mul3A_14 : vector<2048x768xf32>
    %get3A_16 = arith.constant 0 : index
    %get3A_17 = arith.constant 0 : index
    %get3A_18 = vector.load %arg2[%get3A_16, %get3A_17] : memref<1x768xf32, #tpu.memory_space<vmem>>, vector<1x768xf32>
    %mul3A_19 = vector.broadcast %get3A_18 : vector<1x768xf32> to vector<2048x768xf32>
    %mul3A_20 = arith.mulf %mul3A_15, %mul3A_19 : vector<2048x768xf32>
    %transpose3A = tpu.transpose %mul3A_20, [1, 0] : vector<2048x768xf32> -> vector<768x2048xf32>
    %swap3A = arith.constant 0 : index
    %swap3A_21 = arith.constant 0 : index
    %swap3A_22 = arith.constant 0 : index
    %swap3A_23 = arith.constant 0 : index
    %swap3A_24 = vector.load %arg4[%swap3A, %swap3A_21, %swap3A_22, %swap3A_23] : memref<1x768x1x2048xf32, #tpu.memory_space<vmem>>, vector<1x768x1x2048xf32>
    %swap3A_25 = vector.shape_cast %swap3A_24 : vector<1x768x1x2048xf32> to vector<768x2048xf32>
    %swap3A_26 = vector.shape_cast %transpose3A : vector<768x2048xf32> to vector<1x768x1x2048xf32>
    tpu.vector_store %arg4[%swap3A, %swap3A_21, %swap3A_22, %swap3A_23], %swap3A_26 {strides = array<i32>} : memref<1x768x1x2048xf32, #tpu.memory_space<vmem>>, vector<1x768x1x2048xf32>,
    return
  }
  func.func @transform_0(%arg0: i32) -> (i32, i32) {
    %c0_i32 = arith.constant 0 : i32
    %c0_i32_0 = arith.constant 0 : i32
    return %arg0, %c0_i32 : i32, i32
  }
  func.func @transform_1(%arg0: i32) -> (i32, i32) {
    %c0_i32 = arith.constant 0 : i32
    %c0_i32_0 = arith.constant 0 : i32
    %c0_i32_1 = arith.constant 0 : i32
    return %c0_i32, %c0_i32_0 : i32, i32
  }
  func.func @transform_3(%arg0: i32) -> (i32, i32, i32, i32) {
    %add3A = arith.constant 0 : i32
    %add3A_0 = arith.addi %arg0, %add3A : i32
    %c1_i32 = arith.constant 1 : i32
    %c0_i32 = arith.constant 0 : i32
    %c0_i32_1 = arith.constant 0 : i32
    %c0_i32_2 = arith.constant 0 : i32
    return %c1_i32, %c0_i32, %c0_i32_1, %add3A_0 : i32, i32, i32, i32
  }
}

module attributes {stable_mosaic.version = 14 : i64} {
  func.func @_ln_body(%arg0: i32, %arg1: memref<2048x768xf32, #tpu.memory_space<vmem>>, %arg2: memref<1x768xf32, #tpu.memory_space<vmem>>, %arg3: memref<1x768x1x2048xf32, #tpu.memory_space<vmem>>) attributes {dimension_semantics = [#tpu.dimension_semantics<arbitrary>], iteration_bounds = array<i64: 2>, scalar_prefetch = 0 : i64, scratch_operands = 0 : i64, tpu.core_type = #tpu.core_type<tc>, window_params = [{transform_indices = @transform_0, window_bounds = array<i64: 2048, 768>}, {pipeline_mode = #tpu.pipeline_mode<synchronous>, transform_indices = @transform_1, window_bounds = array<i64: 1, 768>}, {transform_indices = @transform_2, window_bounds = array<i64: 1, 768, 1, 2048>}]} {
    %get3A = arith.constant 0 : index
    %get3A_0 = arith.constant 0 : index
    %get3A_1 = vector.load %arg1[%get3A, %get3A_0] : memref<2048x768xf32, #tpu.memory_space<vmem>>, vector<2048x768xf32>
    %reduce_sum3A = arith.constant dense<0.000000e+00> : vector<2048xf32>
    %reduce_sum3A_2 = vector.multi_reduction <add>, %get3A_1, %reduce_sum3A [1] : vector<2048x768xf32> to vector<2048xf32>
    %broadcast_in_dim3A = vector.shape_cast %reduce_sum3A_2 : vector<2048xf32> to vector<2048x1xf32>
    %div3A = arith.constant 7.680000e+02 : f32
    %div3A_3 = vector.broadcast %div3A : f32 to vector<2048x1xf32>
    %div3A_4 = arith.divf %broadcast_in_dim3A, %div3A_3 : vector<2048x1xf32>
    %sub3A = vector.broadcast %div3A_4 : vector<2048x1xf32> to vector<2048x768xf32>
    %sub3A_5 = arith.subf %get3A_1, %sub3A : vector<2048x768xf32>
    %mul3A = arith.mulf %sub3A_5, %sub3A_5 : vector<2048x768xf32>
    %reduce_sum3A_6 = arith.constant dense<0.000000e+00> : vector<2048xf32>
    %reduce_sum3A_7 = vector.multi_reduction <add>, %mul3A, %reduce_sum3A_6 [1] : vector<2048x768xf32> to vector<2048xf32>
    %broadcast_in_dim3A_8 = vector.shape_cast %reduce_sum3A_7 : vector<2048xf32> to vector<2048x1xf32>
    %div3A_9 = arith.constant 7.680000e+02 : f32
    %div3A_10 = vector.broadcast %div3A_9 : f32 to vector<2048x1xf32>
    %div3A_11 = arith.divf %broadcast_in_dim3A_8, %div3A_10 : vector<2048x1xf32>
    %add3A = arith.constant 9.99999974E-6 : f32
    %add3A_12 = vector.broadcast %add3A : f32 to vector<2048x1xf32>
    %add3A_13 = arith.addf %div3A_11, %add3A_12 : vector<2048x1xf32>
    %rsqrt3A = math.rsqrt %add3A_13 : vector<2048x1xf32>
    %mul3A_14 = vector.broadcast %rsqrt3A : vector<2048x1xf32> to vector<2048x768xf32>
    %mul3A_15 = arith.mulf %sub3A_5, %mul3A_14 : vector<2048x768xf32>
    %get3A_16 = arith.constant 0 : index
    %get3A_17 = arith.constant 0 : index
    %get3A_18 = vector.load %arg2[%get3A_16, %get3A_17] : memref<1x768xf32, #tpu.memory_space<vmem>>, vector<1x768xf32>
    %mul3A_19 = vector.broadcast %get3A_18 : vector<1x768xf32> to vector<2048x768xf32>
    %mul3A_20 = arith.mulf %mul3A_15, %mul3A_19 : vector<2048x768xf32>
    %transpose3A = tpu.transpose %mul3A_20, [1, 0] : vector<2048x768xf32> -> vector<768x2048xf32>
    %swap3A = arith.constant 0 : index
    %swap3A_21 = arith.constant 0 : index
    %swap3A_22 = arith.constant 0 : index
    %swap3A_23 = arith.constant 0 : index
    %swap3A_24 = vector.load %arg3[%swap3A, %swap3A_21, %swap3A_22, %swap3A_23] : memref<1x768x1x2048xf32, #tpu.memory_space<vmem>>, vector<1x768x1x2048xf32>
    %swap3A_25 = vector.shape_cast %swap3A_24 : vector<1x768x1x2048xf32> to vector<768x2048xf32>
    %swap3A_26 = vector.shape_cast %transpose3A : vector<768x2048xf32> to vector<1x768x1x2048xf32>
    tpu.vector_store %arg3[%swap3A, %swap3A_21, %swap3A_22, %swap3A_23], %swap3A_26 {strides = array<i32>} : memref<1x768x1x2048xf32, #tpu.memory_space<vmem>>, vector<1x768x1x2048xf32>,
    return
  }
  func.func @transform_0(%arg0: i32) -> (i32, i32) {
    %c0_i32 = arith.constant 0 : i32
    %c0_i32_0 = arith.constant 0 : i32
    return %arg0, %c0_i32 : i32, i32
  }
  func.func @transform_1(%arg0: i32) -> (i32, i32) {
    %c0_i32 = arith.constant 0 : i32
    %c0_i32_0 = arith.constant 0 : i32
    %c0_i32_1 = arith.constant 0 : i32
    return %c0_i32, %c0_i32_0 : i32, i32
  }
  func.func @transform_2(%arg0: i32) -> (i32, i32, i32, i32) {
    %add3A = arith.constant 0 : i32
    %add3A_0 = arith.addi %arg0, %add3A : i32
    %c0_i32 = arith.constant 0 : i32
    %c0_i32_1 = arith.constant 0 : i32
    %c0_i32_2 = arith.constant 0 : i32
    %c0_i32_3 = arith.constant 0 : i32
    return %c0_i32, %c0_i32_1, %c0_i32_2, %add3A_0 : i32, i32, i32, i32
  }
}

module attributes {stable_mosaic.version = 14 : i64} {
  func.func @_ln_body_alias(%arg0: i32, %arg1: memref<2048x768xf32, #tpu.memory_space<vmem>>, %arg2: memref<1x768xf32, #tpu.memory_space<vmem>>, %arg3: memref<4x768x1x8192xf32, #tpu.memory_space<any>>, %arg4: memref<1x768x1x2048xf32, #tpu.memory_space<vmem>>) attributes {dimension_semantics = [#tpu.dimension_semantics<arbitrary>], iteration_bounds = array<i64: 2>, scalar_prefetch = 0 : i64, scratch_operands = 0 : i64, tpu.core_type = #tpu.core_type<tc>, window_params = [{transform_indices = @transform_0, window_bounds = array<i64: 2048, 768>}, {pipeline_mode = #tpu.pipeline_mode<synchronous>, transform_indices = @transform_1, window_bounds = array<i64: 1, 768>}, {}, {transform_indices = @transform_3, window_bounds = array<i64: 1, 768, 1, 2048>}]} {
    %get3A = arith.constant 0 : index
    %get3A_0 = arith.constant 0 : index
    %get3A_1 = vector.load %arg1[%get3A, %get3A_0] : memref<2048x768xf32, #tpu.memory_space<vmem>>, vector<2048x768xf32>
    %reduce_sum3A = arith.constant dense<0.000000e+00> : vector<2048xf32>
    %reduce_sum3A_2 = vector.multi_reduction <add>, %get3A_1, %reduce_sum3A [1] : vector<2048x768xf32> to vector<2048xf32>
    %broadcast_in_dim3A = vector.shape_cast %reduce_sum3A_2 : vector<2048xf32> to vector<2048x1xf32>
    %div3A = arith.constant 7.680000e+02 : f32
    %div3A_3 = vector.broadcast %div3A : f32 to vector<2048x1xf32>
    %div3A_4 = arith.divf %broadcast_in_dim3A, %div3A_3 : vector<2048x1xf32>
    %sub3A = vector.broadcast %div3A_4 : vector<2048x1xf32> to vector<2048x768xf32>
    %sub3A_5 = arith.subf %get3A_1, %sub3A : vector<2048x768xf32>
    %mul3A = arith.mulf %sub3A_5, %sub3A_5 : vector<2048x768xf32>
    %reduce_sum3A_6 = arith.constant dense<0.000000e+00> : vector<2048xf32>
    %reduce_sum3A_7 = vector.multi_reduction <add>, %mul3A, %reduce_sum3A_6 [1] : vector<2048x768xf32> to vector<2048xf32>
    %broadcast_in_dim3A_8 = vector.shape_cast %reduce_sum3A_7 : vector<2048xf32> to vector<2048x1xf32>
    %div3A_9 = arith.constant 7.680000e+02 : f32
    %div3A_10 = vector.broadcast %div3A_9 : f32 to vector<2048x1xf32>
    %div3A_11 = arith.divf %broadcast_in_dim3A_8, %div3A_10 : vector<2048x1xf32>
    %add3A = arith.constant 9.99999974E-6 : f32
    %add3A_12 = vector.broadcast %add3A : f32 to vector<2048x1xf32>
    %add3A_13 = arith.addf %div3A_11, %add3A_12 : vector<2048x1xf32>
    %rsqrt3A = math.rsqrt %add3A_13 : vector<2048x1xf32>
    %mul3A_14 = vector.broadcast %rsqrt3A : vector<2048x1xf32> to vector<2048x768xf32>
    %mul3A_15 = arith.mulf %sub3A_5, %mul3A_14 : vector<2048x768xf32>
    %get3A_16 = arith.constant 0 : index
    %get3A_17 = arith.constant 0 : index
    %get3A_18 = vector.load %arg2[%get3A_16, %get3A_17] : memref<1x768xf32, #tpu.memory_space<vmem>>, vector<1x768xf32>
    %mul3A_19 = vector.broadcast %get3A_18 : vector<1x768xf32> to vector<2048x768xf32>
    %mul3A_20 = arith.mulf %mul3A_15, %mul3A_19 : vector<2048x768xf32>
    %transpose3A = tpu.transpose %mul3A_20, [1, 0] : vector<2048x768xf32> -> vector<768x2048xf32>
    %swap3A = arith.constant 0 : index
    %swap3A_21 = arith.constant 0 : index
    %swap3A_22 = arith.constant 0 : index
    %swap3A_23 = arith.constant 0 : index
    %swap3A_24 = vector.load %arg4[%swap3A, %swap3A_21, %swap3A_22, %swap3A_23] : memref<1x768x1x2048xf32, #tpu.memory_space<vmem>>, vector<1x768x1x2048xf32>
    %swap3A_25 = vector.shape_cast %swap3A_24 : vector<1x768x1x2048xf32> to vector<768x2048xf32>
    %swap3A_26 = vector.shape_cast %transpose3A : vector<768x2048xf32> to vector<1x768x1x2048xf32>
    tpu.vector_store %arg4[%swap3A, %swap3A_21, %swap3A_22, %swap3A_23], %swap3A_26 {strides = array<i32>} : memref<1x768x1x2048xf32, #tpu.memory_space<vmem>>, vector<1x768x1x2048xf32>,
    return
  }
  func.func @transform_0(%arg0: i32) -> (i32, i32) {
    %c0_i32 = arith.constant 0 : i32
    %c0_i32_0 = arith.constant 0 : i32
    return %arg0, %c0_i32 : i32, i32
  }
  func.func @transform_1(%arg0: i32) -> (i32, i32) {
    %c0_i32 = arith.constant 0 : i32
    %c0_i32_0 = arith.constant 0 : i32
    %c0_i32_1 = arith.constant 0 : i32
    return %c0_i32, %c0_i32_0 : i32, i32
  }
  func.func @transform_3(%arg0: i32) -> (i32, i32, i32, i32) {
    %add3A = arith.constant 2 : i32
    %add3A_0 = arith.addi %arg0, %add3A : i32
    %c0_i32 = arith.constant 0 : i32
    %c0_i32_1 = arith.constant 0 : i32
    %c0_i32_2 = arith.constant 0 : i32
    %c0_i32_3 = arith.constant 0 : i32
    return %c0_i32, %c0_i32_1, %c0_i32_2, %add3A_0 : i32, i32, i32, i32
  }
}

module attributes {stable_mosaic.version = 14 : i64} {
  func.func @_ln_body_alias(%arg0: i32, %arg1: memref<2048x768xf32, #tpu.memory_space<vmem>>, %arg2: memref<1x768xf32, #tpu.memory_space<vmem>>, %arg3: memref<4x768x1x8192xf32, #tpu.memory_space<any>>, %arg4: memref<1x768x1x2048xf32, #tpu.memory_space<vmem>>) attributes {dimension_semantics = [#tpu.dimension_semantics<arbitrary>], iteration_bounds = array<i64: 4>, scalar_prefetch = 0 : i64, scratch_operands = 0 : i64, tpu.core_type = #tpu.core_type<tc>, window_params = [{transform_indices = @transform_0, window_bounds = array<i64: 2048, 768>}, {pipeline_mode = #tpu.pipeline_mode<synchronous>, transform_indices = @transform_1, window_bounds = array<i64: 1, 768>}, {}, {transform_indices = @transform_3, window_bounds = array<i64: 1, 768, 1, 2048>}]} {
    %get3A = arith.constant 0 : index
    %get3A_0 = arith.constant 0 : index
    %get3A_1 = vector.load %arg1[%get3A, %get3A_0] : memref<2048x768xf32, #tpu.memory_space<vmem>>, vector<2048x768xf32>
    %reduce_sum3A = arith.constant dense<0.000000e+00> : vector<2048xf32>
    %reduce_sum3A_2 = vector.multi_reduction <add>, %get3A_1, %reduce_sum3A [1] : vector<2048x768xf32> to vector<2048xf32>
    %broadcast_in_dim3A = vector.shape_cast %reduce_sum3A_2 : vector<2048xf32> to vector<2048x1xf32>
    %div3A = arith.constant 7.680000e+02 : f32
    %div3A_3 = vector.broadcast %div3A : f32 to vector<2048x1xf32>
    %div3A_4 = arith.divf %broadcast_in_dim3A, %div3A_3 : vector<2048x1xf32>
    %sub3A = vector.broadcast %div3A_4 : vector<2048x1xf32> to vector<2048x768xf32>
    %sub3A_5 = arith.subf %get3A_1, %sub3A : vector<2048x768xf32>
    %mul3A = arith.mulf %sub3A_5, %sub3A_5 : vector<2048x768xf32>
    %reduce_sum3A_6 = arith.constant dense<0.000000e+00> : vector<2048xf32>
    %reduce_sum3A_7 = vector.multi_reduction <add>, %mul3A, %reduce_sum3A_6 [1] : vector<2048x768xf32> to vector<2048xf32>
    %broadcast_in_dim3A_8 = vector.shape_cast %reduce_sum3A_7 : vector<2048xf32> to vector<2048x1xf32>
    %div3A_9 = arith.constant 7.680000e+02 : f32
    %div3A_10 = vector.broadcast %div3A_9 : f32 to vector<2048x1xf32>
    %div3A_11 = arith.divf %broadcast_in_dim3A_8, %div3A_10 : vector<2048x1xf32>
    %add3A = arith.constant 9.99999974E-6 : f32
    %add3A_12 = vector.broadcast %add3A : f32 to vector<2048x1xf32>
    %add3A_13 = arith.addf %div3A_11, %add3A_12 : vector<2048x1xf32>
    %rsqrt3A = math.rsqrt %add3A_13 : vector<2048x1xf32>
    %mul3A_14 = vector.broadcast %rsqrt3A : vector<2048x1xf32> to vector<2048x768xf32>
    %mul3A_15 = arith.mulf %sub3A_5, %mul3A_14 : vector<2048x768xf32>
    %get3A_16 = arith.constant 0 : index
    %get3A_17 = arith.constant 0 : index
    %get3A_18 = vector.load %arg2[%get3A_16, %get3A_17] : memref<1x768xf32, #tpu.memory_space<vmem>>, vector<1x768xf32>
    %mul3A_19 = vector.broadcast %get3A_18 : vector<1x768xf32> to vector<2048x768xf32>
    %mul3A_20 = arith.mulf %mul3A_15, %mul3A_19 : vector<2048x768xf32>
    %transpose3A = tpu.transpose %mul3A_20, [1, 0] : vector<2048x768xf32> -> vector<768x2048xf32>
    %swap3A = arith.constant 0 : index
    %swap3A_21 = arith.constant 0 : index
    %swap3A_22 = arith.constant 0 : index
    %swap3A_23 = arith.constant 0 : index
    %swap3A_24 = vector.load %arg4[%swap3A, %swap3A_21, %swap3A_22, %swap3A_23] : memref<1x768x1x2048xf32, #tpu.memory_space<vmem>>, vector<1x768x1x2048xf32>
    %swap3A_25 = vector.shape_cast %swap3A_24 : vector<1x768x1x2048xf32> to vector<768x2048xf32>
    %swap3A_26 = vector.shape_cast %transpose3A : vector<768x2048xf32> to vector<1x768x1x2048xf32>
    tpu.vector_store %arg4[%swap3A, %swap3A_21, %swap3A_22, %swap3A_23], %swap3A_26 {strides = array<i32>} : memref<1x768x1x2048xf32, #tpu.memory_space<vmem>>, vector<1x768x1x2048xf32>,
    return
  }
  func.func @transform_0(%arg0: i32) -> (i32, i32) {
    %c0_i32 = arith.constant 0 : i32
    %c0_i32_0 = arith.constant 0 : i32
    return %arg0, %c0_i32 : i32, i32
  }
  func.func @transform_1(%arg0: i32) -> (i32, i32) {
    %c0_i32 = arith.constant 0 : i32
    %c0_i32_0 = arith.constant 0 : i32
    %c0_i32_1 = arith.constant 0 : i32
    return %c0_i32, %c0_i32_0 : i32, i32
  }
  func.func @transform_3(%arg0: i32) -> (i32, i32, i32, i32) {
    %add3A = arith.constant 0 : i32
    %add3A_0 = arith.addi %arg0, %add3A : i32
    %c2_i32 = arith.constant 2 : i32
    %c0_i32 = arith.constant 0 : i32
    %c0_i32_1 = arith.constant 0 : i32
    %c0_i32_2 = arith.constant 0 : i32
    return %c2_i32, %c0_i32, %c0_i32_1, %add3A_0 : i32, i32, i32, i32
  }
}

module attributes {stable_mosaic.version = 14 : i64} {
  func.func @_ln_body_alias(%arg0: i32, %arg1: memref<2048x768xf32, #tpu.memory_space<vmem>>, %arg2: memref<1x768xf32, #tpu.memory_space<vmem>>, %arg3: memref<4x768x1x8192xf32, #tpu.memory_space<any>>, %arg4: memref<1x768x1x2048xf32, #tpu.memory_space<vmem>>) attributes {dimension_semantics = [#tpu.dimension_semantics<arbitrary>], iteration_bounds = array<i64: 2>, scalar_prefetch = 0 : i64, scratch_operands = 0 : i64, tpu.core_type = #tpu.core_type<tc>, window_params = [{transform_indices = @transform_0, window_bounds = array<i64: 2048, 768>}, {pipeline_mode = #tpu.pipeline_mode<synchronous>, transform_indices = @transform_1, window_bounds = array<i64: 1, 768>}, {}, {transform_indices = @transform_3, window_bounds = array<i64: 1, 768, 1, 2048>}]} {
    %get3A = arith.constant 0 : index
    %get3A_0 = arith.constant 0 : index
    %get3A_1 = vector.load %arg1[%get3A, %get3A_0] : memref<2048x768xf32, #tpu.memory_space<vmem>>, vector<2048x768xf32>
    %reduce_sum3A = arith.constant dense<0.000000e+00> : vector<2048xf32>
    %reduce_sum3A_2 = vector.multi_reduction <add>, %get3A_1, %reduce_sum3A [1] : vector<2048x768xf32> to vector<2048xf32>
    %broadcast_in_dim3A = vector.shape_cast %reduce_sum3A_2 : vector<2048xf32> to vector<2048x1xf32>
    %div3A = arith.constant 7.680000e+02 : f32
    %div3A_3 = vector.broadcast %div3A : f32 to vector<2048x1xf32>
    %div3A_4 = arith.divf %broadcast_in_dim3A, %div3A_3 : vector<2048x1xf32>
    %sub3A = vector.broadcast %div3A_4 : vector<2048x1xf32> to vector<2048x768xf32>
    %sub3A_5 = arith.subf %get3A_1, %sub3A : vector<2048x768xf32>
    %mul3A = arith.mulf %sub3A_5, %sub3A_5 : vector<2048x768xf32>
    %reduce_sum3A_6 = arith.constant dense<0.000000e+00> : vector<2048xf32>
    %reduce_sum3A_7 = vector.multi_reduction <add>, %mul3A, %reduce_sum3A_6 [1] : vector<2048x768xf32> to vector<2048xf32>
    %broadcast_in_dim3A_8 = vector.shape_cast %reduce_sum3A_7 : vector<2048xf32> to vector<2048x1xf32>
    %div3A_9 = arith.constant 7.680000e+02 : f32
    %div3A_10 = vector.broadcast %div3A_9 : f32 to vector<2048x1xf32>
    %div3A_11 = arith.divf %broadcast_in_dim3A_8, %div3A_10 : vector<2048x1xf32>
    %add3A = arith.constant 9.99999974E-6 : f32
    %add3A_12 = vector.broadcast %add3A : f32 to vector<2048x1xf32>
    %add3A_13 = arith.addf %div3A_11, %add3A_12 : vector<2048x1xf32>
    %rsqrt3A = math.rsqrt %add3A_13 : vector<2048x1xf32>
    %mul3A_14 = vector.broadcast %rsqrt3A : vector<2048x1xf32> to vector<2048x768xf32>
    %mul3A_15 = arith.mulf %sub3A_5, %mul3A_14 : vector<2048x768xf32>
    %get3A_16 = arith.constant 0 : index
    %get3A_17 = arith.constant 0 : index
    %get3A_18 = vector.load %arg2[%get3A_16, %get3A_17] : memref<1x768xf32, #tpu.memory_space<vmem>>, vector<1x768xf32>
    %mul3A_19 = vector.broadcast %get3A_18 : vector<1x768xf32> to vector<2048x768xf32>
    %mul3A_20 = arith.mulf %mul3A_15, %mul3A_19 : vector<2048x768xf32>
    %transpose3A = tpu.transpose %mul3A_20, [1, 0] : vector<2048x768xf32> -> vector<768x2048xf32>
    %swap3A = arith.constant 0 : index
    %swap3A_21 = arith.constant 0 : index
    %swap3A_22 = arith.constant 0 : index
    %swap3A_23 = arith.constant 0 : index
    %swap3A_24 = vector.load %arg4[%swap3A, %swap3A_21, %swap3A_22, %swap3A_23] : memref<1x768x1x2048xf32, #tpu.memory_space<vmem>>, vector<1x768x1x2048xf32>
    %swap3A_25 = vector.shape_cast %swap3A_24 : vector<1x768x1x2048xf32> to vector<768x2048xf32>
    %swap3A_26 = vector.shape_cast %transpose3A : vector<768x2048xf32> to vector<1x768x1x2048xf32>
    tpu.vector_store %arg4[%swap3A, %swap3A_21, %swap3A_22, %swap3A_23], %swap3A_26 {strides = array<i32>} : memref<1x768x1x2048xf32, #tpu.memory_space<vmem>>, vector<1x768x1x2048xf32>,
    return
  }
  func.func @transform_0(%arg0: i32) -> (i32, i32) {
    %c0_i32 = arith.constant 0 : i32
    %c0_i32_0 = arith.constant 0 : i32
    return %arg0, %c0_i32 : i32, i32
  }
  func.func @transform_1(%arg0: i32) -> (i32, i32) {
    %c0_i32 = arith.constant 0 : i32
    %c0_i32_0 = arith.constant 0 : i32
    %c0_i32_1 = arith.constant 0 : i32
    return %c0_i32, %c0_i32_0 : i32, i32
  }
  func.func @transform_3(%arg0: i32) -> (i32, i32, i32, i32) {
    %add3A = arith.constant 0 : i32
    %add3A_0 = arith.addi %arg0, %add3A : i32
    %c3_i32 = arith.constant 3 : i32
    %c0_i32 = arith.constant 0 : i32
    %c0_i32_1 = arith.constant 0 : i32
    %c0_i32_2 = arith.constant 0 : i32
    return %c3_i32, %c0_i32, %c0_i32_1, %add3A_0 : i32, i32, i32, i32
  }
}

module attributes {stable_mosaic.version = 14 : i64} {
  func.func @_ln_body_alias(%arg0: i32, %arg1: memref<2048x768xf32, #tpu.memory_space<vmem>>, %arg2: memref<1x768xf32, #tpu.memory_space<vmem>>, %arg3: memref<4x768x1x8192xf32, #tpu.memory_space<any>>, %arg4: memref<1x768x1x2048xf32, #tpu.memory_space<vmem>>) attributes {dimension_semantics = [#tpu.dimension_semantics<arbitrary>], iteration_bounds = array<i64: 2>, scalar_prefetch = 0 : i64, scratch_operands = 0 : i64, tpu.core_type = #tpu.core_type<tc>, window_params = [{transform_indices = @transform_0, window_bounds = array<i64: 2048, 768>}, {pipeline_mode = #tpu.pipeline_mode<synchronous>, transform_indices = @transform_1, window_bounds = array<i64: 1, 768>}, {}, {transform_indices = @transform_3, window_bounds = array<i64: 1, 768, 1, 2048>}]} {
    %get3A = arith.constant 0 : index
    %get3A_0 = arith.constant 0 : index
    %get3A_1 = vector.load %arg1[%get3A, %get3A_0] : memref<2048x768xf32, #tpu.memory_space<vmem>>, vector<2048x768xf32>
    %reduce_sum3A = arith.constant dense<0.000000e+00> : vector<2048xf32>
    %reduce_sum3A_2 = vector.multi_reduction <add>, %get3A_1, %reduce_sum3A [1] : vector<2048x768xf32> to vector<2048xf32>
    %broadcast_in_dim3A = vector.shape_cast %reduce_sum3A_2 : vector<2048xf32> to vector<2048x1xf32>
    %div3A = arith.constant 7.680000e+02 : f32
    %div3A_3 = vector.broadcast %div3A : f32 to vector<2048x1xf32>
    %div3A_4 = arith.divf %broadcast_in_dim3A, %div3A_3 : vector<2048x1xf32>
    %sub3A = vector.broadcast %div3A_4 : vector<2048x1xf32> to vector<2048x768xf32>
    %sub3A_5 = arith.subf %get3A_1, %sub3A : vector<2048x768xf32>
    %mul3A = arith.mulf %sub3A_5, %sub3A_5 : vector<2048x768xf32>
    %reduce_sum3A_6 = arith.constant dense<0.000000e+00> : vector<2048xf32>
    %reduce_sum3A_7 = vector.multi_reduction <add>, %mul3A, %reduce_sum3A_6 [1] : vector<2048x768xf32> to vector<2048xf32>
    %broadcast_in_dim3A_8 = vector.shape_cast %reduce_sum3A_7 : vector<2048xf32> to vector<2048x1xf32>
    %div3A_9 = arith.constant 7.680000e+02 : f32
    %div3A_10 = vector.broadcast %div3A_9 : f32 to vector<2048x1xf32>
    %div3A_11 = arith.divf %broadcast_in_dim3A_8, %div3A_10 : vector<2048x1xf32>
    %add3A = arith.constant 9.99999974E-6 : f32
    %add3A_12 = vector.broadcast %add3A : f32 to vector<2048x1xf32>
    %add3A_13 = arith.addf %div3A_11, %add3A_12 : vector<2048x1xf32>
    %rsqrt3A = math.rsqrt %add3A_13 : vector<2048x1xf32>
    %mul3A_14 = vector.broadcast %rsqrt3A : vector<2048x1xf32> to vector<2048x768xf32>
    %mul3A_15 = arith.mulf %sub3A_5, %mul3A_14 : vector<2048x768xf32>
    %get3A_16 = arith.constant 0 : index
    %get3A_17 = arith.constant 0 : index
    %get3A_18 = vector.load %arg2[%get3A_16, %get3A_17] : memref<1x768xf32, #tpu.memory_space<vmem>>, vector<1x768xf32>
    %mul3A_19 = vector.broadcast %get3A_18 : vector<1x768xf32> to vector<2048x768xf32>
    %mul3A_20 = arith.mulf %mul3A_15, %mul3A_19 : vector<2048x768xf32>
    %transpose3A = tpu.transpose %mul3A_20, [1, 0] : vector<2048x768xf32> -> vector<768x2048xf32>
    %swap3A = arith.constant 0 : index
    %swap3A_21 = arith.constant 0 : index
    %swap3A_22 = arith.constant 0 : index
    %swap3A_23 = arith.constant 0 : index
    %swap3A_24 = vector.load %arg4[%swap3A, %swap3A_21, %swap3A_22, %swap3A_23] : memref<1x768x1x2048xf32, #tpu.memory_space<vmem>>, vector<1x768x1x2048xf32>
    %swap3A_25 = vector.shape_cast %swap3A_24 : vector<1x768x1x2048xf32> to vector<768x2048xf32>
    %swap3A_26 = vector.shape_cast %transpose3A : vector<768x2048xf32> to vector<1x768x1x2048xf32>
    tpu.vector_store %arg4[%swap3A, %swap3A_21, %swap3A_22, %swap3A_23], %swap3A_26 {strides = array<i32>} : memref<1x768x1x2048xf32, #tpu.memory_space<vmem>>, vector<1x768x1x2048xf32>,
    return
  }
  func.func @transform_0(%arg0: i32) -> (i32, i32) {
    %c0_i32 = arith.constant 0 : i32
    %c0_i32_0 = arith.constant 0 : i32
    return %arg0, %c0_i32 : i32, i32
  }
  func.func @transform_1(%arg0: i32) -> (i32, i32) {
    %c0_i32 = arith.constant 0 : i32
    %c0_i32_0 = arith.constant 0 : i32
    %c0_i32_1 = arith.constant 0 : i32
    return %c0_i32, %c0_i32_0 : i32, i32
  }
  func.func @transform_3(%arg0: i32) -> (i32, i32, i32, i32) {
    %add3A = arith.constant 2 : i32
    %add3A_0 = arith.addi %arg0, %add3A : i32
    %c3_i32 = arith.constant 3 : i32
    %c0_i32 = arith.constant 0 : i32
    %c0_i32_1 = arith.constant 0 : i32
    %c0_i32_2 = arith.constant 0 : i32
    return %c3_i32, %c0_i32, %c0_i32_1, %add3A_0 : i32, i32, i32, i32
  }
}

</mosaic_0001>

<sc_bundles>
// kernel: kernel.14.cloned.1.call-start
scs
__scs_entry_jumppad:
0x0: {  	(pc) =	sbr.rel $0x88, $3  }
0x1: {  	(tag) =	ssettag $0x0;
	lr =	simm.s32 $0x1  }
0x2: {  	[smem:$0x3F9E] =	sst lr;
	_ =	strace $0xD0000000  }
0x3: {  	_ = 	snop  }
0x4: {  	_ = 	snop  }
0x5: {  	_ = 	snop  }
0x6: {  	_ = 	snop  }
0x7: {  	_ = 	snop  }
__scs_overlays_trampoline_lowered:
0x8: {  	[smem:$0x3FAD] =	sst s0  }
0x9: {  	[smem:$0x3FAE] =	sst s1  }
0xa: {  	[smem:$0x3FAF] =	sst s2  }
0xb: {  	[smem:$0x3FB0] =	sst s3  }
0xc: {  	[smem:$0x3FB1] =	sst s4  }
0xd: {  	[smem:$0x3FB2] =	sst s5  }
0xe: {  	[smem:$0x3FB3] =	sst s6  }
0xf: {  	[smem:$0x3FB4] =	sst s7  }
0x10: {  	[smem:$0x3FB5] =	sst s8  }
0x11: {  	[smem:$0x3FB6] =	sst s9;
	s0 =	simm.s32 @!p0 $0x0  }
0x12: {  	s1 =	sld [smem:$0x3F9C];
	s0 =	simm.s32 @p0 $0x1  }
0x13: {  	[smem:$0x3FB7] =	sst s0;
	s0 =	simm.s32 @!p1 $0x0  }
0x14: {  	s2 =	sld [smem:$0x3F9B];
	s0 =	simm.s32 @p1 $0x1  }
0x15: {  	[smem:$0x3FB8] =	sst s0;
	s0 =	simm.s32 @!p2 $0x0  }
0x16: {  	s3 =	sld [smem:$0x3FDB];
	s0 =	simm.s32 @p2 $0x1  }
0x17: {  	s4 =	simm.s32 $0x1BF5;
	[smem:$0x3FBA] =	sst s0  }
0x18: {  	s0 =	sld [smem:$0x3F9D];
	_ =	swait.ge [sflag:s4], $0x0  }
0x19: {  	s7 =	sld [smem:$0x3F9E]  }
0x1a: {  	s8 =	sadd.s32 $0xFFFFE003, lr  }
0x1b: {  	s9 =	sadd.s32 $0xFFFFFEF7, lr;
	s5 =	simm.s32 $0xFFFFFFFF;
	p2 =	slt.u32 s8, $0xFFFFF086  }
0x1c: {  	p1 =	slt.u32 s9, $0xF7A;
	s5 =	simm.s32 @!p2 $0x0  }
0x1d: {  	s5 =	simm.s32 @p1 $0x1;
	p0 =	seq.s32 s7, s2  }
0x1e: {  	s7 =	smul.u32 @!p0 $0xF7A, s2;
	p2 =	seq.s32 @!p0 s5, $0x0  }
0x1f: {  	s9 =	smul.u32 $0xF7A, s1;
	s8 =	simm.s32 @!p0 $0x1BF5;
	p2 =	por !p2, p0  }
0x20: {  	[sflag:s8] =	ssyncset.s32 @!p0 $0xFFFFF086;
	s6 =	sadd.s32 @!p0 s3, s7;
	s7 =	simm.s32 @!p0 $0x108  }
0x21: {  	s3 =	sadd.s32 s3, s9;
	s6 =	sadd.s32 @!p0 $0x88, s6;
	s7 =	simm.s32 @p2 $0x1082  }
0x22: {  	[simem:s7], [sflag:s8] =	dma.local @!p0 [hbm:s6], $0xF7A  }
0x23: {  	s9 =	sor.u32 $0xD0000000, s2;
	s6 =	simm.s32 $0x108;
	_ =	swait.ge @!p0 [sflag:s8], $0x0  }
0x24: {  	s3 =	sadd.s32 $0x88, s3;
	s6 =	simm.s32 @!p1 $0x1082;
	[sflag:s4] =	ssyncset.s32 $0xFFFFF086  }
0x25: {  	[simem:s6], [sflag:s4] =	dma.local [hbm:s3], $0xF7A  }
0x26: {  	[smem:$0x3F9E] =	sst s1;
	(tag) =	ssettag s2;
	_ =	strace s9  }
0x27: {  	s1 =	sld [smem:$0x3FAE]  }
0x28: {  	s2 =	sld [smem:$0x3FAF]  }
0x29: {  	s4 =	sld [smem:$0x3FB1]  }
0x2a: {  	p0 =	seq.s32 s5, $0x0;
	s5 =	sld [smem:$0x3FB2]  }
0x2b: {  	s6 =	sld [smem:$0x3FB3]  }
0x2c: {  	s7 =	sld [smem:$0x3FB4]  }
0x2d: {  	s3 =	simm.s32 $0x108;
	s8 =	sld [smem:$0x3FB5]  }
0x2e: {  	s3 =	simm.s32 @!p0 $0x1082;
	s9 =	sld [smem:$0x3FB6]  }
0x2f: {  	lr =	sadd.s32 s0, s3;
	s0 =	sld [smem:$0x3FAD]  }
0x30: {  	s3 =	sld [smem:$0x3FB0]  }
0x31: {  	[smem:$0x3FB9] =	sst s10  }
0x32: {  	s10 =	sld [smem:$0x3FB7];
	_ =	sdelay $0x3  }
0x33: {  	p0 =	seq.s32 s10, $0x1;
	s10 =	sld [smem:$0x3FB9];
	_ =	sdelay $0x3  }
0x34: {  	[smem:$0x3FB9] =	sst s10  }
0x35: {  	s10 =	sld [smem:$0x3FB8];
	_ =	sdelay $0x3  }
0x36: {  	p1 =	seq.s32 s10, $0x1;
	s10 =	sld [smem:$0x3FB9];
	_ =	sdelay $0x3  }
0x37: {  	[smem:$0x3FB9] =	sst s10  }
0x38: {  	s10 =	sld [smem:$0x3FBA]  }
0x39: {  	_ = 	snop;
	(pc) =	sbr.ind lr, $3  }
0x3a: {  	_ = 	snop  }
0x3b: {  	_ = 	snop  }
0x3c: {  	p2 =	seq.s32 s10, $0x1;
	s10 =	sld [smem:$0x3FB9]  }
0x3d: {  	_ =	shalt  }
0x3e: {  	_ =	shalt  }
0x3f: {  	_ =	shalt  }
0x40: {  	_ =	shalt  }
0x41: {  	_ =	shalt  }
0x42: {  	_ =	shalt  }
0x43: {  	_ =	shalt  }
0x44: {  	_ =	shalt  }
0x45: {  	_ =	shalt  }
0x46: {  	_ =	shalt  }
0x47: {  	_ =	shalt  }
0x48: {  	_ =	shalt  }
0x49: {  	_ =	shalt  }
0x4a: {  	_ =	shalt  }
0x4b: {  	_ =	shalt  }
0x4c: {  	_ =	shalt  }
0x4d: {  	_ =	shalt  }
0x4e: {  	_ =	shalt  }
0x4f: {  	_ =	shalt  }
0x50: {  	_ =	shalt  }
0x51: {  	_ =	shalt  }
0x52: {  	_ =	shalt  }
0x53: {  	_ =	shalt  }
0x54: {  	_ =	shalt  }
0x55: {  	_ =	shalt  }
0x56: {  	_ =	shalt  }
0x57: {  	_ =	shalt  }
0x58: {  	_ =	shalt  }
0x59: {  	_ =	shalt  }
0x5a: {  	_ =	shalt  }
0x5b: {  	_ =	shalt  }
0x5c: {  	_ =	shalt  }
0x5d: {  	_ =	shalt  }
0x5e: {  	_ =	shalt  }
0x5f: {  	_ =	shalt  }
0x60: {  	_ =	shalt  }
0x61: {  	_ =	shalt  }
0x62: {  	_ =	shalt  }
0x63: {  	_ =	shalt  }
0x64: {  	_ =	shalt  }
0x65: {  	_ =	shalt  }
0x66: {  	_ =	shalt  }
0x67: {  	_ =	shalt  }
0x68: {  	_ =	shalt  }
0x69: {  	_ =	shalt  }
0x6a: {  	_ =	shalt  }
0x6b: {  	_ =	shalt  }
0x6c: {  	_ =	shalt  }
0x6d: {  	_ =	shalt  }
0x6e: {  	_ =	shalt  }
0x6f: {  	_ =	shalt  }
0x70: {  	_ =	shalt  }
0x71: {  	_ =	shalt  }
0x72: {  	_ =	shalt  }
0x73: {  	_ =	shalt  }
0x74: {  	_ =	shalt  }
0x75: {  	_ =	shalt  }
0x76: {  	_ =	shalt  }
0x77: {  	_ =	shalt  }
0x78: {  	_ =	shalt  }
0x79: {  	_ =	shalt  }
0x7a: {  	_ =	shalt  }
0x7b: {  	_ =	shalt  }
0x7c: {  	_ =	shalt  }
0x7d: {  	_ =	shalt  }
0x7e: {  	_ =	shalt  }
0x7f: {  	_ =	shalt  }
0x80: {  	_ =	shalt  }
0x81: {  	_ =	shalt  }
0x82: {  	_ =	shalt  }
0x83: {  	_ =	shalt  }
0x84: {  	_ =	shalt  }
0x85: {  	_ =	shalt  }
0x86: {  	_ =	shalt  }
0x87: {  	_ =	shalt  }
.Lfunc_end0:
.L_simem_size_0:
called_computation_lowered:
.L_overlay_start_0:
0x88: {  	s2 =	sld [smem:$0x3FD9]  }
0x89: {  	s3 =	sld [smem:$0x3FFE];
	_ =	sdelay $0x1  }
0x8a: {  	s1 =	srdreg.scid  }
0x8b: {  	s0 =	sand.u32 $0x1, s1  }
0x8c: {  	s18 =	sshll.u32 s0, $0xA;
	s2 =	sadd.s32 s3, s2  }
0x8d: {  	s2 =	sadd.s32 s2, s18  }
0x8e: {  	[smem:$0x3FC5] =	sst s2  }
0x8f: {  	_ = 	snop  }
0x90: {  	s2 =	sld [smem:$0x3FC9]  }
0x91: {  	s19 =	sld [smem:$0x3FC8]  }
0x92: {  	s4 =	sld [smem:$0x3FD0];
	(tm) =	ssettm $0x1  }
0x93: {  	s5 =	sld [smem:$0x3FFB];
	_ =	sdelay $0x3  }
0x94: {  	_ =	strace s5  }
0x95: {  	s5 =	sld [smem:$0x3FFC];
	_ =	sdelay $0x3  }
0x96: {  	_ =	strace s5  }
0x97: {  	s5 =	sld [smem:$0x3FFD];
	_ =	sdelay $0x3  }
0x98: {  	_ =	strace s5  }
0x99: {  	_ =	strace $0x8FFFFFFF  }
0x9a: {  	s20 =	sld [smem:$0x3FDB];
	_ =	sdelay $0x1  }
0x9b: {  	s6 =	simm.s32 $_scs_section_size  }
0x9c: {  	s7 =	simm.s32 $_size__tile_overlayer_lowered;
	s8 =	simm.s32 $_tile_overlayer_lowered  }
0x9d: {  	s23 =	simm.s32 $0x1BFF;
	s22 =	sshll.u32 s8, $0x1;
	s5 =	sadd.s32 s6, s20  }
0x9e: {  	s9 =	simm.s32 $0x0;
	s21 =	sshll.u32 s7, $0x1;
	s7 =	sadd.s32 s22, s5  }
0x9f: {  	[timem:s9], [sflag:s23] =	dma.local [hbm:s7], s21  }
0xa0: {  	_ =	swait.ge [sflag:s23], s21  }
0xa1: {  	s6 =	ssub.s32 $0x0, s21;
	[sflag:s23] =	ssyncset.done $0x0  }
0xa2: {  	[sflag:s23] =	ssyncadd.s32 s6;
	_ =	sdelay $0x1  }
0xa3: {  	s24 =	simm.s32 $0x1B8B  }
0xa4: {  	_ =	swait.ge [sflag:s24], $0x1  }
0xa5: {  	[sflag:s24] =	ssyncset.done $0x0  }
0xa6: {  	s25 =	simm.s32 $0x1B8E;
	[sflag:s24] =	ssyncadd.s32 $0xFFFFFFFF  }
0xa7: {  	s26 =	simm.s32 $execute0_lowered;
	[smem:$0x3FD2] =	sst s25  }
0xa8: {  	s6 =	sshll.u32 s26, $0x1;
	_ =	strace $0x80000046;
	[dreg:$0x1] =	wrdreg $0xFFFFFFFF  }
0xa9: {  	s28 =	simm.s32 $_size_execute0_lowered;
	s5 =	sadd.s32 s5, s6;
	[dreg:$0x0] =	wrdreg $0x0  }
0xaa: {  	s6 =	sshll.u32 s28, $0x1;
	[dreg:$0x2] =	wrdreg s5  }
0xab: {  	[dreg:$0x3] =	wrdreg s6  }
0xac: {  	[dreg:$0x4] =	wrdreg $0xC0  }
0xad: {  	_ =	task [dreg:s9], $0x5FFFF  }
0xae: {  	[dreg:$0x1] =	wrdreg $0xFFFFFFFF  }
0xaf: {  	[dreg:$0x0] =	wrdreg $0x60  }
0xb0: {  	[dreg:$0x2] =	wrdreg s19  }
0xb1: {  	[dreg:$0x3] =	wrdreg s2  }
0xb2: {  	[dreg:$0x4] =	wrdreg s4  }
0xb3: {  	[dreg:$0x5] =	wrdreg $0x9  }
0xb4: {  	_ =	task.clear_ibuf [dreg:s9], $0x6FFFF;
	_ =	strace $0x90000046  }
0xb5: {  	s29 =	simm.s32 $0x9;
	_ =	strace $0x80000048  }
0xb6: {  	_ =	swait.ge [sflag:s29], $0x1  }
0xb7: {  	[sflag:s29] =	ssyncadd.s32 $0xFFFFFFFF  }
0xb8: {  	_ =	strace $0x90000048  }
0xb9: {  	_ =	sfence  }
0xba: {  	s30 =	sld [smem:$0x0];
	_ =	sdelay $0x2  }
0xbb: {  	s31 =	sshll.u32 s1, $0xD;
	s1 =	sshrl.u32 s1, $0x2  }
0xbc: {  	s3 =	sand.u32 $0x4000, s31;
	s1 =	sadd.s32 s1, s30  }
0xbd: {  	s0 =	sor.u32 s3, s0;
	s1 =	sshll.u32 s1, $0x11  }
0xbe: {  	s0 =	sor.u32 s1, s0  }
0xbf: {  	s0 =	sadd.s32 $0x8F2B, s0  }
0xc0: {  	[sflag:s0] =	ssyncadd.remote.s32 $0x1  }
0xc1: {  	_ =	sfence.sel $0xFFFF  }
0xc2: {  	[dreg:$0x0] =	wrdreg $0xFFFFFFFF;
	(pc) =	sbr.abs _section_cstart, $3  }
0xc3: {  	[dreg:$0x1] =	wrdreg $0xFFFFFFFF  }
0xc4: {  	_ =	task.clear_ibuf [dreg:s9], $0x2FFFF;
	_ =	strace $0x9FFFFFFF  }
0xc5: {  	(tm) =	ssettm $0x7FFFFFFF  }
tec
execute0_lowered:
.L_overlay_start_1:
0x0: {  	(tag) =	ssettag $0x1  }
0x1: {  	s2 =	srdreg.scid  }
0x2: {  	s1 =	rddreg [dreg:$0x0];
	s0 =	stileid.u32;
	s2 =	sand.u32 $0x1, s2  }
0x3: {  	s4 =	rddreg [dreg:$0x1];
	s3 =	sshll.u32 s0, $0x8;
	s5 =	sshll.u32 s2, $0x7  }
0x4: {  	s6 =	rddreg [dreg:$0x2];
	s5 =	sor.u32 s5, s3;
	s3 =	simm.s32 $0x0  }
0x5: {  	s24 =	simm.s32 $0x880;
	[smem:$0x7FF] =	sst s3  }
0x6: {  	s25 =	simm.s32 $0x1080;
	_ =	strace $0x80000047;
	[dreg:$0x6] =	wrdreg s24  }
0x7: {  	s26 =	simm.s32 $0x1880;
	[dreg:$0x7] =	wrdreg s25  }
0x8: {  	s0 =	simm.s32 $0x2080;
	[dreg:$0x8] =	wrdreg s26  }
0x9: {  	s8 =	simm.s32 $0x4080;
	[dreg:$0x9] =	wrdreg s0  }
0xa: {  	s9 =	simm.s32 $0x4880;
	s10 =	simm.s32 $0x5080;
	[dreg:$0xd] =	wrdreg s8  }
0xb: {  	s11 =	simm.s32 $0x5880;
	s12 =	simm.s32 $0x6080;
	[dreg:$0xe] =	wrdreg s9  }
0xc: {  	s13 =	simm.s32 $0x6880;
	s14 =	simm.s32 $0x7080;
	[dreg:$0xf] =	wrdreg s10  }
0xd: {  	s15 =	simm.s32 $0x7880;
	s16 =	simm.s32 $0x8080;
	[dreg:$0x10] =	wrdreg s11  }
0xe: {  	s17 =	simm.s32 $0x8880;
	s18 =	simm.s32 $0x9080;
	[dreg:$0x11] =	wrdreg s12  }
0xf: {  	s20 =	simm.s32 $0x9880;
	s21 =	simm.s32 $0xA080;
	[dreg:$0x12] =	wrdreg s13  }
0x10: {  	s22 =	simm.s32 $0xA880;
	s28 =	simm.s32 $0x16080;
	[dreg:$0x13] =	wrdreg s14  }
0x11: {  	s29 =	simm.s32 $0x16880;
	s30 =	simm.s32 $0x17080;
	[dreg:$0x14] =	wrdreg s15  }
0x12: {  	s31 =	simm.s32 $0x17880;
	s2 =	ssub.s32 $0x2, s2;
	[dreg:$0x15] =	wrdreg s16  }
0x13: {  	s19 =	sshrl.u32 s2, $0x1;
	s7 =	sshrl.u32 s5, $0x3;
	[dreg:$0x16] =	wrdreg s17  }
0x14: {  	s5 =	sshrl.u32 s5, $0x1;
	s2 =	ssub.s32 s2, s19;
	[dreg:$0x17] =	wrdreg s18  }
0x15: {  	s19 =	simm.s32 $0x12080;
	s7 =	smul.u32 $0x300, s7;
	[dreg:$0x18] =	wrdreg s20  }
0x16: {  	s4 =	sadd.s32 s4, s5;
	s5 =	simm.s32 $0x2880;
	[dreg:$0x19] =	wrdreg s21  }
0x17: {  	[dreg:$0x1a] =	wrdreg s22;
	s24 =	simm.s32 $0xB880;
	s25 =	simm.s32 $0xC080  }
0x18: {  	s8 =	simm.s32 $0x80;
	s26 =	simm.s32 $0xC880;
	s10 =	simm.s32 $0xD880  }
0x19: {  	s11 =	simm.s32 $0xE080;
	s12 =	simm.s32 $0xE880;
	s13 =	simm.s32 $0xF080  }
0x1a: {  	s14 =	simm.s32 $0xF880;
	s15 =	simm.s32 $0x10080;
	[dreg:$0x4] =	wrdreg s4  }
0x1b: {  	s16 =	simm.s32 $0x10880;
	s17 =	simm.s32 $0x11080;
	[dreg:$0xa] =	wrdreg s5  }
0x1c: {  	s18 =	simm.s32 $0x11880;
	s20 =	simm.s32 $0x12880;
	[dreg:$0x1c] =	wrdreg s24  }
0x1d: {  	s21 =	simm.s32 $0x13080;
	s22 =	simm.s32 $0x13880;
	[dreg:$0x1d] =	wrdreg s25  }
0x1e: {  	s4 =	sadd.s32 $0x100, s1;
	[dreg:$0x1e] =	wrdreg s26;
	s23 =	sadd.s32 s6, s7  }
0x1f: {  	s5 =	sadd.s32 $0x200, s1;
	s6 =	simm.s32 $0x3080;
	[dreg:$0x5] =	wrdreg s23  }
0x20: {  	s24 =	simm.s32 $0x14880;
	s7 =	simm.s32 $0x3880;
	[dreg:$0xb] =	wrdreg s6  }
0x21: {  	v2 =	vlaneseq.u32;
	s25 =	simm.s32 $0x15080;
	s26 =	simm.s32 $0x15880;
	[dreg:$0xc] =	wrdreg s7  }
0x22: {  	vm0 =	vmmov $0xffff;
	v1 =	vshrl.u32 v2, $0x3;
	s23 =	simm.s32 $0xB080;
	s6 =	smax.u32 s2, $0x1;
	s7 =	simm.s32 $0x2  }
0x23: {  	v0 =	vand.u32 $0x7, v2;
	v2 =	vor.u32 $0x8, v2;
	v1 =	vmul.u32 $0x8, v1;
	s2 =	simm.s32 $0x1;
	[dreg:$0x1b] =	wrdreg s23;
	s23 =	simm.s32 $0x14080  }
.LBB2_1:
0x24: {  	s0 =	rddreg [dreg:$0x4]  }
0x25: {  	[tilespmem:s3], [sflag:$0x2] =	stream.linear.gather [hbm4b:s0+s3], $0x80, $0x38;
	[tilespmem:$0x18080] =	vst v63  }
0x26: {  	_ =	swait.ge [sflag:s7], $0x80  }
0x27: {  	[sflag:s7] =	ssyncset.done $0x0  }
0x28: {  	[sflag:s7] =	ssyncadd.s32 $0xFFFFFF80  }
0x29: {  	v3 =	vld [tilespmem:$0x0];
	_ =	sdelay $0x4  }
0x2a: {  	v4 =	vshrl.u32 v3, $0x3  }
0x2b: {  	v4 =	vmul.u32 $0x30, v4  }
0x2c: {  	v3 =	vand.u32 $0x7, v3  }
0x2d: {  	v3 =	vor.u32 v3, v4  }
0x2e: {  	v4 =	vperm.xlane v3, v0;
	_ =	sdelay $0x1  }
0x2f: {  	v4 =	vadd.s32 v1, v4;
	_ =	sdelay $0x3  }
0x30: {  	v3 =	vperm.xlane v3, v2  }
0x31: {  	[tilespmem:s8], [sflag:$0x1] =	stream.indirect_vreg.gather [hbm4b:s1+s3], $0x80, v4, vm0, $0xb8;
	[tilespmem:$0x18080] =	vst v63  }
0x32: {  	s0 =	rddreg [dreg:$0x6];
	v3 =	vadd.s32 v1, v3  }
0x33: {  	[tilespmem:s0], [sflag:$0x1] =	stream.indirect_vreg.gather [hbm4b:s4+s3], $0x80, v4, vm0, $0xb8;
	[tilespmem:$0x18080] =	vst v63  }
0x34: {  	s9 =	rddreg [dreg:$0x7]  }
0x35: {  	[tilespmem:s9], [sflag:$0x1] =	stream.indirect_vreg.gather [hbm4b:s5+s3], $0x80, v4, vm0, $0xb8;
	[tilespmem:$0x18080] =	vst v63  }
0x36: {  	s0 =	rddreg [dreg:$0x8]  }
0x37: {  	[tilespmem:s0], [sflag:$0x1] =	stream.indirect_vreg.gather [hbm4b:s1+s3], $0x80, v3, vm0, $0xb8;
	[tilespmem:$0x18080] =	vst v63  }
0x38: {  	s9 =	rddreg [dreg:$0x9]  }
0x39: {  	[tilespmem:s9], [sflag:$0x1] =	stream.indirect_vreg.gather [hbm4b:s4+s3], $0x80, v3, vm0, $0xb8;
	[tilespmem:$0x18080] =	vst v63  }
0x3a: {  	s0 =	rddreg [dreg:$0xa]  }
0x3b: {  	[tilespmem:s0], [sflag:$0x1] =	stream.indirect_vreg.gather [hbm4b:s5+s3], $0x80, v3, vm0, $0xb8;
	[tilespmem:$0x18080] =	vst v63  }
0x3c: {  	v3 =	vld [tilespmem:$0x10];
	_ =	sdelay $0x4  }
0x3d: {  	v57 =	vshrl.u32 v3, $0x3  }
0x3e: {  	v4 =	vmul.u32 $0x30, v57  }
0x3f: {  	v3 =	vand.u32 $0x7, v3  }
0x40: {  	v3 =	vor.u32 v3, v4  }
0x41: {  	v4 =	vperm.xlane v3, v0;
	_ =	sdelay $0x1  }
0x42: {  	v4 =	vadd.s32 v1, v4;
	_ =	sdelay $0x3  }
0x43: {  	s0 =	rddreg [dreg:$0xb];
	v3 =	vperm.xlane v3, v2  }
0x44: {  	[tilespmem:s0], [sflag:$0x1] =	stream.indirect_vreg.gather [hbm4b:s1+s3], $0x80, v4, vm0, $0xb8;
	[tilespmem:$0x18080] =	vst v63  }
0x45: {  	s9 =	rddreg [dreg:$0xc];
	v3 =	vadd.s32 v1, v3  }
0x46: {  	[tilespmem:s9], [sflag:$0x1] =	stream.indirect_vreg.gather [hbm4b:s4+s3], $0x80, v4, vm0, $0xb8;
	[tilespmem:$0x18080] =	vst v63  }
0x47: {  	s0 =	rddreg [dreg:$0xd]  }
0x48: {  	[tilespmem:s0], [sflag:$0x1] =	stream.indirect_vreg.gather [hbm4b:s5+s3], $0x80, v4, vm0, $0xb8;
	[tilespmem:$0x18080] =	vst v63  }
0x49: {  	s9 =	rddreg [dreg:$0xe]  }
0x4a: {  	[tilespmem:s9], [sflag:$0x1] =	stream.indirect_vreg.gather [hbm4b:s1+s3], $0x80, v3, vm0, $0xb8;
	[tilespmem:$0x18080] =	vst v63  }
0x4b: {  	s0 =	rddreg [dreg:$0xf]  }
0x4c: {  	[tilespmem:s0], [sflag:$0x1] =	stream.indirect_vreg.gather [hbm4b:s4+s3], $0x80, v3, vm0, $0xb8;
	[tilespmem:$0x18080] =	vst v63  }
0x4d: {  	s9 =	rddreg [dreg:$0x10]  }
0x4e: {  	[tilespmem:s9], [sflag:$0x1] =	stream.indirect_vreg.gather [hbm4b:s5+s3], $0x80, v3, vm0, $0xb8;
	[tilespmem:$0x18080] =	vst v63  }
0x4f: {  	v3 =	vld [tilespmem:$0x20];
	_ =	sdelay $0x4  }
0x50: {  	v58 =	vshrl.u32 v3, $0x3  }
0x51: {  	v4 =	vmul.u32 $0x30, v58  }
0x52: {  	v3 =	vand.u32 $0x7, v3  }
0x53: {  	v3 =	vor.u32 v3, v4  }
0x54: {  	v4 =	vperm.xlane v3, v0;
	_ =	sdelay $0x1  }
0x55: {  	v4 =	vadd.s32 v1, v4;
	_ =	sdelay $0x3  }
0x56: {  	s0 =	rddreg [dreg:$0x11];
	v3 =	vperm.xlane v3, v2  }
0x57: {  	[tilespmem:s0], [sflag:$0x1] =	stream.indirect_vreg.gather [hbm4b:s1+s3], $0x80, v4, vm0, $0xb8;
	[tilespmem:$0x18080] =	vst v63  }
0x58: {  	s9 =	rddreg [dreg:$0x12];
	v3 =	vadd.s32 v1, v3  }
0x59: {  	[tilespmem:s9], [sflag:$0x1] =	stream.indirect_vreg.gather [hbm4b:s4+s3], $0x80, v4, vm0, $0xb8;
	[tilespmem:$0x18080] =	vst v63  }
0x5a: {  	s0 =	rddreg [dreg:$0x13]  }
0x5b: {  	[tilespmem:s0], [sflag:$0x1] =	stream.indirect_vreg.gather [hbm4b:s5+s3], $0x80, v4, vm0, $0xb8;
	[tilespmem:$0x18080] =	vst v63  }
0x5c: {  	s9 =	rddreg [dreg:$0x14]  }
0x5d: {  	[tilespmem:s9], [sflag:$0x1] =	stream.indirect_vreg.gather [hbm4b:s1+s3], $0x80, v3, vm0, $0xb8;
	[tilespmem:$0x18080] =	vst v63  }
0x5e: {  	s0 =	rddreg [dreg:$0x15]  }
0x5f: {  	[tilespmem:s0], [sflag:$0x1] =	stream.indirect_vreg.gather [hbm4b:s4+s3], $0x80, v3, vm0, $0xb8;
	[tilespmem:$0x18080] =	vst v63  }
0x60: {  	s9 =	rddreg [dreg:$0x16]  }
0x61: {  	[tilespmem:s9], [sflag:$0x1] =	stream.indirect_vreg.gather [hbm4b:s5+s3], $0x80, v3, vm0, $0xb8;
	[tilespmem:$0x18080] =	vst v63  }
0x62: {  	v3 =	vld [tilespmem:$0x30];
	_ =	sdelay $0x4  }
0x63: {  	v59 =	vshrl.u32 v3, $0x3  }
0x64: {  	v4 =	vmul.u32 $0x30, v59  }
0x65: {  	v3 =	vand.u32 $0x7, v3  }
0x66: {  	v3 =	vor.u32 v3, v4  }
0x67: {  	v4 =	vperm.xlane v3, v0;
	_ =	sdelay $0x1  }
0x68: {  	v4 =	vadd.s32 v1, v4;
	_ =	sdelay $0x3  }
0x69: {  	s0 =	rddreg [dreg:$0x17];
	v3 =	vperm.xlane v3, v2  }
0x6a: {  	[tilespmem:s0], [sflag:$0x1] =	stream.indirect_vreg.gather [hbm4b:s1+s3], $0x80, v4, vm0, $0xb8;
	[tilespmem:$0x18080] =	vst v63  }
0x6b: {  	s9 =	rddreg [dreg:$0x18];
	v3 =	vadd.s32 v1, v3  }
0x6c: {  	[tilespmem:s9], [sflag:$0x1] =	stream.indirect_vreg.gather [hbm4b:s4+s3], $0x80, v4, vm0, $0xb8;
	[tilespmem:$0x18080] =	vst v63  }
0x6d: {  	s0 =	rddreg [dreg:$0x19]  }
0x6e: {  	[tilespmem:s0], [sflag:$0x1] =	stream.indirect_vreg.gather [hbm4b:s5+s3], $0x80, v4, vm0, $0xb8;
	[tilespmem:$0x18080] =	vst v63  }
0x6f: {  	s9 =	rddreg [dreg:$0x1a]  }
0x70: {  	[tilespmem:s9], [sflag:$0x1] =	stream.indirect_vreg.gather [hbm4b:s1+s3], $0x80, v3, vm0, $0xb8;
	[tilespmem:$0x18080] =	vst v63  }
0x71: {  	s0 =	rddreg [dreg:$0x1b]  }
0x72: {  	[tilespmem:s0], [sflag:$0x1] =	stream.indirect_vreg.gather [hbm4b:s4+s3], $0x80, v3, vm0, $0xb8;
	[tilespmem:$0x18080] =	vst v63  }
0x73: {  	s9 =	rddreg [dreg:$0x1c]  }
0x74: {  	[tilespmem:s9], [sflag:$0x1] =	stream.indirect_vreg.gather [hbm4b:s5+s3], $0x80, v3, vm0, $0xb8;
	[tilespmem:$0x18080] =	vst v63  }
0x75: {  	v3 =	vld [tilespmem:$0x40];
	_ =	sdelay $0x4  }
0x76: {  	v60 =	vshrl.u32 v3, $0x3  }
0x77: {  	v4 =	vmul.u32 $0x30, v60  }
0x78: {  	v3 =	vand.u32 $0x7, v3  }
0x79: {  	v3 =	vor.u32 v3, v4  }
0x7a: {  	v4 =	vperm.xlane v3, v0;
	_ =	sdelay $0x1  }
0x7b: {  	v4 =	vadd.s32 v1, v4;
	_ =	sdelay $0x3  }
0x7c: {  	s0 =	rddreg [dreg:$0x1d];
	v3 =	vperm.xlane v3, v2  }
0x7d: {  	[tilespmem:s0], [sflag:$0x1] =	stream.indirect_vreg.gather [hbm4b:s1+s3], $0x80, v4, vm0, $0xb8;
	[tilespmem:$0x18080] =	vst v63  }
0x7e: {  	s9 =	rddreg [dreg:$0x1e];
	v3 =	vadd.s32 v1, v3  }
0x7f: {  	[tilespmem:s9], [sflag:$0x1] =	stream.indirect_vreg.gather [hbm4b:s4+s3], $0x80, v4, vm0, $0xb8;
	[tilespmem:$0x18080] =	vst v63  }
0x80: {  	s9 =	simm.s32 $0xD080  }
0x81: {  	[tilespmem:s9], [sflag:$0x1] =	stream.indirect_vreg.gather [hbm4b:s5+s3], $0x80, v4, vm0, $0xb8;
	[tilespmem:$0x18080] =	vst v63  }
0x82: {  	_ = 	snop  }
0x83: {  	[tilespmem:s10], [sflag:$0x1] =	stream.indirect_vreg.gather [hbm4b:s1+s3], $0x80, v3, vm0, $0xb8;
	[tilespmem:$0x18080] =	vst v63  }
0x84: {  	_ = 	snop  }
0x85: {  	[tilespmem:s11], [sflag:$0x1] =	stream.indirect_vreg.gather [hbm4b:s4+s3], $0x80, v3, vm0, $0xb8;
	[tilespmem:$0x18080] =	vst v63  }
0x86: {  	_ = 	snop  }
0x87: {  	[tilespmem:s12], [sflag:$0x1] =	stream.indirect_vreg.gather [hbm4b:s5+s3], $0x80, v3, vm0, $0xb8;
	[tilespmem:$0x18080] =	vst v63  }
0x88: {  	v3 =	vld [tilespmem:$0x50];
	_ =	sdelay $0x4  }
0x89: {  	v61 =	vshrl.u32 v3, $0x3  }
0x8a: {  	v4 =	vmul.u32 $0x30, v61  }
0x8b: {  	v3 =	vand.u32 $0x7, v3  }
0x8c: {  	v3 =	vor.u32 v3, v4  }
0x8d: {  	v4 =	vperm.xlane v3, v0;
	_ =	sdelay $0x1  }
0x8e: {  	v4 =	vadd.s32 v1, v4;
	_ =	sdelay $0x3  }
0x8f: {  	v3 =	vperm.xlane v3, v2  }
0x90: {  	[tilespmem:s13], [sflag:$0x1] =	stream.indirect_vreg.gather [hbm4b:s1+s3], $0x80, v4, vm0, $0xb8;
	[tilespmem:$0x18080] =	vst v63  }
0x91: {  	v3 =	vadd.s32 v1, v3  }
0x92: {  	[tilespmem:s14], [sflag:$0x1] =	stream.indirect_vreg.gather [hbm4b:s4+s3], $0x80, v4, vm0, $0xb8;
	[tilespmem:$0x18080] =	vst v63  }
0x93: {  	_ = 	snop  }
0x94: {  	[tilespmem:s15], [sflag:$0x1] =	stream.indirect_vreg.gather [hbm4b:s5+s3], $0x80, v4, vm0, $0xb8;
	[tilespmem:$0x18080] =	vst v63  }
0x95: {  	_ = 	snop  }
0x96: {  	[tilespmem:s16], [sflag:$0x1] =	stream.indirect_vreg.gather [hbm4b:s1+s3], $0x80, v3, vm0, $0xb8;
	[tilespmem:$0x18080] =	vst v63  }
0x97: {  	_ = 	snop  }
0x98: {  	[tilespmem:s17], [sflag:$0x1] =	stream.indirect_vreg.gather [hbm4b:s4+s3], $0x80, v3, vm0, $0xb8;
	[tilespmem:$0x18080] =	vst v63  }
0x99: {  	_ = 	snop  }
0x9a: {  	[tilespmem:s18], [sflag:$0x1] =	stream.indirect_vreg.gather [hbm4b:s5+s3], $0x80, v3, vm0, $0xb8;
	[tilespmem:$0x18080] =	vst v63  }
0x9b: {  	v3 =	vld [tilespmem:$0x60];
	_ =	sdelay $0x4  }
0x9c: {  	v62 =	vshrl.u32 v3, $0x3  }
0x9d: {  	v4 =	vmul.u32 $0x30, v62  }
0x9e: {  	v3 =	vand.u32 $0x7, v3  }
0x9f: {  	v3 =	vor.u32 v3, v4  }
0xa0: {  	v4 =	vperm.xlane v3, v0;
	_ =	sdelay $0x1  }
0xa1: {  	v4 =	vadd.s32 v1, v4;
	_ =	sdelay $0x3  }
0xa2: {  	v3 =	vperm.xlane v3, v2  }
0xa3: {  	[tilespmem:s19], [sflag:$0x1] =	stream.indirect_vreg.gather [hbm4b:s1+s3], $0x80, v4, vm0, $0xb8;
	[tilespmem:$0x18080] =	vst v63  }
0xa4: {  	v3 =	vadd.s32 v1, v3  }
0xa5: {  	[tilespmem:s20], [sflag:$0x1] =	stream.indirect_vreg.gather [hbm4b:s4+s3], $0x80, v4, vm0, $0xb8;
	[tilespmem:$0x18080] =	vst v63  }
0xa6: {  	_ = 	snop  }
0xa7: {  	[tilespmem:s21], [sflag:$0x1] =	stream.indirect_vreg.gather [hbm4b:s5+s3], $0x80, v4, vm0, $0xb8;
	[tilespmem:$0x18080] =	vst v63  }
0xa8: {  	_ = 	snop  }
0xa9: {  	[tilespmem:s22], [sflag:$0x1] =	stream.indirect_vreg.gather [hbm4b:s1+s3], $0x80, v3, vm0, $0xb8;
	[tilespmem:$0x18080] =	vst v63  }
0xaa: {  	_ = 	snop  }
0xab: {  	[tilespmem:s23], [sflag:$0x1] =	stream.indirect_vreg.gather [hbm4b:s4+s3], $0x80, v3, vm0, $0xb8;
	[tilespmem:$0x18080] =	vst v63  }
0xac: {  	_ = 	snop  }
0xad: {  	[tilespmem:s24], [sflag:$0x1] =	stream.indirect_vreg.gather [hbm4b:s5+s3], $0x80, v3, vm0, $0xb8;
	[tilespmem:$0x18080] =	vst v63  }
0xae: {  	v3 =	vld [tilespmem:$0x70];
	_ =	sdelay $0x4  }
0xaf: {  	v63 =	vshrl.u32 v3, $0x3  }
0xb0: {  	v4 =	vmul.u32 $0x30, v63  }
0xb1: {  	v3 =	vand.u32 $0x7, v3  }
0xb2: {  	v3 =	vor.u32 v3, v4  }
0xb3: {  	v4 =	vperm.xlane v3, v0;
	_ =	sdelay $0x1  }
0xb4: {  	v4 =	vadd.s32 v1, v4;
	_ =	sdelay $0x3  }
0xb5: {  	v3 =	vperm.xlane v3, v2  }
0xb6: {  	[tilespmem:s25], [sflag:$0x1] =	stream.indirect_vreg.gather [hbm4b:s1+s3], $0x80, v4, vm0, $0xb8;
	[tilespmem:$0x18080] =	vst v63  }
0xb7: {  	v3 =	vadd.s32 v1, v3  }
0xb8: {  	[tilespmem:s26], [sflag:$0x1] =	stream.indirect_vreg.gather [hbm4b:s4+s3], $0x80, v4, vm0, $0xb8;
	[tilespmem:$0x18080] =	vst v63  }
0xb9: {  	_ = 	snop  }
0xba: {  	[tilespmem:s28], [sflag:$0x1] =	stream.indirect_vreg.gather [hbm4b:s5+s3], $0x80, v4, vm0, $0xb8;
	[tilespmem:$0x18080] =	vst v63  }
0xbb: {  	_ = 	snop  }
0xbc: {  	[tilespmem:s29], [sflag:$0x1] =	stream.indirect_vreg.gather [hbm4b:s1+s3], $0x80, v3, vm0, $0xb8;
	[tilespmem:$0x18080] =	vst v63  }
0xbd: {  	_ = 	snop  }
0xbe: {  	[tilespmem:s30], [sflag:$0x1] =	stream.indirect_vreg.gather [hbm4b:s4+s3], $0x80, v3, vm0, $0xb8;
	[tilespmem:$0x18080] =	vst v63  }
0xbf: {  	_ = 	snop  }
0xc0: {  	[tilespmem:s31], [sflag:$0x1] =	stream.indirect_vreg.gather [hbm4b:s5+s3], $0x80, v3, vm0, $0xb8;
	[tilespmem:$0x18080] =	vst v63  }
0xc1: {  	_ =	swait.ge [sflag:s2], $0x18000  }
0xc2: {  	p0 =	sne.s32 s6, $0x1;
	[sflag:s2] =	ssyncset.done $0x0  }
.Ltmp0:
0xc3: {  	s9 =	rddreg [dreg:$0x5];
	[sflag:s2] =	ssyncadd.s32 $0xFFFE8000;
	(pc) =	sbr.rel @p0 .LBB2_1-.Ltmp0, $4  }
0xc4: {  	[hbm4b:s9+s3] =	stream.linear.scatter [tilespmem:s8], [sflag:$0x2], $0x18000, $0x38;
	[tilespmem:$0x18080] =	vst v63  }
0xc5: {  	_ =	swait.ge [sflag:s7], $0x18000  }
0xc6: {  	[sflag:s7] =	ssyncset.done $0x0  }
0xc7: {  	s6 =	sadd.s32 $0xFFFFFFFF, s6;
	[sflag:s7] =	ssyncadd.s32 $0xFFFE8000  }
0xc8: {  	_ =	sfence.sel $0x180000  }
0xc9: {  	[bflag:$0x0] =	sbarrier.arrive $0xFFFF  }
0xca: {  	_ =	strace $0x90000047  }
0xcb: {  	s0 =	stileid.u32;
	[bflag:$0x2] =	sbarrier.arrive $0xFFFF  }
0xcc: {  	p0 =	sne.s32 s0, $0x0;
	s0 =	rddreg [dreg:$0x3]  }
0xcd: {  	s0 =	sadd.s32 @!p0 $0x100000, s0  }
0xce: {  	[sflag:s0] =	ssyncadd.tile.s32 @!p0 $0x1;
	_ =	shalt  }
.Lfunc_end2:
_tile_overlayer_lowered:
.L_overlay_start_2:
0xcf: {  	(tag) =	ssettag $0x2  }
0xd0: {  	s0 =	rddreg [dreg:$0x0];
	s2 =	stileid.u32  }
0xd1: {  	s1 =	rddreg [dreg:$0x1];
	p0 =	sne.s32 s2, $0x0  }
0xd2: {  	s3 =	rddreg [dreg:$0x2];
	[bflag:$0x3] =	sbarrier.arrive $0xFFFF;
	s2 =	simm.s32 @!p0 $0x1C02  }
0xd3: {  	[timem:s3], [sflag:s2] =	dma.local @!p0 [hbm:s0], s1  }
0xd4: {  	s0 =	simm.s32 @!p0 $0x2  }
0xd5: {  	_ =	swait.ge @!p0 [sflag:s0], s1  }
0xd6: {  	s1 =	ssub.s32 @!p0 $0x0, s1;
	[sflag:s0] =	ssyncset.done @!p0 $0x0  }
0xd7: {  	[sflag:s0] =	ssyncadd.s32 @!p0 s1  }
0xd8: {  	[bflag:$0x3] =	sbarrier.arrive $0xFFFF  }
0xd9: {  	_ =	shalt  }

// kernel: kernel.17.cloned.1.call-start
scs
__scs_entry_jumppad:
0x0: {  	(pc) =	sbr.rel $0x88, $3  }
0x1: {  	(tag) =	ssettag $0x0;
	lr =	simm.s32 $0x1  }
0x2: {  	[smem:$0x3F9E] =	sst lr;
	_ =	strace $0xD0000000  }
0x3: {  	_ = 	snop  }
0x4: {  	_ = 	snop  }
0x5: {  	_ = 	snop  }
0x6: {  	_ = 	snop  }
0x7: {  	_ = 	snop  }
__scs_overlays_trampoline_lowered:
0x8: {  	[smem:$0x3FAD] =	sst s0  }
0x9: {  	[smem:$0x3FAE] =	sst s1  }
0xa: {  	[smem:$0x3FAF] =	sst s2  }
0xb: {  	[smem:$0x3FB0] =	sst s3  }
0xc: {  	[smem:$0x3FB1] =	sst s4  }
0xd: {  	[smem:$0x3FB2] =	sst s5  }
0xe: {  	[smem:$0x3FB3] =	sst s6  }
0xf: {  	[smem:$0x3FB4] =	sst s7  }
0x10: {  	[smem:$0x3FB5] =	sst s8  }
0x11: {  	[smem:$0x3FB6] =	sst s9;
	s0 =	simm.s32 @!p0 $0x0  }
0x12: {  	s1 =	sld [smem:$0x3F9C];
	s0 =	simm.s32 @p0 $0x1  }
0x13: {  	[smem:$0x3FB7] =	sst s0;
	s0 =	simm.s32 @!p1 $0x0  }
0x14: {  	s2 =	sld [smem:$0x3F9B];
	s0 =	simm.s32 @p1 $0x1  }
0x15: {  	[smem:$0x3FB8] =	sst s0;
	s0 =	simm.s32 @!p2 $0x0  }
0x16: {  	s3 =	sld [smem:$0x3FDB];
	s0 =	simm.s32 @p2 $0x1  }
0x17: {  	s4 =	simm.s32 $0x1BF5;
	[smem:$0x3FBA] =	sst s0  }
0x18: {  	s0 =	sld [smem:$0x3F9D];
	_ =	swait.ge [sflag:s4], $0x0  }
0x19: {  	s7 =	sld [smem:$0x3F9E]  }
0x1a: {  	s8 =	sadd.s32 $0xFFFFE003, lr  }
0x1b: {  	s9 =	sadd.s32 $0xFFFFFEF7, lr;
	s5 =	simm.s32 $0xFFFFFFFF;
	p2 =	slt.u32 s8, $0xFFFFF086  }
0x1c: {  	p1 =	slt.u32 s9, $0xF7A;
	s5 =	simm.s32 @!p2 $0x0  }
0x1d: {  	s5 =	simm.s32 @p1 $0x1;
	p0 =	seq.s32 s7, s2  }
0x1e: {  	s7 =	smul.u32 @!p0 $0xF7A, s2;
	p2 =	seq.s32 @!p0 s5, $0x0  }
0x1f: {  	s9 =	smul.u32 $0xF7A, s1;
	s8 =	simm.s32 @!p0 $0x1BF5;
	p2 =	por !p2, p0  }
0x20: {  	[sflag:s8] =	ssyncset.s32 @!p0 $0xFFFFF086;
	s6 =	sadd.s32 @!p0 s3, s7;
	s7 =	simm.s32 @!p0 $0x108  }
0x21: {  	s3 =	sadd.s32 s3, s9;
	s6 =	sadd.s32 @!p0 $0x88, s6;
	s7 =	simm.s32 @p2 $0x1082  }
0x22: {  	[simem:s7], [sflag:s8] =	dma.local @!p0 [hbm:s6], $0xF7A  }
0x23: {  	s9 =	sor.u32 $0xD0000000, s2;
	s6 =	simm.s32 $0x108;
	_ =	swait.ge @!p0 [sflag:s8], $0x0  }
0x24: {  	s3 =	sadd.s32 $0x88, s3;
	s6 =	simm.s32 @!p1 $0x1082;
	[sflag:s4] =	ssyncset.s32 $0xFFFFF086  }
0x25: {  	[simem:s6], [sflag:s4] =	dma.local [hbm:s3], $0xF7A  }
0x26: {  	[smem:$0x3F9E] =	sst s1;
	(tag) =	ssettag s2;
	_ =	strace s9  }
0x27: {  	s1 =	sld [smem:$0x3FAE]  }
0x28: {  	s2 =	sld [smem:$0x3FAF]  }
0x29: {  	s4 =	sld [smem:$0x3FB1]  }
0x2a: {  	p0 =	seq.s32 s5, $0x0;
	s5 =	sld [smem:$0x3FB2]  }
0x2b: {  	s6 =	sld [smem:$0x3FB3]  }
0x2c: {  	s7 =	sld [smem:$0x3FB4]  }
0x2d: {  	s3 =	simm.s32 $0x108;
	s8 =	sld [smem:$0x3FB5]  }
0x2e: {  	s3 =	simm.s32 @!p0 $0x1082;
	s9 =	sld [smem:$0x3FB6]  }
0x2f: {  	lr =	sadd.s32 s0, s3;
	s0 =	sld [smem:$0x3FAD]  }
0x30: {  	s3 =	sld [smem:$0x3FB0]  }
0x31: {  	[smem:$0x3FB9] =	sst s10  }
0x32: {  	s10 =	sld [smem:$0x3FB7];
	_ =	sdelay $0x3  }
0x33: {  	p0 =	seq.s32 s10, $0x1;
	s10 =	sld [smem:$0x3FB9];
	_ =	sdelay $0x3  }
0x34: {  	[smem:$0x3FB9] =	sst s10  }
0x35: {  	s10 =	sld [smem:$0x3FB8];
	_ =	sdelay $0x3  }
0x36: {  	p1 =	seq.s32 s10, $0x1;
	s10 =	sld [smem:$0x3FB9];
	_ =	sdelay $0x3  }
0x37: {  	[smem:$0x3FB9] =	sst s10  }
0x38: {  	s10 =	sld [smem:$0x3FBA]  }
0x39: {  	_ = 	snop;
	(pc) =	sbr.ind lr, $3  }
0x3a: {  	_ = 	snop  }
0x3b: {  	_ = 	snop  }
0x3c: {  	p2 =	seq.s32 s10, $0x1;
	s10 =	sld [smem:$0x3FB9]  }
0x3d: {  	_ =	shalt  }
0x3e: {  	_ =	shalt  }
0x3f: {  	_ =	shalt  }
0x40: {  	_ =	shalt  }
0x41: {  	_ =	shalt  }
0x42: {  	_ =	shalt  }
0x43: {  	_ =	shalt  }
0x44: {  	_ =	shalt  }
0x45: {  	_ =	shalt  }
0x46: {  	_ =	shalt  }
0x47: {  	_ =	shalt  }
0x48: {  	_ =	shalt  }
0x49: {  	_ =	shalt  }
0x4a: {  	_ =	shalt  }
0x4b: {  	_ =	shalt  }
0x4c: {  	_ =	shalt  }
0x4d: {  	_ =	shalt  }
0x4e: {  	_ =	shalt  }
0x4f: {  	_ =	shalt  }
0x50: {  	_ =	shalt  }
0x51: {  	_ =	shalt  }
0x52: {  	_ =	shalt  }
0x53: {  	_ =	shalt  }
0x54: {  	_ =	shalt  }
0x55: {  	_ =	shalt  }
0x56: {  	_ =	shalt  }
0x57: {  	_ =	shalt  }
0x58: {  	_ =	shalt  }
0x59: {  	_ =	shalt  }
0x5a: {  	_ =	shalt  }
0x5b: {  	_ =	shalt  }
0x5c: {  	_ =	shalt  }
0x5d: {  	_ =	shalt  }
0x5e: {  	_ =	shalt  }
0x5f: {  	_ =	shalt  }
0x60: {  	_ =	shalt  }
0x61: {  	_ =	shalt  }
0x62: {  	_ =	shalt  }
0x63: {  	_ =	shalt  }
0x64: {  	_ =	shalt  }
0x65: {  	_ =	shalt  }
0x66: {  	_ =	shalt  }
0x67: {  	_ =	shalt  }
0x68: {  	_ =	shalt  }
0x69: {  	_ =	shalt  }
0x6a: {  	_ =	shalt  }
0x6b: {  	_ =	shalt  }
0x6c: {  	_ =	shalt  }
0x6d: {  	_ =	shalt  }
0x6e: {  	_ =	shalt  }
0x6f: {  	_ =	shalt  }
0x70: {  	_ =	shalt  }
0x71: {  	_ =	shalt  }
0x72: {  	_ =	shalt  }
0x73: {  	_ =	shalt  }
0x74: {  	_ =	shalt  }
0x75: {  	_ =	shalt  }
0x76: {  	_ =	shalt  }
0x77: {  	_ =	shalt  }
0x78: {  	_ =	shalt  }
0x79: {  	_ =	shalt  }
0x7a: {  	_ =	shalt  }
0x7b: {  	_ =	shalt  }
0x7c: {  	_ =	shalt  }
0x7d: {  	_ =	shalt  }
0x7e: {  	_ =	shalt  }
0x7f: {  	_ =	shalt  }
0x80: {  	_ =	shalt  }
0x81: {  	_ =	shalt  }
0x82: {  	_ =	shalt  }
0x83: {  	_ =	shalt  }
0x84: {  	_ =	shalt  }
0x85: {  	_ =	shalt  }
0x86: {  	_ =	shalt  }
0x87: {  	_ =	shalt  }
.Lfunc_end0:
.L_simem_size_0:
called_computation.1_lowered:
.L_overlay_start_0:
0x88: {  	s2 =	sld [smem:$0x3FD9]  }
0x89: {  	s3 =	sld [smem:$0x3FFE];
	_ =	sdelay $0x1  }
0x8a: {  	s1 =	srdreg.scid  }
0x8b: {  	s0 =	sand.u32 $0x1, s1  }
0x8c: {  	s17 =	sshll.u32 s0, $0xA;
	s2 =	sadd.s32 s3, s2  }
0x8d: {  	s2 =	sadd.s32 s2, s17  }
0x8e: {  	[smem:$0x3FC5] =	sst s2  }
0x8f: {  	_ = 	snop  }
0x90: {  	s18 =	sld [smem:$0x3FC9]  }
0x91: {  	s4 =	sld [smem:$0x3FC8];
	(tm) =	ssettm $0x1  }
0x92: {  	s19 =	sld [smem:$0x3FFB];
	_ =	sdelay $0x3  }
0x93: {  	_ =	strace s19  }
0x94: {  	s2 =	sld [smem:$0x3FFC];
	_ =	sdelay $0x3  }
0x95: {  	_ =	strace s2  }
0x96: {  	s2 =	sld [smem:$0x3FFD];
	_ =	sdelay $0x3  }
0x97: {  	_ =	strace s2  }
0x98: {  	_ =	strace $0x8FFFFFFF  }
0x99: {  	s20 =	sld [smem:$0x3FDB];
	_ =	sdelay $0x1  }
0x9a: {  	s5 =	simm.s32 $_scs_section_size  }
0x9b: {  	s6 =	simm.s32 $_size__tile_overlayer_lowered;
	s7 =	simm.s32 $_tile_overlayer_lowered  }
0x9c: {  	s8 =	simm.s32 $0x1BFF;
	s21 =	sshll.u32 s7, $0x1;
	s5 =	sadd.s32 s5, s20  }
0x9d: {  	s22 =	simm.s32 $0x0;
	s6 =	sshll.u32 s6, $0x1;
	s7 =	sadd.s32 s21, s5  }
0x9e: {  	[timem:s22], [sflag:s8] =	dma.local [hbm:s7], s6  }
0x9f: {  	_ =	swait.ge [sflag:s8], s6  }
0xa0: {  	s6 =	ssub.s32 $0x0, s6;
	[sflag:s8] =	ssyncset.done $0x0  }
0xa1: {  	[sflag:s8] =	ssyncadd.s32 s6;
	_ =	sdelay $0x1  }
0xa2: {  	s23 =	simm.s32 $0x1B8B  }
0xa3: {  	_ =	swait.ge [sflag:s23], $0x1  }
0xa4: {  	[sflag:s23] =	ssyncset.done $0x0  }
0xa5: {  	[sflag:s23] =	ssyncadd.s32 $0xFFFFFFFF  }
0xa6: {  	s6 =	sld [smem:$0x0]  }
0xa7: {  	s7 =	sand.u32 $0xFFFFFFFE, s1  }
0xa8: {  	p0 =	sne.s32 s1, s7  }
0xa9: {  	s7 =	sshll.u32 @p0 s7, $0xE  }
0xaa: {  	s7 =	sadd.s32 @p0 $0x11B8D, s7;
	s8 =	sshll.u32 @p0 s6, $0x11  }
0xab: {  	s7 =	sor.u32 @p0 s8, s7  }
0xac: {  	[sflag:s7] =	ssyncadd.remote.s32 @p0 $0x1;
	_ =	sdelay $0x1  }
0xad: {  	s7 =	simm.s32 @p0 $0x1B8D  }
0xae: {  	_ =	swait.eq @p0 [sflag:s7], $0x1  }
0xaf: {  	[sflag:s7] =	ssyncadd.s32 @p0 $0xFFFFFFFF  }
0xb0: {  	s8 =	sshll.u32 @!p0 s1, $0xE  }
0xb1: {  	s8 =	sor.u32 @!p0 $0x4000, s8;
	s7 =	simm.s32 @!p0 $0x1B8D  }
0xb2: {  	s6 =	sshll.u32 @!p0 s6, $0x11;
	s8 =	sadd.s32 @!p0 $0x11B8D, s8;
	_ =	swait.eq @!p0 [sflag:s7], $0x1  }
0xb3: {  	s6 =	sor.u32 @!p0 s6, s8;
	[sflag:s7] =	ssyncadd.s32 @!p0 $0xFFFFFFFF  }
0xb4: {  	s25 =	simm.s32 $0x1B8E;
	s24 =	sld [smem:$0x3FFE];
	[sflag:s6] =	ssyncadd.remote.s32 @!p0 $0x1  }
0xb5: {  	s26 =	simm.s32 $execute0_lowered;
	[smem:$0x3FD2] =	sst s25  }
0xb6: {  	s7 =	sshll.u32 s26, $0x1;
	_ =	strace $0x80000049;
	[dreg:$0x1] =	wrdreg $0xFFFFFFFF  }
0xb7: {  	s28 =	simm.s32 $_size_execute0_lowered;
	s5 =	sadd.s32 s5, s7;
	[dreg:$0x0] =	wrdreg $0x0  }
0xb8: {  	s7 =	sshll.u32 s28, $0x1;
	[dreg:$0x2] =	wrdreg s5  }
0xb9: {  	[dreg:$0x3] =	wrdreg s7  }
0xba: {  	[dreg:$0x4] =	wrdreg $0xC0  }
0xbb: {  	_ =	task [dreg:s22], $0x5FFFF  }
0xbc: {  	[dreg:$0x1] =	wrdreg $0xFFFFFFFF  }
0xbd: {  	[dreg:$0x0] =	wrdreg $0x60  }
0xbe: {  	[dreg:$0x2] =	wrdreg s4  }
0xbf: {  	[dreg:$0x3] =	wrdreg s18  }
0xc0: {  	[dreg:$0x4] =	wrdreg s24  }
0xc1: {  	[dreg:$0x5] =	wrdreg $0xA  }
0xc2: {  	_ =	task.clear_ibuf [dreg:s22], $0x6FFFF;
	_ =	strace $0x90000049  }
0xc3: {  	s29 =	simm.s32 $0xA;
	_ =	strace $0x8000004B  }
0xc4: {  	_ =	swait.ge [sflag:s29], $0x1  }
0xc5: {  	[sflag:s29] =	ssyncadd.s32 $0xFFFFFFFF  }
0xc6: {  	_ =	strace $0x9000004B  }
0xc7: {  	_ =	sfence  }
0xc8: {  	s30 =	sld [smem:$0x0];
	_ =	sdelay $0x2  }
0xc9: {  	s31 =	sshll.u32 s1, $0xD;
	s1 =	sshrl.u32 s1, $0x2  }
0xca: {  	s4 =	sand.u32 $0x4000, s31;
	s1 =	sadd.s32 s1, s30  }
0xcb: {  	s0 =	sor.u32 s4, s0;
	s1 =	sshll.u32 s1, $0x11  }
0xcc: {  	s0 =	sor.u32 s1, s0  }
0xcd: {  	s0 =	sadd.s32 $0x8F2B, s0  }
0xce: {  	[sflag:s0] =	ssyncadd.remote.s32 $0x1  }
0xcf: {  	_ =	sfence.sel $0xFFFF  }
0xd0: {  	[dreg:$0x0] =	wrdreg $0xFFFFFFFF;
	(pc) =	sbr.abs _section_cstart, $3  }
0xd1: {  	[dreg:$0x1] =	wrdreg $0xFFFFFFFF  }
0xd2: {  	_ =	task.clear_ibuf [dreg:s22], $0x2FFFF;
	_ =	strace $0x9FFFFFFF  }
0xd3: {  	(tm) =	ssettm $0x7FFFFFFF  }
tec
execute0_lowered:
.L_overlay_start_1:
0x0: {  	(tag) =	ssettag $0x1  }
0x1: {  	s2 =	srdreg.scid  }
0x2: {  	s1 =	rddreg [dreg:$0x0];
	s0 =	stileid.u32;
	s2 =	sand.u32 $0x1, s2  }
0x3: {  	s4 =	rddreg [dreg:$0x1];
	s3 =	sshll.u32 s0, $0x8;
	s5 =	sshll.u32 s2, $0x7  }
0x4: {  	s6 =	rddreg [dreg:$0x2];
	s5 =	sor.u32 s5, s3;
	s3 =	simm.s32 $0x0  }
0x5: {  	s24 =	simm.s32 $0x880;
	[smem:$0x7FF] =	sst s3  }
0x6: {  	s25 =	simm.s32 $0x1080;
	_ =	strace $0x8000004A;
	[dreg:$0x6] =	wrdreg s24  }
0x7: {  	s26 =	simm.s32 $0x1880;
	[dreg:$0x7] =	wrdreg s25  }
0x8: {  	s0 =	simm.s32 $0x2080;
	[dreg:$0x8] =	wrdreg s26  }
0x9: {  	s8 =	simm.s32 $0x4080;
	[dreg:$0x9] =	wrdreg s0  }
0xa: {  	s9 =	simm.s32 $0x4880;
	[dreg:$0xd] =	wrdreg s8  }
0xb: {  	s10 =	simm.s32 $0x5080;
	s11 =	simm.s32 $0x5880;
	[dreg:$0xe] =	wrdreg s9  }
0xc: {  	s12 =	simm.s32 $0x6080;
	s13 =	simm.s32 $0x6880;
	[dreg:$0xf] =	wrdreg s10  }
0xd: {  	s14 =	simm.s32 $0x7080;
	s15 =	simm.s32 $0x7880;
	[dreg:$0x10] =	wrdreg s11  }
0xe: {  	s16 =	simm.s32 $0x8080;
	s17 =	simm.s32 $0x8880;
	[dreg:$0x11] =	wrdreg s12  }
0xf: {  	s18 =	simm.s32 $0x9080;
	s20 =	simm.s32 $0x9880;
	[dreg:$0x12] =	wrdreg s13  }
0x10: {  	s21 =	simm.s32 $0xA080;
	s28 =	simm.s32 $0x16080;
	[dreg:$0x13] =	wrdreg s14  }
0x11: {  	s29 =	simm.s32 $0x16880;
	s30 =	simm.s32 $0x17080;
	[dreg:$0x14] =	wrdreg s15  }
0x12: {  	s31 =	simm.s32 $0x17880;
	s2 =	ssub.s32 $0x2, s2;
	[dreg:$0x15] =	wrdreg s16  }
0x13: {  	s19 =	sshrl.u32 s2, $0x1;
	s7 =	sshrl.u32 s5, $0x3;
	[dreg:$0x16] =	wrdreg s17  }
0x14: {  	s5 =	sshrl.u32 s5, $0x1;
	s2 =	ssub.s32 s2, s19;
	[dreg:$0x17] =	wrdreg s18  }
0x15: {  	s19 =	simm.s32 $0x12080;
	s7 =	smul.u32 $0x300, s7;
	[dreg:$0x18] =	wrdreg s20  }
0x16: {  	s4 =	sadd.s32 s5, s4;
	s5 =	simm.s32 $0x2880;
	[dreg:$0x19] =	wrdreg s21  }
0x17: {  	s24 =	simm.s32 $0xB880;
	s25 =	simm.s32 $0xC080;
	s8 =	simm.s32 $0x80  }
0x18: {  	s26 =	simm.s32 $0xC880;
	s10 =	simm.s32 $0xD880;
	s11 =	simm.s32 $0xE080  }
0x19: {  	s12 =	simm.s32 $0xE880;
	s13 =	simm.s32 $0xF080;
	s14 =	simm.s32 $0xF880  }
0x1a: {  	s15 =	simm.s32 $0x10080;
	s16 =	simm.s32 $0x10880;
	[dreg:$0xa] =	wrdreg s5  }
0x1b: {  	s17 =	simm.s32 $0x11080;
	s18 =	simm.s32 $0x11880;
	[dreg:$0x1c] =	wrdreg s24  }
0x1c: {  	s20 =	simm.s32 $0x12880;
	s21 =	simm.s32 $0x13080;
	[dreg:$0x1d] =	wrdreg s25  }
0x1d: {  	s4 =	sadd.s32 $0x800, s4;
	s5 =	sadd.s32 $0x200, s1;
	[dreg:$0x1e] =	wrdreg s26  }
0x1e: {  	s24 =	simm.s32 $0x14880;
	s25 =	simm.s32 $0x15080;
	s26 =	simm.s32 $0x15880  }
0x1f: {  	s22 =	sadd.s32 s7, s6;
	[dreg:$0x4] =	wrdreg s4;
	s6 =	simm.s32 $0x3080  }
0x20: {  	s7 =	simm.s32 $0x3880;
	s4 =	sadd.s32 $0x100, s1;
	[dreg:$0xb] =	wrdreg s6  }
0x21: {  	s23 =	sadd.s32 $0x2200, s22;
	[dreg:$0xc] =	wrdreg s7;
	s22 =	simm.s32 $0xA880  }
0x22: {  	v2 =	vlaneseq.u32;
	s6 =	smax.u32 s2, $0x1;
	s7 =	simm.s32 $0x2;
	[dreg:$0x5] =	wrdreg s23  }
0x23: {  	vm0 =	vmmov $0xffff;
	v1 =	vshrl.u32 v2, $0x3;
	s2 =	simm.s32 $0x1;
	[dreg:$0x1a] =	wrdreg s22;
	s23 =	simm.s32 $0xB080  }
0x24: {  	v0 =	vand.u32 $0x7, v2;
	v2 =	vor.u32 $0x8, v2;
	v1 =	vmul.u32 $0x8, v1;
	s22 =	simm.s32 $0x13880;
	[dreg:$0x1b] =	wrdreg s23;
	s23 =	simm.s32 $0x14080  }
.LBB2_1:
0x25: {  	s0 =	rddreg [dreg:$0x4]  }
0x26: {  	[tilespmem:s3], [sflag:$0x2] =	stream.linear.gather [hbm4b:s0+s3], $0x80, $0x38;
	[tilespmem:$0x18080] =	vst v63  }
0x27: {  	_ =	swait.ge [sflag:s7], $0x80  }
0x28: {  	[sflag:s7] =	ssyncset.done $0x0  }
0x29: {  	[sflag:s7] =	ssyncadd.s32 $0xFFFFFF80  }
0x2a: {  	v3 =	vld [tilespmem:$0x0];
	_ =	sdelay $0x4  }
0x2b: {  	v4 =	vshrl.u32 v3, $0x3  }
0x2c: {  	v4 =	vmul.u32 $0x30, v4  }
0x2d: {  	v3 =	vand.u32 $0x7, v3  }
0x2e: {  	v3 =	vor.u32 v3, v4  }
0x2f: {  	v4 =	vperm.xlane v3, v0;
	_ =	sdelay $0x1  }
0x30: {  	v4 =	vadd.s32 v1, v4;
	_ =	sdelay $0x3  }
0x31: {  	v3 =	vperm.xlane v3, v2  }
0x32: {  	[tilespmem:s8], [sflag:$0x1] =	stream.indirect_vreg.gather [hbm4b:s1+s3], $0x80, v4, vm0, $0xb8;
	[tilespmem:$0x18080] =	vst v63  }
0x33: {  	s0 =	rddreg [dreg:$0x6];
	v3 =	vadd.s32 v1, v3  }
0x34: {  	[tilespmem:s0], [sflag:$0x1] =	stream.indirect_vreg.gather [hbm4b:s4+s3], $0x80, v4, vm0, $0xb8;
	[tilespmem:$0x18080] =	vst v63  }
0x35: {  	s9 =	rddreg [dreg:$0x7]  }
0x36: {  	[tilespmem:s9], [sflag:$0x1] =	stream.indirect_vreg.gather [hbm4b:s5+s3], $0x80, v4, vm0, $0xb8;
	[tilespmem:$0x18080] =	vst v63  }
0x37: {  	s0 =	rddreg [dreg:$0x8]  }
0x38: {  	[tilespmem:s0], [sflag:$0x1] =	stream.indirect_vreg.gather [hbm4b:s1+s3], $0x80, v3, vm0, $0xb8;
	[tilespmem:$0x18080] =	vst v63  }
0x39: {  	s9 =	rddreg [dreg:$0x9]  }
0x3a: {  	[tilespmem:s9], [sflag:$0x1] =	stream.indirect_vreg.gather [hbm4b:s4+s3], $0x80, v3, vm0, $0xb8;
	[tilespmem:$0x18080] =	vst v63  }
0x3b: {  	s0 =	rddreg [dreg:$0xa]  }
0x3c: {  	[tilespmem:s0], [sflag:$0x1] =	stream.indirect_vreg.gather [hbm4b:s5+s3], $0x80, v3, vm0, $0xb8;
	[tilespmem:$0x18080] =	vst v63  }
0x3d: {  	v3 =	vld [tilespmem:$0x10];
	_ =	sdelay $0x4  }
0x3e: {  	v57 =	vshrl.u32 v3, $0x3  }
0x3f: {  	v4 =	vmul.u32 $0x30, v57  }
0x40: {  	v3 =	vand.u32 $0x7, v3  }
0x41: {  	v3 =	vor.u32 v3, v4  }
0x42: {  	v4 =	vperm.xlane v3, v0;
	_ =	sdelay $0x1  }
0x43: {  	v4 =	vadd.s32 v1, v4;
	_ =	sdelay $0x3  }
0x44: {  	s0 =	rddreg [dreg:$0xb];
	v3 =	vperm.xlane v3, v2  }
0x45: {  	[tilespmem:s0], [sflag:$0x1] =	stream.indirect_vreg.gather [hbm4b:s1+s3], $0x80, v4, vm0, $0xb8;
	[tilespmem:$0x18080] =	vst v63  }
0x46: {  	s9 =	rddreg [dreg:$0xc];
	v3 =	vadd.s32 v1, v3  }
0x47: {  	[tilespmem:s9], [sflag:$0x1] =	stream.indirect_vreg.gather [hbm4b:s4+s3], $0x80, v4, vm0, $0xb8;
	[tilespmem:$0x18080] =	vst v63  }
0x48: {  	s0 =	rddreg [dreg:$0xd]  }
0x49: {  	[tilespmem:s0], [sflag:$0x1] =	stream.indirect_vreg.gather [hbm4b:s5+s3], $0x80, v4, vm0, $0xb8;
	[tilespmem:$0x18080] =	vst v63  }
0x4a: {  	s9 =	rddreg [dreg:$0xe]  }
0x4b: {  	[tilespmem:s9], [sflag:$0x1] =	stream.indirect_vreg.gather [hbm4b:s1+s3], $0x80, v3, vm0, $0xb8;
	[tilespmem:$0x18080] =	vst v63  }
0x4c: {  	s0 =	rddreg [dreg:$0xf]  }
0x4d: {  	[tilespmem:s0], [sflag:$0x1] =	stream.indirect_vreg.gather [hbm4b:s4+s3], $0x80, v3, vm0, $0xb8;
	[tilespmem:$0x18080] =	vst v63  }
0x4e: {  	s9 =	rddreg [dreg:$0x10]  }
0x4f: {  	[tilespmem:s9], [sflag:$0x1] =	stream.indirect_vreg.gather [hbm4b:s5+s3], $0x80, v3, vm0, $0xb8;
	[tilespmem:$0x18080] =	vst v63  }
0x50: {  	v3 =	vld [tilespmem:$0x20];
	_ =	sdelay $0x4  }
0x51: {  	v58 =	vshrl.u32 v3, $0x3  }
0x52: {  	v4 =	vmul.u32 $0x30, v58  }
0x53: {  	v3 =	vand.u32 $0x7, v3  }
0x54: {  	v3 =	vor.u32 v3, v4  }
0x55: {  	v4 =	vperm.xlane v3, v0;
	_ =	sdelay $0x1  }
0x56: {  	v4 =	vadd.s32 v1, v4;
	_ =	sdelay $0x3  }
0x57: {  	s0 =	rddreg [dreg:$0x11];
	v3 =	vperm.xlane v3, v2  }
0x58: {  	[tilespmem:s0], [sflag:$0x1] =	stream.indirect_vreg.gather [hbm4b:s1+s3], $0x80, v4, vm0, $0xb8;
	[tilespmem:$0x18080] =	vst v63  }
0x59: {  	s9 =	rddreg [dreg:$0x12];
	v3 =	vadd.s32 v1, v3  }
0x5a: {  	[tilespmem:s9], [sflag:$0x1] =	stream.indirect_vreg.gather [hbm4b:s4+s3], $0x80, v4, vm0, $0xb8;
	[tilespmem:$0x18080] =	vst v63  }
0x5b: {  	s0 =	rddreg [dreg:$0x13]  }
0x5c: {  	[tilespmem:s0], [sflag:$0x1] =	stream.indirect_vreg.gather [hbm4b:s5+s3], $0x80, v4, vm0, $0xb8;
	[tilespmem:$0x18080] =	vst v63  }
0x5d: {  	s9 =	rddreg [dreg:$0x14]  }
0x5e: {  	[tilespmem:s9], [sflag:$0x1] =	stream.indirect_vreg.gather [hbm4b:s1+s3], $0x80, v3, vm0, $0xb8;
	[tilespmem:$0x18080] =	vst v63  }
0x5f: {  	s0 =	rddreg [dreg:$0x15]  }
0x60: {  	[tilespmem:s0], [sflag:$0x1] =	stream.indirect_vreg.gather [hbm4b:s4+s3], $0x80, v3, vm0, $0xb8;
	[tilespmem:$0x18080] =	vst v63  }
0x61: {  	s9 =	rddreg [dreg:$0x16]  }
0x62: {  	[tilespmem:s9], [sflag:$0x1] =	stream.indirect_vreg.gather [hbm4b:s5+s3], $0x80, v3, vm0, $0xb8;
	[tilespmem:$0x18080] =	vst v63  }
0x63: {  	v3 =	vld [tilespmem:$0x30];
	_ =	sdelay $0x4  }
0x64: {  	v59 =	vshrl.u32 v3, $0x3  }
0x65: {  	v4 =	vmul.u32 $0x30, v59  }
0x66: {  	v3 =	vand.u32 $0x7, v3  }
0x67: {  	v3 =	vor.u32 v3, v4  }
0x68: {  	v4 =	vperm.xlane v3, v0;
	_ =	sdelay $0x1  }
0x69: {  	v4 =	vadd.s32 v1, v4;
	_ =	sdelay $0x3  }
0x6a: {  	s0 =	rddreg [dreg:$0x17];
	v3 =	vperm.xlane v3, v2  }
0x6b: {  	[tilespmem:s0], [sflag:$0x1] =	stream.indirect_vreg.gather [hbm4b:s1+s3], $0x80, v4, vm0, $0xb8;
	[tilespmem:$0x18080] =	vst v63  }
0x6c: {  	s9 =	rddreg [dreg:$0x18];
	v3 =	vadd.s32 v1, v3  }
0x6d: {  	[tilespmem:s9], [sflag:$0x1] =	stream.indirect_vreg.gather [hbm4b:s4+s3], $0x80, v4, vm0, $0xb8;
	[tilespmem:$0x18080] =	vst v63  }
0x6e: {  	s0 =	rddreg [dreg:$0x19]  }
0x6f: {  	[tilespmem:s0], [sflag:$0x1] =	stream.indirect_vreg.gather [hbm4b:s5+s3], $0x80, v4, vm0, $0xb8;
	[tilespmem:$0x18080] =	vst v63  }
0x70: {  	s9 =	rddreg [dreg:$0x1a]  }
0x71: {  	[tilespmem:s9], [sflag:$0x1] =	stream.indirect_vreg.gather [hbm4b:s1+s3], $0x80, v3, vm0, $0xb8;
	[tilespmem:$0x18080] =	vst v63  }
0x72: {  	s0 =	rddreg [dreg:$0x1b]  }
0x73: {  	[tilespmem:s0], [sflag:$0x1] =	stream.indirect_vreg.gather [hbm4b:s4+s3], $0x80, v3, vm0, $0xb8;
	[tilespmem:$0x18080] =	vst v63  }
0x74: {  	s9 =	rddreg [dreg:$0x1c]  }
0x75: {  	[tilespmem:s9], [sflag:$0x1] =	stream.indirect_vreg.gather [hbm4b:s5+s3], $0x80, v3, vm0, $0xb8;
	[tilespmem:$0x18080] =	vst v63  }
0x76: {  	v3 =	vld [tilespmem:$0x40];
	_ =	sdelay $0x4  }
0x77: {  	v60 =	vshrl.u32 v3, $0x3  }
0x78: {  	v4 =	vmul.u32 $0x30, v60  }
0x79: {  	v3 =	vand.u32 $0x7, v3  }
0x7a: {  	v3 =	vor.u32 v3, v4  }
0x7b: {  	v4 =	vperm.xlane v3, v0;
	_ =	sdelay $0x1  }
0x7c: {  	v4 =	vadd.s32 v1, v4;
	_ =	sdelay $0x3  }
0x7d: {  	s0 =	rddreg [dreg:$0x1d];
	v3 =	vperm.xlane v3, v2  }
0x7e: {  	[tilespmem:s0], [sflag:$0x1] =	stream.indirect_vreg.gather [hbm4b:s1+s3], $0x80, v4, vm0, $0xb8;
	[tilespmem:$0x18080] =	vst v63  }
0x7f: {  	s9 =	rddreg [dreg:$0x1e];
	v3 =	vadd.s32 v1, v3  }
0x80: {  	[tilespmem:s9], [sflag:$0x1] =	stream.indirect_vreg.gather [hbm4b:s4+s3], $0x80, v4, vm0, $0xb8;
	[tilespmem:$0x18080] =	vst v63  }
0x81: {  	s9 =	simm.s32 $0xD080  }
0x82: {  	[tilespmem:s9], [sflag:$0x1] =	stream.indirect_vreg.gather [hbm4b:s5+s3], $0x80, v4, vm0, $0xb8;
	[tilespmem:$0x18080] =	vst v63  }
0x83: {  	_ = 	snop  }
0x84: {  	[tilespmem:s10], [sflag:$0x1] =	stream.indirect_vreg.gather [hbm4b:s1+s3], $0x80, v3, vm0, $0xb8;
	[tilespmem:$0x18080] =	vst v63  }
0x85: {  	_ = 	snop  }
0x86: {  	[tilespmem:s11], [sflag:$0x1] =	stream.indirect_vreg.gather [hbm4b:s4+s3], $0x80, v3, vm0, $0xb8;
	[tilespmem:$0x18080] =	vst v63  }
0x87: {  	_ = 	snop  }
0x88: {  	[tilespmem:s12], [sflag:$0x1] =	stream.indirect_vreg.gather [hbm4b:s5+s3], $0x80, v3, vm0, $0xb8;
	[tilespmem:$0x18080] =	vst v63  }
0x89: {  	v3 =	vld [tilespmem:$0x50];
	_ =	sdelay $0x4  }
0x8a: {  	v61 =	vshrl.u32 v3, $0x3  }
0x8b: {  	v4 =	vmul.u32 $0x30, v61  }
0x8c: {  	v3 =	vand.u32 $0x7, v3  }
0x8d: {  	v3 =	vor.u32 v3, v4  }
0x8e: {  	v4 =	vperm.xlane v3, v0;
	_ =	sdelay $0x1  }
0x8f: {  	v4 =	vadd.s32 v1, v4;
	_ =	sdelay $0x3  }
0x90: {  	v3 =	vperm.xlane v3, v2  }
0x91: {  	[tilespmem:s13], [sflag:$0x1] =	stream.indirect_vreg.gather [hbm4b:s1+s3], $0x80, v4, vm0, $0xb8;
	[tilespmem:$0x18080] =	vst v63  }
0x92: {  	v3 =	vadd.s32 v1, v3  }
0x93: {  	[tilespmem:s14], [sflag:$0x1] =	stream.indirect_vreg.gather [hbm4b:s4+s3], $0x80, v4, vm0, $0xb8;
	[tilespmem:$0x18080] =	vst v63  }
0x94: {  	_ = 	snop  }
0x95: {  	[tilespmem:s15], [sflag:$0x1] =	stream.indirect_vreg.gather [hbm4b:s5+s3], $0x80, v4, vm0, $0xb8;
	[tilespmem:$0x18080] =	vst v63  }
0x96: {  	_ = 	snop  }
0x97: {  	[tilespmem:s16], [sflag:$0x1] =	stream.indirect_vreg.gather [hbm4b:s1+s3], $0x80, v3, vm0, $0xb8;
	[tilespmem:$0x18080] =	vst v63  }
0x98: {  	_ = 	snop  }
0x99: {  	[tilespmem:s17], [sflag:$0x1] =	stream.indirect_vreg.gather [hbm4b:s4+s3], $0x80, v3, vm0, $0xb8;
	[tilespmem:$0x18080] =	vst v63  }
0x9a: {  	_ = 	snop  }
0x9b: {  	[tilespmem:s18], [sflag:$0x1] =	stream.indirect_vreg.gather [hbm4b:s5+s3], $0x80, v3, vm0, $0xb8;
	[tilespmem:$0x18080] =	vst v63  }
0x9c: {  	v3 =	vld [tilespmem:$0x60];
	_ =	sdelay $0x4  }
0x9d: {  	v62 =	vshrl.u32 v3, $0x3  }
0x9e: {  	v4 =	vmul.u32 $0x30, v62  }
0x9f: {  	v3 =	vand.u32 $0x7, v3  }
0xa0: {  	v3 =	vor.u32 v3, v4  }
0xa1: {  	v4 =	vperm.xlane v3, v0;
	_ =	sdelay $0x1  }
0xa2: {  	v4 =	vadd.s32 v1, v4;
	_ =	sdelay $0x3  }
0xa3: {  	v3 =	vperm.xlane v3, v2  }
0xa4: {  	[tilespmem:s19], [sflag:$0x1] =	stream.indirect_vreg.gather [hbm4b:s1+s3], $0x80, v4, vm0, $0xb8;
	[tilespmem:$0x18080] =	vst v63  }
0xa5: {  	v3 =	vadd.s32 v1, v3  }
0xa6: {  	[tilespmem:s20], [sflag:$0x1] =	stream.indirect_vreg.gather [hbm4b:s4+s3], $0x80, v4, vm0, $0xb8;
	[tilespmem:$0x18080] =	vst v63  }
0xa7: {  	_ = 	snop  }
0xa8: {  	[tilespmem:s21], [sflag:$0x1] =	stream.indirect_vreg.gather [hbm4b:s5+s3], $0x80, v4, vm0, $0xb8;
	[tilespmem:$0x18080] =	vst v63  }
0xa9: {  	_ = 	snop  }
0xaa: {  	[tilespmem:s22], [sflag:$0x1] =	stream.indirect_vreg.gather [hbm4b:s1+s3], $0x80, v3, vm0, $0xb8;
	[tilespmem:$0x18080] =	vst v63  }
0xab: {  	_ = 	snop  }
0xac: {  	[tilespmem:s23], [sflag:$0x1] =	stream.indirect_vreg.gather [hbm4b:s4+s3], $0x80, v3, vm0, $0xb8;
	[tilespmem:$0x18080] =	vst v63  }
0xad: {  	_ = 	snop  }
0xae: {  	[tilespmem:s24], [sflag:$0x1] =	stream.indirect_vreg.gather [hbm4b:s5+s3], $0x80, v3, vm0, $0xb8;
	[tilespmem:$0x18080] =	vst v63  }
0xaf: {  	v3 =	vld [tilespmem:$0x70];
	_ =	sdelay $0x4  }
0xb0: {  	v63 =	vshrl.u32 v3, $0x3  }
0xb1: {  	v4 =	vmul.u32 $0x30, v63  }
0xb2: {  	v3 =	vand.u32 $0x7, v3  }
0xb3: {  	v3 =	vor.u32 v3, v4  }
0xb4: {  	v4 =	vperm.xlane v3, v0;
	_ =	sdelay $0x1  }
0xb5: {  	v4 =	vadd.s32 v1, v4;
	_ =	sdelay $0x3  }
0xb6: {  	v3 =	vperm.xlane v3, v2  }
0xb7: {  	[tilespmem:s25], [sflag:$0x1] =	stream.indirect_vreg.gather [hbm4b:s1+s3], $0x80, v4, vm0, $0xb8;
	[tilespmem:$0x18080] =	vst v63  }
0xb8: {  	v3 =	vadd.s32 v1, v3  }
0xb9: {  	[tilespmem:s26], [sflag:$0x1] =	stream.indirect_vreg.gather [hbm4b:s4+s3], $0x80, v4, vm0, $0xb8;
	[tilespmem:$0x18080] =	vst v63  }
0xba: {  	_ = 	snop  }
0xbb: {  	[tilespmem:s28], [sflag:$0x1] =	stream.indirect_vreg.gather [hbm4b:s5+s3], $0x80, v4, vm0, $0xb8;
	[tilespmem:$0x18080] =	vst v63  }
0xbc: {  	_ = 	snop  }
0xbd: {  	[tilespmem:s29], [sflag:$0x1] =	stream.indirect_vreg.gather [hbm4b:s1+s3], $0x80, v3, vm0, $0xb8;
	[tilespmem:$0x18080] =	vst v63  }
0xbe: {  	_ = 	snop  }
0xbf: {  	[tilespmem:s30], [sflag:$0x1] =	stream.indirect_vreg.gather [hbm4b:s4+s3], $0x80, v3, vm0, $0xb8;
	[tilespmem:$0x18080] =	vst v63  }
0xc0: {  	_ = 	snop  }
0xc1: {  	[tilespmem:s31], [sflag:$0x1] =	stream.indirect_vreg.gather [hbm4b:s5+s3], $0x80, v3, vm0, $0xb8;
	[tilespmem:$0x18080] =	vst v63  }
0xc2: {  	_ =	swait.ge [sflag:s2], $0x18000  }
0xc3: {  	p0 =	sne.s32 s6, $0x1;
	[sflag:s2] =	ssyncset.done $0x0  }
.Ltmp0:
0xc4: {  	s9 =	rddreg [dreg:$0x5];
	[sflag:s2] =	ssyncadd.s32 $0xFFFE8000;
	(pc) =	sbr.rel @p0 .LBB2_1-.Ltmp0, $4  }
0xc5: {  	[hbm4b:s9+s3] =	stream.linear.scatter [tilespmem:s8], [sflag:$0x2], $0x18000, $0x38;
	[tilespmem:$0x18080] =	vst v63  }
0xc6: {  	_ =	swait.ge [sflag:s7], $0x18000  }
0xc7: {  	[sflag:s7] =	ssyncset.done $0x0  }
0xc8: {  	s6 =	sadd.s32 $0xFFFFFFFF, s6;
	[sflag:s7] =	ssyncadd.s32 $0xFFFE8000  }
0xc9: {  	_ =	sfence.sel $0x180000  }
0xca: {  	[bflag:$0x0] =	sbarrier.arrive $0xFFFF  }
0xcb: {  	_ =	strace $0x9000004A  }
0xcc: {  	s0 =	stileid.u32;
	[bflag:$0x2] =	sbarrier.arrive $0xFFFF  }
0xcd: {  	p0 =	sne.s32 s0, $0x0;
	s0 =	rddreg [dreg:$0x3]  }
0xce: {  	s0 =	sadd.s32 @!p0 $0x100000, s0  }
0xcf: {  	[sflag:s0] =	ssyncadd.tile.s32 @!p0 $0x1;
	_ =	shalt  }
.Lfunc_end2:
_tile_overlayer_lowered:
.L_overlay_start_2:
0xd0: {  	(tag) =	ssettag $0x2  }
0xd1: {  	s0 =	rddreg [dreg:$0x0];
	s2 =	stileid.u32  }
0xd2: {  	s1 =	rddreg [dreg:$0x1];
	p0 =	sne.s32 s2, $0x0  }
0xd3: {  	s3 =	rddreg [dreg:$0x2];
	[bflag:$0x3] =	sbarrier.arrive $0xFFFF;
	s2 =	simm.s32 @!p0 $0x1C02  }
0xd4: {  	[timem:s3], [sflag:s2] =	dma.local @!p0 [hbm:s0], s1  }
0xd5: {  	s0 =	simm.s32 @!p0 $0x2  }
0xd6: {  	_ =	swait.ge @!p0 [sflag:s0], s1  }
0xd7: {  	s1 =	ssub.s32 @!p0 $0x0, s1;
	[sflag:s0] =	ssyncset.done @!p0 $0x0  }
0xd8: {  	[sflag:s0] =	ssyncadd.s32 @!p0 s1  }
0xd9: {  	[bflag:$0x3] =	sbarrier.arrive $0xFFFF  }
0xda: {  	_ =	shalt  }

// kernel: kernel.20.cloned.1.call-start
scs
__scs_entry_jumppad:
0x0: {  	(pc) =	sbr.rel $0x88, $3  }
0x1: {  	(tag) =	ssettag $0x0;
	lr =	simm.s32 $0x1  }
0x2: {  	[smem:$0x3F9E] =	sst lr;
	_ =	strace $0xD0000000  }
0x3: {  	_ = 	snop  }
0x4: {  	_ = 	snop  }
0x5: {  	_ = 	snop  }
0x6: {  	_ = 	snop  }
0x7: {  	_ = 	snop  }
__scs_overlays_trampoline_lowered:
0x8: {  	[smem:$0x3FAD] =	sst s0  }
0x9: {  	[smem:$0x3FAE] =	sst s1  }
0xa: {  	[smem:$0x3FAF] =	sst s2  }
0xb: {  	[smem:$0x3FB0] =	sst s3  }
0xc: {  	[smem:$0x3FB1] =	sst s4  }
0xd: {  	[smem:$0x3FB2] =	sst s5  }
0xe: {  	[smem:$0x3FB3] =	sst s6  }
0xf: {  	[smem:$0x3FB4] =	sst s7  }
0x10: {  	[smem:$0x3FB5] =	sst s8  }
0x11: {  	[smem:$0x3FB6] =	sst s9;
	s0 =	simm.s32 @!p0 $0x0  }
0x12: {  	s1 =	sld [smem:$0x3F9C];
	s0 =	simm.s32 @p0 $0x1  }
0x13: {  	[smem:$0x3FB7] =	sst s0;
	s0 =	simm.s32 @!p1 $0x0  }
0x14: {  	s2 =	sld [smem:$0x3F9B];
	s0 =	simm.s32 @p1 $0x1  }
0x15: {  	[smem:$0x3FB8] =	sst s0;
	s0 =	simm.s32 @!p2 $0x0  }
0x16: {  	s3 =	sld [smem:$0x3FDB];
	s0 =	simm.s32 @p2 $0x1  }
0x17: {  	s4 =	simm.s32 $0x1BF5;
	[smem:$0x3FBA] =	sst s0  }
0x18: {  	s0 =	sld [smem:$0x3F9D];
	_ =	swait.ge [sflag:s4], $0x0  }
0x19: {  	s7 =	sld [smem:$0x3F9E]  }
0x1a: {  	s8 =	sadd.s32 $0xFFFFE003, lr  }
0x1b: {  	s9 =	sadd.s32 $0xFFFFFEF7, lr;
	s5 =	simm.s32 $0xFFFFFFFF;
	p2 =	slt.u32 s8, $0xFFFFF086  }
0x1c: {  	p1 =	slt.u32 s9, $0xF7A;
	s5 =	simm.s32 @!p2 $0x0  }
0x1d: {  	s5 =	simm.s32 @p1 $0x1;
	p0 =	seq.s32 s7, s2  }
0x1e: {  	s7 =	smul.u32 @!p0 $0xF7A, s2;
	p2 =	seq.s32 @!p0 s5, $0x0  }
0x1f: {  	s9 =	smul.u32 $0xF7A, s1;
	s8 =	simm.s32 @!p0 $0x1BF5;
	p2 =	por !p2, p0  }
0x20: {  	[sflag:s8] =	ssyncset.s32 @!p0 $0xFFFFF086;
	s6 =	sadd.s32 @!p0 s3, s7;
	s7 =	simm.s32 @!p0 $0x108  }
0x21: {  	s3 =	sadd.s32 s3, s9;
	s6 =	sadd.s32 @!p0 $0x88, s6;
	s7 =	simm.s32 @p2 $0x1082  }
0x22: {  	[simem:s7], [sflag:s8] =	dma.local @!p0 [hbm:s6], $0xF7A  }
0x23: {  	s9 =	sor.u32 $0xD0000000, s2;
	s6 =	simm.s32 $0x108;
	_ =	swait.ge @!p0 [sflag:s8], $0x0  }
0x24: {  	s3 =	sadd.s32 $0x88, s3;
	s6 =	simm.s32 @!p1 $0x1082;
	[sflag:s4] =	ssyncset.s32 $0xFFFFF086  }
0x25: {  	[simem:s6], [sflag:s4] =	dma.local [hbm:s3], $0xF7A  }
0x26: {  	[smem:$0x3F9E] =	sst s1;
	(tag) =	ssettag s2;
	_ =	strace s9  }
0x27: {  	s1 =	sld [smem:$0x3FAE]  }
0x28: {  	s2 =	sld [smem:$0x3FAF]  }
0x29: {  	s4 =	sld [smem:$0x3FB1]  }
0x2a: {  	p0 =	seq.s32 s5, $0x0;
	s5 =	sld [smem:$0x3FB2]  }
0x2b: {  	s6 =	sld [smem:$0x3FB3]  }
0x2c: {  	s7 =	sld [smem:$0x3FB4]  }
0x2d: {  	s3 =	simm.s32 $0x108;
	s8 =	sld [smem:$0x3FB5]  }
0x2e: {  	s3 =	simm.s32 @!p0 $0x1082;
	s9 =	sld [smem:$0x3FB6]  }
0x2f: {  	lr =	sadd.s32 s0, s3;
	s0 =	sld [smem:$0x3FAD]  }
0x30: {  	s3 =	sld [smem:$0x3FB0]  }
0x31: {  	[smem:$0x3FB9] =	sst s10  }
0x32: {  	s10 =	sld [smem:$0x3FB7];
	_ =	sdelay $0x3  }
0x33: {  	p0 =	seq.s32 s10, $0x1;
	s10 =	sld [smem:$0x3FB9];
	_ =	sdelay $0x3  }
0x34: {  	[smem:$0x3FB9] =	sst s10  }
0x35: {  	s10 =	sld [smem:$0x3FB8];
	_ =	sdelay $0x3  }
0x36: {  	p1 =	seq.s32 s10, $0x1;
	s10 =	sld [smem:$0x3FB9];
	_ =	sdelay $0x3  }
0x37: {  	[smem:$0x3FB9] =	sst s10  }
0x38: {  	s10 =	sld [smem:$0x3FBA]  }
0x39: {  	_ = 	snop;
	(pc) =	sbr.ind lr, $3  }
0x3a: {  	_ = 	snop  }
0x3b: {  	_ = 	snop  }
0x3c: {  	p2 =	seq.s32 s10, $0x1;
	s10 =	sld [smem:$0x3FB9]  }
0x3d: {  	_ =	shalt  }
0x3e: {  	_ =	shalt  }
0x3f: {  	_ =	shalt  }
0x40: {  	_ =	shalt  }
0x41: {  	_ =	shalt  }
0x42: {  	_ =	shalt  }
0x43: {  	_ =	shalt  }
0x44: {  	_ =	shalt  }
0x45: {  	_ =	shalt  }
0x46: {  	_ =	shalt  }
0x47: {  	_ =	shalt  }
0x48: {  	_ =	shalt  }
0x49: {  	_ =	shalt  }
0x4a: {  	_ =	shalt  }
0x4b: {  	_ =	shalt  }
0x4c: {  	_ =	shalt  }
0x4d: {  	_ =	shalt  }
0x4e: {  	_ =	shalt  }
0x4f: {  	_ =	shalt  }
0x50: {  	_ =	shalt  }
0x51: {  	_ =	shalt  }
0x52: {  	_ =	shalt  }
0x53: {  	_ =	shalt  }
0x54: {  	_ =	shalt  }
0x55: {  	_ =	shalt  }
0x56: {  	_ =	shalt  }
0x57: {  	_ =	shalt  }
0x58: {  	_ =	shalt  }
0x59: {  	_ =	shalt  }
0x5a: {  	_ =	shalt  }
0x5b: {  	_ =	shalt  }
0x5c: {  	_ =	shalt  }
0x5d: {  	_ =	shalt  }
0x5e: {  	_ =	shalt  }
0x5f: {  	_ =	shalt  }
0x60: {  	_ =	shalt  }
0x61: {  	_ =	shalt  }
0x62: {  	_ =	shalt  }
0x63: {  	_ =	shalt  }
0x64: {  	_ =	shalt  }
0x65: {  	_ =	shalt  }
0x66: {  	_ =	shalt  }
0x67: {  	_ =	shalt  }
0x68: {  	_ =	shalt  }
0x69: {  	_ =	shalt  }
0x6a: {  	_ =	shalt  }
0x6b: {  	_ =	shalt  }
0x6c: {  	_ =	shalt  }
0x6d: {  	_ =	shalt  }
0x6e: {  	_ =	shalt  }
0x6f: {  	_ =	shalt  }
0x70: {  	_ =	shalt  }
0x71: {  	_ =	shalt  }
0x72: {  	_ =	shalt  }
0x73: {  	_ =	shalt  }
0x74: {  	_ =	shalt  }
0x75: {  	_ =	shalt  }
0x76: {  	_ =	shalt  }
0x77: {  	_ =	shalt  }
0x78: {  	_ =	shalt  }
0x79: {  	_ =	shalt  }
0x7a: {  	_ =	shalt  }
0x7b: {  	_ =	shalt  }
0x7c: {  	_ =	shalt  }
0x7d: {  	_ =	shalt  }
0x7e: {  	_ =	shalt  }
0x7f: {  	_ =	shalt  }
0x80: {  	_ =	shalt  }
0x81: {  	_ =	shalt  }
0x82: {  	_ =	shalt  }
0x83: {  	_ =	shalt  }
0x84: {  	_ =	shalt  }
0x85: {  	_ =	shalt  }
0x86: {  	_ =	shalt  }
0x87: {  	_ =	shalt  }
.Lfunc_end0:
.L_simem_size_0:
called_computation.2_lowered:
.L_overlay_start_0:
0x88: {  	s2 =	sld [smem:$0x3FD9]  }
0x89: {  	s3 =	sld [smem:$0x3FFE];
	_ =	sdelay $0x1  }
0x8a: {  	s1 =	srdreg.scid  }
0x8b: {  	s0 =	sand.u32 $0x1, s1  }
0x8c: {  	s17 =	sshll.u32 s0, $0xA;
	s2 =	sadd.s32 s3, s2  }
0x8d: {  	s2 =	sadd.s32 s2, s17  }
0x8e: {  	[smem:$0x3FC5] =	sst s2  }
0x8f: {  	_ = 	snop  }
0x90: {  	s18 =	sld [smem:$0x3FC9]  }
0x91: {  	s4 =	sld [smem:$0x3FC8];
	(tm) =	ssettm $0x1  }
0x92: {  	s19 =	sld [smem:$0x3FFB];
	_ =	sdelay $0x3  }
0x93: {  	_ =	strace s19  }
0x94: {  	s2 =	sld [smem:$0x3FFC];
	_ =	sdelay $0x3  }
0x95: {  	_ =	strace s2  }
0x96: {  	s2 =	sld [smem:$0x3FFD];
	_ =	sdelay $0x3  }
0x97: {  	_ =	strace s2  }
0x98: {  	_ =	strace $0x8FFFFFFF  }
0x99: {  	s20 =	sld [smem:$0x3FDB];
	_ =	sdelay $0x1  }
0x9a: {  	s5 =	simm.s32 $_scs_section_size  }
0x9b: {  	s6 =	simm.s32 $_size__tile_overlayer_lowered;
	s7 =	simm.s32 $_tile_overlayer_lowered  }
0x9c: {  	s8 =	simm.s32 $0x1BFF;
	s21 =	sshll.u32 s7, $0x1;
	s5 =	sadd.s32 s5, s20  }
0x9d: {  	s22 =	simm.s32 $0x0;
	s6 =	sshll.u32 s6, $0x1;
	s7 =	sadd.s32 s21, s5  }
0x9e: {  	[timem:s22], [sflag:s8] =	dma.local [hbm:s7], s6  }
0x9f: {  	_ =	swait.ge [sflag:s8], s6  }
0xa0: {  	s6 =	ssub.s32 $0x0, s6;
	[sflag:s8] =	ssyncset.done $0x0  }
0xa1: {  	[sflag:s8] =	ssyncadd.s32 s6;
	_ =	sdelay $0x1  }
0xa2: {  	s23 =	simm.s32 $0x1B8B  }
0xa3: {  	_ =	swait.ge [sflag:s23], $0x1  }
0xa4: {  	[sflag:s23] =	ssyncset.done $0x0  }
0xa5: {  	[sflag:s23] =	ssyncadd.s32 $0xFFFFFFFF  }
0xa6: {  	s6 =	sld [smem:$0x0]  }
0xa7: {  	s7 =	sand.u32 $0xFFFFFFFE, s1  }
0xa8: {  	p0 =	sne.s32 s1, s7  }
0xa9: {  	s7 =	sshll.u32 @p0 s7, $0xE  }
0xaa: {  	s7 =	sadd.s32 @p0 $0x11B8D, s7;
	s8 =	sshll.u32 @p0 s6, $0x11  }
0xab: {  	s7 =	sor.u32 @p0 s8, s7  }
0xac: {  	[sflag:s7] =	ssyncadd.remote.s32 @p0 $0x1;
	_ =	sdelay $0x1  }
0xad: {  	s7 =	simm.s32 @p0 $0x1B8D  }
0xae: {  	_ =	swait.eq @p0 [sflag:s7], $0x1  }
0xaf: {  	[sflag:s7] =	ssyncadd.s32 @p0 $0xFFFFFFFF  }
0xb0: {  	s8 =	sshll.u32 @!p0 s1, $0xE  }
0xb1: {  	s8 =	sor.u32 @!p0 $0x4000, s8;
	s7 =	simm.s32 @!p0 $0x1B8D  }
0xb2: {  	s6 =	sshll.u32 @!p0 s6, $0x11;
	s8 =	sadd.s32 @!p0 $0x11B8D, s8;
	_ =	swait.eq @!p0 [sflag:s7], $0x1  }
0xb3: {  	s6 =	sor.u32 @!p0 s6, s8;
	[sflag:s7] =	ssyncadd.s32 @!p0 $0xFFFFFFFF  }
0xb4: {  	s25 =	simm.s32 $0x1B8E;
	s24 =	sld [smem:$0x3FFE];
	[sflag:s6] =	ssyncadd.remote.s32 @!p0 $0x1  }
0xb5: {  	s26 =	simm.s32 $execute0_lowered;
	[smem:$0x3FD2] =	sst s25  }
0xb6: {  	s7 =	sshll.u32 s26, $0x1;
	_ =	strace $0x8000004C;
	[dreg:$0x1] =	wrdreg $0xFFFFFFFF  }
0xb7: {  	s28 =	simm.s32 $_size_execute0_lowered;
	s5 =	sadd.s32 s5, s7;
	[dreg:$0x0] =	wrdreg $0x0  }
0xb8: {  	s7 =	sshll.u32 s28, $0x1;
	[dreg:$0x2] =	wrdreg s5  }
0xb9: {  	[dreg:$0x3] =	wrdreg s7  }
0xba: {  	[dreg:$0x4] =	wrdreg $0xC0  }
0xbb: {  	_ =	task [dreg:s22], $0x5FFFF  }
0xbc: {  	[dreg:$0x1] =	wrdreg $0xFFFFFFFF  }
0xbd: {  	[dreg:$0x0] =	wrdreg $0x60  }
0xbe: {  	[dreg:$0x2] =	wrdreg s4  }
0xbf: {  	[dreg:$0x3] =	wrdreg s18  }
0xc0: {  	[dreg:$0x4] =	wrdreg s24  }
0xc1: {  	[dreg:$0x5] =	wrdreg $0xB  }
0xc2: {  	_ =	task.clear_ibuf [dreg:s22], $0x6FFFF;
	_ =	strace $0x9000004C  }
0xc3: {  	s29 =	simm.s32 $0xB;
	_ =	strace $0x8000004E  }
0xc4: {  	_ =	swait.ge [sflag:s29], $0x1  }
0xc5: {  	[sflag:s29] =	ssyncadd.s32 $0xFFFFFFFF  }
0xc6: {  	_ =	strace $0x9000004E  }
0xc7: {  	_ =	sfence  }
0xc8: {  	s30 =	sld [smem:$0x0];
	_ =	sdelay $0x2  }
0xc9: {  	s31 =	sshll.u32 s1, $0xD;
	s1 =	sshrl.u32 s1, $0x2  }
0xca: {  	s4 =	sand.u32 $0x4000, s31;
	s1 =	sadd.s32 s1, s30  }
0xcb: {  	s0 =	sor.u32 s4, s0;
	s1 =	sshll.u32 s1, $0x11  }
0xcc: {  	s0 =	sor.u32 s1, s0  }
0xcd: {  	s0 =	sadd.s32 $0x8F2B, s0  }
0xce: {  	[sflag:s0] =	ssyncadd.remote.s32 $0x1  }
0xcf: {  	_ =	sfence.sel $0xFFFF  }
0xd0: {  	[dreg:$0x0] =	wrdreg $0xFFFFFFFF;
	(pc) =	sbr.abs _section_cstart, $3  }
0xd1: {  	[dreg:$0x1] =	wrdreg $0xFFFFFFFF  }
0xd2: {  	_ =	task.clear_ibuf [dreg:s22], $0x2FFFF;
	_ =	strace $0x9FFFFFFF  }
0xd3: {  	(tm) =	ssettm $0x7FFFFFFF  }
tec
execute0_lowered:
.L_overlay_start_1:
0x0: {  	(tag) =	ssettag $0x1  }
0x1: {  	s1 =	rddreg [dreg:$0x0]  }
0x2: {  	s0 =	rddreg [dreg:$0x1]  }
0x3: {  	s2 =	rddreg [dreg:$0x2];
	s4 =	srdreg.scid;
	s3 =	simm.s32 $0x0  }
0x4: {  	s5 =	stileid.u32;
	s10 =	simm.s32 $0x880;
	s11 =	simm.s32 $0x1080  }
0x5: {  	s12 =	simm.s32 $0x1880;
	s13 =	simm.s32 $0x2080;
	s14 =	simm.s32 $0x2880  }
0x6: {  	s15 =	simm.s32 $0x3080;
	s16 =	simm.s32 $0x3880;
	s17 =	simm.s32 $0x4080  }
0x7: {  	s18 =	simm.s32 $0x4880;
	s19 =	simm.s32 $0x5080;
	s20 =	simm.s32 $0x5880  }
0x8: {  	s21 =	simm.s32 $0x6080;
	s22 =	simm.s32 $0x6880;
	s23 =	simm.s32 $0x7080  }
0x9: {  	s28 =	simm.s32 $0x9080;
	s29 =	simm.s32 $0x9880;
	s30 =	simm.s32 $0xA080  }
0xa: {  	s31 =	simm.s32 $0xA880;
	s4 =	sand.u32 $0x1, s4;
	[smem:$0x7FF] =	sst s3  }
0xb: {  	s5 =	sshll.u32 s5, $0x9;
	s2 =	sadd.s32 $0x62200, s2;
	s6 =	sshll.u32 s4, $0x8  }
0xc: {  	s0 =	sadd.s32 $0x10, s0;
	s4 =	ssub.s32 $0x2, s4;
	s5 =	sor.u32 s6, s5  }
0xd: {  	_ =	strace $0x8000004D;
	s8 =	sshrl.u32 s4, $0x1;
	s6 =	sshrl.u32 s5, $0x1  }
0xe: {  	s7 =	sshrl.u32 s5, $0x3;
	s5 =	sor.u32 $0x80, s5;
	s25 =	ssub.s32 s4, s8  }
0xf: {  	s4 =	sadd.s32 $0x100, s1;
	s8 =	simm.s32 $0xB880;
	s6 =	sadd.s32 s6, s0  }
0x10: {  	s7 =	smul.u32 $0x300, s7;
	s24 =	sshrl.u32 s5, $0x3;
	s5 =	sshrl.u32 s5, $0x1  }
0x11: {  	[dreg:$0x4] =	wrdreg s6;
	s6 =	smul.u32 $0x300, s24;
	s0 =	sadd.s32 s5, s0  }
0x12: {  	s5 =	sadd.s32 $0x200, s1;
	s7 =	sadd.s32 s2, s7;
	[dreg:$0x6] =	wrdreg s0  }
0x13: {  	v2 =	vlaneseq.u32;
	s24 =	simm.s32 $0x7880;
	[dreg:$0x5] =	wrdreg s7;
	s26 =	sadd.s32 s2, s6  }
0x14: {  	vm0 =	vmmov $0xffff;
	v1 =	vshrl.u32 v2, $0x3;
	s6 =	smax.u32 s25, $0x1;
	s7 =	simm.s32 $0x2;
	s2 =	simm.s32 $0x1  }
0x15: {  	v0 =	vand.u32 $0x7, v2;
	v2 =	vor.u32 $0x8, v2;
	v1 =	vmul.u32 $0x8, v1;
	s25 =	simm.s32 $0x8080;
	[dreg:$0x7] =	wrdreg s26;
	s26 =	simm.s32 $0x8880  }
.LBB2_1:
0x16: {  	s9 =	rddreg [dreg:$0x4]  }
0x17: {  	[tilespmem:s3], [sflag:$0x2] =	stream.linear.gather [hbm4b:s9+s3], $0x80, $0x38;
	[tilespmem:$0x18080] =	vst v63  }
0x18: {  	_ =	swait.ge [sflag:s7], $0x80  }
0x19: {  	[sflag:s7] =	ssyncset.done $0x0  }
0x1a: {  	[sflag:s7] =	ssyncadd.s32 $0xFFFFFF80  }
0x1b: {  	v3 =	vld [tilespmem:$0x0];
	_ =	sdelay $0x4  }
0x1c: {  	v4 =	vshrl.u32 v3, $0x3  }
0x1d: {  	v4 =	vmul.u32 $0x30, v4  }
0x1e: {  	v3 =	vand.u32 $0x7, v3  }
0x1f: {  	v3 =	vor.u32 v3, v4  }
0x20: {  	v4 =	vperm.xlane v3, v0;
	_ =	sdelay $0x1  }
0x21: {  	v4 =	vadd.s32 v1, v4;
	_ =	sdelay $0x3  }
0x22: {  	s0 =	simm.s32 $0x80;
	v3 =	vperm.xlane v3, v2  }
0x23: {  	[tilespmem:s0], [sflag:$0x1] =	stream.indirect_vreg.gather [hbm4b:s1+s3], $0x80, v4, vm0, $0xb8;
	[tilespmem:$0x18080] =	vst v63  }
0x24: {  	v3 =	vadd.s32 v1, v3  }
0x25: {  	[tilespmem:s10], [sflag:$0x1] =	stream.indirect_vreg.gather [hbm4b:s4+s3], $0x80, v4, vm0, $0xb8;
	[tilespmem:$0x18080] =	vst v63  }
0x26: {  	_ = 	snop  }
0x27: {  	[tilespmem:s11], [sflag:$0x1] =	stream.indirect_vreg.gather [hbm4b:s5+s3], $0x80, v4, vm0, $0xb8;
	[tilespmem:$0x18080] =	vst v63  }
0x28: {  	_ = 	snop  }
0x29: {  	[tilespmem:s12], [sflag:$0x1] =	stream.indirect_vreg.gather [hbm4b:s1+s3], $0x80, v3, vm0, $0xb8;
	[tilespmem:$0x18080] =	vst v63  }
0x2a: {  	_ = 	snop  }
0x2b: {  	[tilespmem:s13], [sflag:$0x1] =	stream.indirect_vreg.gather [hbm4b:s4+s3], $0x80, v3, vm0, $0xb8;
	[tilespmem:$0x18080] =	vst v63  }
0x2c: {  	_ = 	snop  }
0x2d: {  	[tilespmem:s14], [sflag:$0x1] =	stream.indirect_vreg.gather [hbm4b:s5+s3], $0x80, v3, vm0, $0xb8;
	[tilespmem:$0x18080] =	vst v63  }
0x2e: {  	v3 =	vld [tilespmem:$0x10];
	_ =	sdelay $0x4  }
0x2f: {  	v49 =	vshrl.u32 v3, $0x3  }
0x30: {  	v4 =	vmul.u32 $0x30, v49  }
0x31: {  	v3 =	vand.u32 $0x7, v3  }
0x32: {  	v3 =	vor.u32 v3, v4  }
0x33: {  	v4 =	vperm.xlane v3, v0;
	_ =	sdelay $0x1  }
0x34: {  	v4 =	vadd.s32 v1, v4;
	_ =	sdelay $0x3  }
0x35: {  	v3 =	vperm.xlane v3, v2  }
0x36: {  	[tilespmem:s15], [sflag:$0x1] =	stream.indirect_vreg.gather [hbm4b:s1+s3], $0x80, v4, vm0, $0xb8;
	[tilespmem:$0x18080] =	vst v63  }
0x37: {  	v3 =	vadd.s32 v1, v3  }
0x38: {  	[tilespmem:s16], [sflag:$0x1] =	stream.indirect_vreg.gather [hbm4b:s4+s3], $0x80, v4, vm0, $0xb8;
	[tilespmem:$0x18080] =	vst v63  }
0x39: {  	_ = 	snop  }
0x3a: {  	[tilespmem:s17], [sflag:$0x1] =	stream.indirect_vreg.gather [hbm4b:s5+s3], $0x80, v4, vm0, $0xb8;
	[tilespmem:$0x18080] =	vst v63  }
0x3b: {  	_ = 	snop  }
0x3c: {  	[tilespmem:s18], [sflag:$0x1] =	stream.indirect_vreg.gather [hbm4b:s1+s3], $0x80, v3, vm0, $0xb8;
	[tilespmem:$0x18080] =	vst v63  }
0x3d: {  	_ = 	snop  }
0x3e: {  	[tilespmem:s19], [sflag:$0x1] =	stream.indirect_vreg.gather [hbm4b:s4+s3], $0x80, v3, vm0, $0xb8;
	[tilespmem:$0x18080] =	vst v63  }
0x3f: {  	_ = 	snop  }
0x40: {  	[tilespmem:s20], [sflag:$0x1] =	stream.indirect_vreg.gather [hbm4b:s5+s3], $0x80, v3, vm0, $0xb8;
	[tilespmem:$0x18080] =	vst v63  }
0x41: {  	v3 =	vld [tilespmem:$0x20];
	_ =	sdelay $0x4  }
0x42: {  	v50 =	vshrl.u32 v3, $0x3  }
0x43: {  	v4 =	vmul.u32 $0x30, v50  }
0x44: {  	v3 =	vand.u32 $0x7, v3  }
0x45: {  	v3 =	vor.u32 v3, v4  }
0x46: {  	v4 =	vperm.xlane v3, v0;
	_ =	sdelay $0x1  }
0x47: {  	v4 =	vadd.s32 v1, v4;
	_ =	sdelay $0x3  }
0x48: {  	v3 =	vperm.xlane v3, v2  }
0x49: {  	[tilespmem:s21], [sflag:$0x1] =	stream.indirect_vreg.gather [hbm4b:s1+s3], $0x80, v4, vm0, $0xb8;
	[tilespmem:$0x18080] =	vst v63  }
0x4a: {  	v3 =	vadd.s32 v1, v3  }
0x4b: {  	[tilespmem:s22], [sflag:$0x1] =	stream.indirect_vreg.gather [hbm4b:s4+s3], $0x80, v4, vm0, $0xb8;
	[tilespmem:$0x18080] =	vst v63  }
0x4c: {  	_ = 	snop  }
0x4d: {  	[tilespmem:s23], [sflag:$0x1] =	stream.indirect_vreg.gather [hbm4b:s5+s3], $0x80, v4, vm0, $0xb8;
	[tilespmem:$0x18080] =	vst v63  }
0x4e: {  	_ = 	snop  }
0x4f: {  	[tilespmem:s24], [sflag:$0x1] =	stream.indirect_vreg.gather [hbm4b:s1+s3], $0x80, v3, vm0, $0xb8;
	[tilespmem:$0x18080] =	vst v63  }
0x50: {  	_ = 	snop  }
0x51: {  	[tilespmem:s25], [sflag:$0x1] =	stream.indirect_vreg.gather [hbm4b:s4+s3], $0x80, v3, vm0, $0xb8;
	[tilespmem:$0x18080] =	vst v63  }
0x52: {  	_ = 	snop  }
0x53: {  	[tilespmem:s26], [sflag:$0x1] =	stream.indirect_vreg.gather [hbm4b:s5+s3], $0x80, v3, vm0, $0xb8;
	[tilespmem:$0x18080] =	vst v63  }
0x54: {  	v3 =	vld [tilespmem:$0x30];
	_ =	sdelay $0x4  }
0x55: {  	v51 =	vshrl.u32 v3, $0x3  }
0x56: {  	v4 =	vmul.u32 $0x30, v51  }
0x57: {  	v3 =	vand.u32 $0x7, v3  }
0x58: {  	v3 =	vor.u32 v3, v4  }
0x59: {  	v4 =	vperm.xlane v3, v0;
	_ =	sdelay $0x1  }
0x5a: {  	v4 =	vadd.s32 v1, v4;
	_ =	sdelay $0x3  }
0x5b: {  	v3 =	vperm.xlane v3, v2  }
0x5c: {  	[tilespmem:s28], [sflag:$0x1] =	stream.indirect_vreg.gather [hbm4b:s1+s3], $0x80, v4, vm0, $0xb8;
	[tilespmem:$0x18080] =	vst v63  }
0x5d: {  	v3 =	vadd.s32 v1, v3  }
0x5e: {  	[tilespmem:s29], [sflag:$0x1] =	stream.indirect_vreg.gather [hbm4b:s4+s3], $0x80, v4, vm0, $0xb8;
	[tilespmem:$0x18080] =	vst v63  }
0x5f: {  	_ = 	snop  }
0x60: {  	[tilespmem:s30], [sflag:$0x1] =	stream.indirect_vreg.gather [hbm4b:s5+s3], $0x80, v4, vm0, $0xb8;
	[tilespmem:$0x18080] =	vst v63  }
0x61: {  	_ = 	snop  }
0x62: {  	[tilespmem:s31], [sflag:$0x1] =	stream.indirect_vreg.gather [hbm4b:s1+s3], $0x80, v3, vm0, $0xb8;
	[tilespmem:$0x18080] =	vst v63  }
0x63: {  	s9 =	simm.s32 $0xB080  }
0x64: {  	[tilespmem:s9], [sflag:$0x1] =	stream.indirect_vreg.gather [hbm4b:s4+s3], $0x80, v3, vm0, $0xb8;
	[tilespmem:$0x18080] =	vst v63  }
0x65: {  	_ = 	snop  }
0x66: {  	[tilespmem:s8], [sflag:$0x1] =	stream.indirect_vreg.gather [hbm4b:s5+s3], $0x80, v3, vm0, $0xb8;
	[tilespmem:$0x18080] =	vst v63  }
0x67: {  	v3 =	vld [tilespmem:$0x40];
	_ =	sdelay $0x4  }
0x68: {  	v52 =	vshrl.u32 v3, $0x3  }
0x69: {  	v4 =	vmul.u32 $0x30, v52  }
0x6a: {  	v3 =	vand.u32 $0x7, v3  }
0x6b: {  	v3 =	vor.u32 v3, v4  }
0x6c: {  	v4 =	vperm.xlane v3, v0;
	_ =	sdelay $0x1  }
0x6d: {  	v4 =	vadd.s32 v1, v4;
	_ =	sdelay $0x3  }
0x6e: {  	s9 =	simm.s32 $0xC080;
	v3 =	vperm.xlane v3, v2  }
0x6f: {  	[tilespmem:s9], [sflag:$0x1] =	stream.indirect_vreg.gather [hbm4b:s1+s3], $0x80, v4, vm0, $0xb8;
	[tilespmem:$0x18080] =	vst v63  }
0x70: {  	v3 =	vadd.s32 v1, v3;
	s9 =	simm.s32 $0xC880  }
0x71: {  	[tilespmem:s9], [sflag:$0x1] =	stream.indirect_vreg.gather [hbm4b:s4+s3], $0x80, v4, vm0, $0xb8;
	[tilespmem:$0x18080] =	vst v63  }
0x72: {  	s9 =	simm.s32 $0xD080  }
0x73: {  	[tilespmem:s9], [sflag:$0x1] =	stream.indirect_vreg.gather [hbm4b:s5+s3], $0x80, v4, vm0, $0xb8;
	[tilespmem:$0x18080] =	vst v63  }
0x74: {  	s9 =	simm.s32 $0xD880  }
0x75: {  	[tilespmem:s9], [sflag:$0x1] =	stream.indirect_vreg.gather [hbm4b:s1+s3], $0x80, v3, vm0, $0xb8;
	[tilespmem:$0x18080] =	vst v63  }
0x76: {  	s9 =	simm.s32 $0xE080  }
0x77: {  	[tilespmem:s9], [sflag:$0x1] =	stream.indirect_vreg.gather [hbm4b:s4+s3], $0x80, v3, vm0, $0xb8;
	[tilespmem:$0x18080] =	vst v63  }
0x78: {  	s9 =	simm.s32 $0xE880  }
0x79: {  	[tilespmem:s9], [sflag:$0x1] =	stream.indirect_vreg.gather [hbm4b:s5+s3], $0x80, v3, vm0, $0xb8;
	[tilespmem:$0x18080] =	vst v63  }
0x7a: {  	v3 =	vld [tilespmem:$0x50];
	_ =	sdelay $0x4  }
0x7b: {  	v53 =	vshrl.u32 v3, $0x3  }
0x7c: {  	v4 =	vmul.u32 $0x30, v53  }
0x7d: {  	v3 =	vand.u32 $0x7, v3  }
0x7e: {  	v3 =	vor.u32 v3, v4  }
0x7f: {  	v4 =	vperm.xlane v3, v0;
	_ =	sdelay $0x1  }
0x80: {  	v4 =	vadd.s32 v1, v4;
	_ =	sdelay $0x3  }
0x81: {  	s9 =	simm.s32 $0xF080;
	v3 =	vperm.xlane v3, v2  }
0x82: {  	[tilespmem:s9], [sflag:$0x1] =	stream.indirect_vreg.gather [hbm4b:s1+s3], $0x80, v4, vm0, $0xb8;
	[tilespmem:$0x18080] =	vst v63  }
0x83: {  	v3 =	vadd.s32 v1, v3;
	s9 =	simm.s32 $0xF880  }
0x84: {  	[tilespmem:s9], [sflag:$0x1] =	stream.indirect_vreg.gather [hbm4b:s4+s3], $0x80, v4, vm0, $0xb8;
	[tilespmem:$0x18080] =	vst v63  }
0x85: {  	s9 =	simm.s32 $0x10080  }
0x86: {  	[tilespmem:s9], [sflag:$0x1] =	stream.indirect_vreg.gather [hbm4b:s5+s3], $0x80, v4, vm0, $0xb8;
	[tilespmem:$0x18080] =	vst v63  }
0x87: {  	s9 =	simm.s32 $0x10880  }
0x88: {  	[tilespmem:s9], [sflag:$0x1] =	stream.indirect_vreg.gather [hbm4b:s1+s3], $0x80, v3, vm0, $0xb8;
	[tilespmem:$0x18080] =	vst v63  }
0x89: {  	s9 =	simm.s32 $0x11080  }
0x8a: {  	[tilespmem:s9], [sflag:$0x1] =	stream.indirect_vreg.gather [hbm4b:s4+s3], $0x80, v3, vm0, $0xb8;
	[tilespmem:$0x18080] =	vst v63  }
0x8b: {  	s9 =	simm.s32 $0x11880  }
0x8c: {  	[tilespmem:s9], [sflag:$0x1] =	stream.indirect_vreg.gather [hbm4b:s5+s3], $0x80, v3, vm0, $0xb8;
	[tilespmem:$0x18080] =	vst v63  }
0x8d: {  	v3 =	vld [tilespmem:$0x60];
	_ =	sdelay $0x4  }
0x8e: {  	v54 =	vshrl.u32 v3, $0x3  }
0x8f: {  	v4 =	vmul.u32 $0x30, v54  }
0x90: {  	v3 =	vand.u32 $0x7, v3  }
0x91: {  	v3 =	vor.u32 v3, v4  }
0x92: {  	v4 =	vperm.xlane v3, v0;
	_ =	sdelay $0x1  }
0x93: {  	v4 =	vadd.s32 v1, v4;
	_ =	sdelay $0x3  }
0x94: {  	s9 =	simm.s32 $0x12080;
	v3 =	vperm.xlane v3, v2  }
0x95: {  	[tilespmem:s9], [sflag:$0x1] =	stream.indirect_vreg.gather [hbm4b:s1+s3], $0x80, v4, vm0, $0xb8;
	[tilespmem:$0x18080] =	vst v63  }
0x96: {  	v3 =	vadd.s32 v1, v3;
	s9 =	simm.s32 $0x12880  }
0x97: {  	[tilespmem:s9], [sflag:$0x1] =	stream.indirect_vreg.gather [hbm4b:s4+s3], $0x80, v4, vm0, $0xb8;
	[tilespmem:$0x18080] =	vst v63  }
0x98: {  	s9 =	simm.s32 $0x13080  }
0x99: {  	[tilespmem:s9], [sflag:$0x1] =	stream.indirect_vreg.gather [hbm4b:s5+s3], $0x80, v4, vm0, $0xb8;
	[tilespmem:$0x18080] =	vst v63  }
0x9a: {  	s9 =	simm.s32 $0x13880  }
0x9b: {  	[tilespmem:s9], [sflag:$0x1] =	stream.indirect_vreg.gather [hbm4b:s1+s3], $0x80, v3, vm0, $0xb8;
	[tilespmem:$0x18080] =	vst v63  }
0x9c: {  	s9 =	simm.s32 $0x14080  }
0x9d: {  	[tilespmem:s9], [sflag:$0x1] =	stream.indirect_vreg.gather [hbm4b:s4+s3], $0x80, v3, vm0, $0xb8;
	[tilespmem:$0x18080] =	vst v63  }
0x9e: {  	s9 =	simm.s32 $0x14880  }
0x9f: {  	[tilespmem:s9], [sflag:$0x1] =	stream.indirect_vreg.gather [hbm4b:s5+s3], $0x80, v3, vm0, $0xb8;
	[tilespmem:$0x18080] =	vst v63  }
0xa0: {  	v3 =	vld [tilespmem:$0x70];
	_ =	sdelay $0x4  }
0xa1: {  	v55 =	vshrl.u32 v3, $0x3  }
0xa2: {  	v4 =	vmul.u32 $0x30, v55  }
0xa3: {  	v3 =	vand.u32 $0x7, v3  }
0xa4: {  	v3 =	vor.u32 v3, v4  }
0xa5: {  	v4 =	vperm.xlane v3, v0;
	_ =	sdelay $0x1  }
0xa6: {  	v4 =	vadd.s32 v1, v4;
	_ =	sdelay $0x3  }
0xa7: {  	s9 =	simm.s32 $0x15080;
	v3 =	vperm.xlane v3, v2  }
0xa8: {  	[tilespmem:s9], [sflag:$0x1] =	stream.indirect_vreg.gather [hbm4b:s1+s3], $0x80, v4, vm0, $0xb8;
	[tilespmem:$0x18080] =	vst v63  }
0xa9: {  	v3 =	vadd.s32 v1, v3;
	s9 =	simm.s32 $0x15880  }
0xaa: {  	[tilespmem:s9], [sflag:$0x1] =	stream.indirect_vreg.gather [hbm4b:s4+s3], $0x80, v4, vm0, $0xb8;
	[tilespmem:$0x18080] =	vst v63  }
0xab: {  	s9 =	simm.s32 $0x16080  }
0xac: {  	[tilespmem:s9], [sflag:$0x1] =	stream.indirect_vreg.gather [hbm4b:s5+s3], $0x80, v4, vm0, $0xb8;
	[tilespmem:$0x18080] =	vst v63  }
0xad: {  	s9 =	simm.s32 $0x16880  }
0xae: {  	[tilespmem:s9], [sflag:$0x1] =	stream.indirect_vreg.gather [hbm4b:s1+s3], $0x80, v3, vm0, $0xb8;
	[tilespmem:$0x18080] =	vst v63  }
0xaf: {  	s9 =	simm.s32 $0x17080  }
0xb0: {  	[tilespmem:s9], [sflag:$0x1] =	stream.indirect_vreg.gather [hbm4b:s4+s3], $0x80, v3, vm0, $0xb8;
	[tilespmem:$0x18080] =	vst v63  }
0xb1: {  	s9 =	simm.s32 $0x17880  }
0xb2: {  	[tilespmem:s9], [sflag:$0x1] =	stream.indirect_vreg.gather [hbm4b:s5+s3], $0x80, v3, vm0, $0xb8;
	[tilespmem:$0x18080] =	vst v63  }
0xb3: {  	_ =	swait.ge [sflag:s2], $0x18000  }
0xb4: {  	[sflag:s2] =	ssyncset.done $0x0  }
0xb5: {  	s0 =	simm.s32 $0x80;
	s9 =	rddreg [dreg:$0x5];
	[sflag:s2] =	ssyncadd.s32 $0xFFFE8000  }
0xb6: {  	[hbm4b:s9+s3] =	stream.linear.scatter [tilespmem:s0], [sflag:$0x2], $0x18000, $0x38;
	[tilespmem:$0x18080] =	vst v63  }
0xb7: {  	_ =	swait.ge [sflag:s7], $0x18000  }
0xb8: {  	[sflag:s7] =	ssyncset.done $0x0  }
0xb9: {  	s9 =	rddreg [dreg:$0x6];
	[sflag:s7] =	ssyncadd.s32 $0xFFFE8000  }
0xba: {  	[tilespmem:s3], [sflag:$0x2] =	stream.linear.gather [hbm4b:s9+s3], $0x80, $0x38;
	[tilespmem:$0x18080] =	vst v63  }
0xbb: {  	_ =	swait.ge [sflag:s7], $0x80  }
0xbc: {  	[sflag:s7] =	ssyncset.done $0x0  }
0xbd: {  	[sflag:s7] =	ssyncadd.s32 $0xFFFFFF80  }
0xbe: {  	v3 =	vld [tilespmem:$0x0];
	_ =	sdelay $0x4  }
0xbf: {  	v56 =	vshrl.u32 v3, $0x3  }
0xc0: {  	v4 =	vmul.u32 $0x30, v56  }
0xc1: {  	v3 =	vand.u32 $0x7, v3  }
0xc2: {  	v3 =	vor.u32 v3, v4  }
0xc3: {  	v4 =	vperm.xlane v3, v0;
	_ =	sdelay $0x1  }
0xc4: {  	v4 =	vadd.s32 v1, v4;
	_ =	sdelay $0x3  }
0xc5: {  	v3 =	vperm.xlane v3, v2  }
0xc6: {  	[tilespmem:s0], [sflag:$0x1] =	stream.indirect_vreg.gather [hbm4b:s1+s3], $0x80, v4, vm0, $0xb8;
	[tilespmem:$0x18080] =	vst v63  }
0xc7: {  	v3 =	vadd.s32 v1, v3  }
0xc8: {  	[tilespmem:s10], [sflag:$0x1] =	stream.indirect_vreg.gather [hbm4b:s4+s3], $0x80, v4, vm0, $0xb8;
	[tilespmem:$0x18080] =	vst v63  }
0xc9: {  	_ = 	snop  }
0xca: {  	[tilespmem:s11], [sflag:$0x1] =	stream.indirect_vreg.gather [hbm4b:s5+s3], $0x80, v4, vm0, $0xb8;
	[tilespmem:$0x18080] =	vst v63  }
0xcb: {  	_ = 	snop  }
0xcc: {  	[tilespmem:s12], [sflag:$0x1] =	stream.indirect_vreg.gather [hbm4b:s1+s3], $0x80, v3, vm0, $0xb8;
	[tilespmem:$0x18080] =	vst v63  }
0xcd: {  	_ = 	snop  }
0xce: {  	[tilespmem:s13], [sflag:$0x1] =	stream.indirect_vreg.gather [hbm4b:s4+s3], $0x80, v3, vm0, $0xb8;
	[tilespmem:$0x18080] =	vst v63  }
0xcf: {  	_ = 	snop  }
0xd0: {  	[tilespmem:s14], [sflag:$0x1] =	stream.indirect_vreg.gather [hbm4b:s5+s3], $0x80, v3, vm0, $0xb8;
	[tilespmem:$0x18080] =	vst v63  }
0xd1: {  	v3 =	vld [tilespmem:$0x10];
	_ =	sdelay $0x4  }
0xd2: {  	v57 =	vshrl.u32 v3, $0x3  }
0xd3: {  	v4 =	vmul.u32 $0x30, v57  }
0xd4: {  	v3 =	vand.u32 $0x7, v3  }
0xd5: {  	v3 =	vor.u32 v3, v4  }
0xd6: {  	v4 =	vperm.xlane v3, v0;
	_ =	sdelay $0x1  }
0xd7: {  	v4 =	vadd.s32 v1, v4;
	_ =	sdelay $0x3  }
0xd8: {  	v3 =	vperm.xlane v3, v2  }
0xd9: {  	[tilespmem:s15], [sflag:$0x1] =	stream.indirect_vreg.gather [hbm4b:s1+s3], $0x80, v4, vm0, $0xb8;
	[tilespmem:$0x18080] =	vst v63  }
0xda: {  	v3 =	vadd.s32 v1, v3  }
0xdb: {  	[tilespmem:s16], [sflag:$0x1] =	stream.indirect_vreg.gather [hbm4b:s4+s3], $0x80, v4, vm0, $0xb8;
	[tilespmem:$0x18080] =	vst v63  }
0xdc: {  	_ = 	snop  }
0xdd: {  	[tilespmem:s17], [sflag:$0x1] =	stream.indirect_vreg.gather [hbm4b:s5+s3], $0x80, v4, vm0, $0xb8;
	[tilespmem:$0x18080] =	vst v63  }
0xde: {  	_ = 	snop  }
0xdf: {  	[tilespmem:s18], [sflag:$0x1] =	stream.indirect_vreg.gather [hbm4b:s1+s3], $0x80, v3, vm0, $0xb8;
	[tilespmem:$0x18080] =	vst v63  }
0xe0: {  	_ = 	snop  }
0xe1: {  	[tilespmem:s19], [sflag:$0x1] =	stream.indirect_vreg.gather [hbm4b:s4+s3], $0x80, v3, vm0, $0xb8;
	[tilespmem:$0x18080] =	vst v63  }
0xe2: {  	_ = 	snop  }
0xe3: {  	[tilespmem:s20], [sflag:$0x1] =	stream.indirect_vreg.gather [hbm4b:s5+s3], $0x80, v3, vm0, $0xb8;
	[tilespmem:$0x18080] =	vst v63  }
0xe4: {  	v3 =	vld [tilespmem:$0x20];
	_ =	sdelay $0x4  }
0xe5: {  	v58 =	vshrl.u32 v3, $0x3  }
0xe6: {  	v4 =	vmul.u32 $0x30, v58  }
0xe7: {  	v3 =	vand.u32 $0x7, v3  }
0xe8: {  	v3 =	vor.u32 v3, v4  }
0xe9: {  	v4 =	vperm.xlane v3, v0;
	_ =	sdelay $0x1  }
0xea: {  	v4 =	vadd.s32 v1, v4;
	_ =	sdelay $0x3  }
0xeb: {  	v3 =	vperm.xlane v3, v2  }
0xec: {  	[tilespmem:s21], [sflag:$0x1] =	stream.indirect_vreg.gather [hbm4b:s1+s3], $0x80, v4, vm0, $0xb8;
	[tilespmem:$0x18080] =	vst v63  }
0xed: {  	v3 =	vadd.s32 v1, v3  }
0xee: {  	[tilespmem:s22], [sflag:$0x1] =	stream.indirect_vreg.gather [hbm4b:s4+s3], $0x80, v4, vm0, $0xb8;
	[tilespmem:$0x18080] =	vst v63  }
0xef: {  	_ = 	snop  }
0xf0: {  	[tilespmem:s23], [sflag:$0x1] =	stream.indirect_vreg.gather [hbm4b:s5+s3], $0x80, v4, vm0, $0xb8;
	[tilespmem:$0x18080] =	vst v63  }
0xf1: {  	_ = 	snop  }
0xf2: {  	[tilespmem:s24], [sflag:$0x1] =	stream.indirect_vreg.gather [hbm4b:s1+s3], $0x80, v3, vm0, $0xb8;
	[tilespmem:$0x18080] =	vst v63  }
0xf3: {  	_ = 	snop  }
0xf4: {  	[tilespmem:s25], [sflag:$0x1] =	stream.indirect_vreg.gather [hbm4b:s4+s3], $0x80, v3, vm0, $0xb8;
	[tilespmem:$0x18080] =	vst v63  }
0xf5: {  	_ = 	snop  }
0xf6: {  	[tilespmem:s26], [sflag:$0x1] =	stream.indirect_vreg.gather [hbm4b:s5+s3], $0x80, v3, vm0, $0xb8;
	[tilespmem:$0x18080] =	vst v63  }
0xf7: {  	v3 =	vld [tilespmem:$0x30];
	_ =	sdelay $0x4  }
0xf8: {  	v59 =	vshrl.u32 v3, $0x3  }
0xf9: {  	v4 =	vmul.u32 $0x30, v59  }
0xfa: {  	v3 =	vand.u32 $0x7, v3  }
0xfb: {  	v3 =	vor.u32 v3, v4  }
0xfc: {  	v4 =	vperm.xlane v3, v0;
	_ =	sdelay $0x1  }
0xfd: {  	v4 =	vadd.s32 v1, v4;
	_ =	sdelay $0x3  }
0xfe: {  	v3 =	vperm.xlane v3, v2  }
0xff: {  	[tilespmem:s28], [sflag:$0x1] =	stream.indirect_vreg.gather [hbm4b:s1+s3], $0x80, v4, vm0, $0xb8;
	[tilespmem:$0x18080] =	vst v63  }
0x100: {  	v3 =	vadd.s32 v1, v3  }
0x101: {  	[tilespmem:s29], [sflag:$0x1] =	stream.indirect_vreg.gather [hbm4b:s4+s3], $0x80, v4, vm0, $0xb8;
	[tilespmem:$0x18080] =	vst v63  }
0x102: {  	_ = 	snop  }
0x103: {  	[tilespmem:s30], [sflag:$0x1] =	stream.indirect_vreg.gather [hbm4b:s5+s3], $0x80, v4, vm0, $0xb8;
	[tilespmem:$0x18080] =	vst v63  }
0x104: {  	_ = 	snop  }
0x105: {  	[tilespmem:s31], [sflag:$0x1] =	stream.indirect_vreg.gather [hbm4b:s1+s3], $0x80, v3, vm0, $0xb8;
	[tilespmem:$0x18080] =	vst v63  }
0x106: {  	s9 =	simm.s32 $0xB080  }
0x107: {  	[tilespmem:s9], [sflag:$0x1] =	stream.indirect_vreg.gather [hbm4b:s4+s3], $0x80, v3, vm0, $0xb8;
	[tilespmem:$0x18080] =	vst v63  }
0x108: {  	_ = 	snop  }
0x109: {  	[tilespmem:s8], [sflag:$0x1] =	stream.indirect_vreg.gather [hbm4b:s5+s3], $0x80, v3, vm0, $0xb8;
	[tilespmem:$0x18080] =	vst v63  }
0x10a: {  	v3 =	vld [tilespmem:$0x40];
	_ =	sdelay $0x4  }
0x10b: {  	v60 =	vshrl.u32 v3, $0x3  }
0x10c: {  	v4 =	vmul.u32 $0x30, v60  }
0x10d: {  	v3 =	vand.u32 $0x7, v3  }
0x10e: {  	v3 =	vor.u32 v3, v4  }
0x10f: {  	v4 =	vperm.xlane v3, v0;
	_ =	sdelay $0x1  }
0x110: {  	v4 =	vadd.s32 v1, v4;
	_ =	sdelay $0x3  }
0x111: {  	s9 =	simm.s32 $0xC080;
	v3 =	vperm.xlane v3, v2  }
0x112: {  	[tilespmem:s9], [sflag:$0x1] =	stream.indirect_vreg.gather [hbm4b:s1+s3], $0x80, v4, vm0, $0xb8;
	[tilespmem:$0x18080] =	vst v63  }
0x113: {  	v3 =	vadd.s32 v1, v3;
	s9 =	simm.s32 $0xC880  }
0x114: {  	[tilespmem:s9], [sflag:$0x1] =	stream.indirect_vreg.gather [hbm4b:s4+s3], $0x80, v4, vm0, $0xb8;
	[tilespmem:$0x18080] =	vst v63  }
0x115: {  	s9 =	simm.s32 $0xD080  }
0x116: {  	[tilespmem:s9], [sflag:$0x1] =	stream.indirect_vreg.gather [hbm4b:s5+s3], $0x80, v4, vm0, $0xb8;
	[tilespmem:$0x18080] =	vst v63  }
0x117: {  	s9 =	simm.s32 $0xD880  }
0x118: {  	[tilespmem:s9], [sflag:$0x1] =	stream.indirect_vreg.gather [hbm4b:s1+s3], $0x80, v3, vm0, $0xb8;
	[tilespmem:$0x18080] =	vst v63  }
0x119: {  	s9 =	simm.s32 $0xE080  }
0x11a: {  	[tilespmem:s9], [sflag:$0x1] =	stream.indirect_vreg.gather [hbm4b:s4+s3], $0x80, v3, vm0, $0xb8;
	[tilespmem:$0x18080] =	vst v63  }
0x11b: {  	s9 =	simm.s32 $0xE880  }
0x11c: {  	[tilespmem:s9], [sflag:$0x1] =	stream.indirect_vreg.gather [hbm4b:s5+s3], $0x80, v3, vm0, $0xb8;
	[tilespmem:$0x18080] =	vst v63  }
0x11d: {  	v3 =	vld [tilespmem:$0x50];
	_ =	sdelay $0x4  }
0x11e: {  	v61 =	vshrl.u32 v3, $0x3  }
0x11f: {  	v4 =	vmul.u32 $0x30, v61  }
0x120: {  	v3 =	vand.u32 $0x7, v3  }
0x121: {  	v3 =	vor.u32 v3, v4  }
0x122: {  	v4 =	vperm.xlane v3, v0;
	_ =	sdelay $0x1  }
0x123: {  	v4 =	vadd.s32 v1, v4;
	_ =	sdelay $0x3  }
0x124: {  	s9 =	simm.s32 $0xF080;
	v3 =	vperm.xlane v3, v2  }
0x125: {  	[tilespmem:s9], [sflag:$0x1] =	stream.indirect_vreg.gather [hbm4b:s1+s3], $0x80, v4, vm0, $0xb8;
	[tilespmem:$0x18080] =	vst v63  }
0x126: {  	v3 =	vadd.s32 v1, v3;
	s9 =	simm.s32 $0xF880  }
0x127: {  	[tilespmem:s9], [sflag:$0x1] =	stream.indirect_vreg.gather [hbm4b:s4+s3], $0x80, v4, vm0, $0xb8;
	[tilespmem:$0x18080] =	vst v63  }
0x128: {  	s9 =	simm.s32 $0x10080  }
0x129: {  	[tilespmem:s9], [sflag:$0x1] =	stream.indirect_vreg.gather [hbm4b:s5+s3], $0x80, v4, vm0, $0xb8;
	[tilespmem:$0x18080] =	vst v63  }
0x12a: {  	s9 =	simm.s32 $0x10880  }
0x12b: {  	[tilespmem:s9], [sflag:$0x1] =	stream.indirect_vreg.gather [hbm4b:s1+s3], $0x80, v3, vm0, $0xb8;
	[tilespmem:$0x18080] =	vst v63  }
0x12c: {  	s9 =	simm.s32 $0x11080  }
0x12d: {  	[tilespmem:s9], [sflag:$0x1] =	stream.indirect_vreg.gather [hbm4b:s4+s3], $0x80, v3, vm0, $0xb8;
	[tilespmem:$0x18080] =	vst v63  }
0x12e: {  	s9 =	simm.s32 $0x11880  }
0x12f: {  	[tilespmem:s9], [sflag:$0x1] =	stream.indirect_vreg.gather [hbm4b:s5+s3], $0x80, v3, vm0, $0xb8;
	[tilespmem:$0x18080] =	vst v63  }
0x130: {  	v3 =	vld [tilespmem:$0x60];
	_ =	sdelay $0x4  }
0x131: {  	v62 =	vshrl.u32 v3, $0x3  }
0x132: {  	v4 =	vmul.u32 $0x30, v62  }
0x133: {  	v3 =	vand.u32 $0x7, v3  }
0x134: {  	v3 =	vor.u32 v3, v4  }
0x135: {  	v4 =	vperm.xlane v3, v0;
	_ =	sdelay $0x1  }
0x136: {  	v4 =	vadd.s32 v1, v4;
	_ =	sdelay $0x3  }
0x137: {  	s9 =	simm.s32 $0x12080;
	v3 =	vperm.xlane v3, v2  }
0x138: {  	[tilespmem:s9], [sflag:$0x1] =	stream.indirect_vreg.gather [hbm4b:s1+s3], $0x80, v4, vm0, $0xb8;
	[tilespmem:$0x18080] =	vst v63  }
0x139: {  	v3 =	vadd.s32 v1, v3;
	s9 =	simm.s32 $0x12880  }
0x13a: {  	[tilespmem:s9], [sflag:$0x1] =	stream.indirect_vreg.gather [hbm4b:s4+s3], $0x80, v4, vm0, $0xb8;
	[tilespmem:$0x18080] =	vst v63  }
0x13b: {  	s9 =	simm.s32 $0x13080  }
0x13c: {  	[tilespmem:s9], [sflag:$0x1] =	stream.indirect_vreg.gather [hbm4b:s5+s3], $0x80, v4, vm0, $0xb8;
	[tilespmem:$0x18080] =	vst v63  }
0x13d: {  	s9 =	simm.s32 $0x13880  }
0x13e: {  	[tilespmem:s9], [sflag:$0x1] =	stream.indirect_vreg.gather [hbm4b:s1+s3], $0x80, v3, vm0, $0xb8;
	[tilespmem:$0x18080] =	vst v63  }
0x13f: {  	s9 =	simm.s32 $0x14080  }
0x140: {  	[tilespmem:s9], [sflag:$0x1] =	stream.indirect_vreg.gather [hbm4b:s4+s3], $0x80, v3, vm0, $0xb8;
	[tilespmem:$0x18080] =	vst v63  }
0x141: {  	s9 =	simm.s32 $0x14880  }
0x142: {  	[tilespmem:s9], [sflag:$0x1] =	stream.indirect_vreg.gather [hbm4b:s5+s3], $0x80, v3, vm0, $0xb8;
	[tilespmem:$0x18080] =	vst v63  }
0x143: {  	v3 =	vld [tilespmem:$0x70];
	_ =	sdelay $0x4  }
0x144: {  	v63 =	vshrl.u32 v3, $0x3  }
0x145: {  	v4 =	vmul.u32 $0x30, v63  }
0x146: {  	v3 =	vand.u32 $0x7, v3  }
0x147: {  	v3 =	vor.u32 v3, v4  }
0x148: {  	v4 =	vperm.xlane v3, v0;
	_ =	sdelay $0x1  }
0x149: {  	v4 =	vadd.s32 v1, v4;
	_ =	sdelay $0x3  }
0x14a: {  	s9 =	simm.s32 $0x15080;
	v3 =	vperm.xlane v3, v2  }
0x14b: {  	[tilespmem:s9], [sflag:$0x1] =	stream.indirect_vreg.gather [hbm4b:s1+s3], $0x80, v4, vm0, $0xb8;
	[tilespmem:$0x18080] =	vst v63  }
0x14c: {  	v3 =	vadd.s32 v1, v3;
	s9 =	simm.s32 $0x15880  }
0x14d: {  	[tilespmem:s9], [sflag:$0x1] =	stream.indirect_vreg.gather [hbm4b:s4+s3], $0x80, v4, vm0, $0xb8;
	[tilespmem:$0x18080] =	vst v63  }
0x14e: {  	s9 =	simm.s32 $0x16080  }
0x14f: {  	[tilespmem:s9], [sflag:$0x1] =	stream.indirect_vreg.gather [hbm4b:s5+s3], $0x80, v4, vm0, $0xb8;
	[tilespmem:$0x18080] =	vst v63  }
0x150: {  	s9 =	simm.s32 $0x16880  }
0x151: {  	[tilespmem:s9], [sflag:$0x1] =	stream.indirect_vreg.gather [hbm4b:s1+s3], $0x80, v3, vm0, $0xb8;
	[tilespmem:$0x18080] =	vst v63  }
0x152: {  	s9 =	simm.s32 $0x17080  }
0x153: {  	[tilespmem:s9], [sflag:$0x1] =	stream.indirect_vreg.gather [hbm4b:s4+s3], $0x80, v3, vm0, $0xb8;
	[tilespmem:$0x18080] =	vst v63  }
0x154: {  	s9 =	simm.s32 $0x17880  }
0x155: {  	[tilespmem:s9], [sflag:$0x1] =	stream.indirect_vreg.gather [hbm4b:s5+s3], $0x80, v3, vm0, $0xb8;
	[tilespmem:$0x18080] =	vst v63  }
0x156: {  	_ =	swait.ge [sflag:s2], $0x18000  }
0x157: {  	p0 =	sne.s32 s6, $0x1;
	s0 =	simm.s32 $0x80;
	[sflag:s2] =	ssyncset.done $0x0  }
.Ltmp0:
0x158: {  	s9 =	rddreg [dreg:$0x7];
	[sflag:s2] =	ssyncadd.s32 $0xFFFE8000;
	(pc) =	sbr.rel @p0 .LBB2_1-.Ltmp0, $4  }
0x159: {  	[hbm4b:s9+s3] =	stream.linear.scatter [tilespmem:s0], [sflag:$0x2], $0x18000, $0x38;
	[tilespmem:$0x18080] =	vst v63  }
0x15a: {  	_ =	swait.ge [sflag:s7], $0x18000  }
0x15b: {  	[sflag:s7] =	ssyncset.done $0x0  }
0x15c: {  	s6 =	sadd.s32 $0xFFFFFFFF, s6;
	[sflag:s7] =	ssyncadd.s32 $0xFFFE8000  }
0x15d: {  	_ =	sfence.sel $0x180000  }
0x15e: {  	[bflag:$0x0] =	sbarrier.arrive $0xFFFF  }
0x15f: {  	_ =	strace $0x9000004D  }
0x160: {  	s0 =	stileid.u32;
	[bflag:$0x2] =	sbarrier.arrive $0xFFFF  }
0x161: {  	p0 =	sne.s32 s0, $0x0;
	s0 =	rddreg [dreg:$0x3]  }
0x162: {  	s0 =	sadd.s32 @!p0 $0x100000, s0  }
0x163: {  	[sflag:s0] =	ssyncadd.tile.s32 @!p0 $0x1;
	_ =	shalt  }
.Lfunc_end2:
_tile_overlayer_lowered:
.L_overlay_start_2:
0x164: {  	(tag) =	ssettag $0x2  }
0x165: {  	s0 =	rddreg [dreg:$0x0];
	s2 =	stileid.u32  }
0x166: {  	s1 =	rddreg [dreg:$0x1];
	p0 =	sne.s32 s2, $0x0  }
0x167: {  	s3 =	rddreg [dreg:$0x2];
	[bflag:$0x3] =	sbarrier.arrive $0xFFFF;
	s2 =	simm.s32 @!p0 $0x1C02  }
0x168: {  	[timem:s3], [sflag:s2] =	dma.local @!p0 [hbm:s0], s1  }
0x169: {  	s0 =	simm.s32 @!p0 $0x2  }
0x16a: {  	_ =	swait.ge @!p0 [sflag:s0], s1  }
0x16b: {  	s1 =	ssub.s32 @!p0 $0x0, s1;
	[sflag:s0] =	ssyncset.done @!p0 $0x0  }
0x16c: {  	[sflag:s0] =	ssyncadd.s32 @!p0 s1  }
0x16d: {  	[bflag:$0x3] =	sbarrier.arrive $0xFFFF  }
0x16e: {  	_ =	shalt  }

// kernel: kernel.23.cloned.1.call-start
scs
__scs_entry_jumppad:
0x0: {  	(pc) =	sbr.rel $0x88, $3  }
0x1: {  	(tag) =	ssettag $0x0;
	lr =	simm.s32 $0x1  }
0x2: {  	[smem:$0x3F9E] =	sst lr;
	_ =	strace $0xD0000000  }
0x3: {  	_ = 	snop  }
0x4: {  	_ = 	snop  }
0x5: {  	_ = 	snop  }
0x6: {  	_ = 	snop  }
0x7: {  	_ = 	snop  }
__scs_overlays_trampoline_lowered:
0x8: {  	[smem:$0x3FAD] =	sst s0  }
0x9: {  	[smem:$0x3FAE] =	sst s1  }
0xa: {  	[smem:$0x3FAF] =	sst s2  }
0xb: {  	[smem:$0x3FB0] =	sst s3  }
0xc: {  	[smem:$0x3FB1] =	sst s4  }
0xd: {  	[smem:$0x3FB2] =	sst s5  }
0xe: {  	[smem:$0x3FB3] =	sst s6  }
0xf: {  	[smem:$0x3FB4] =	sst s7  }
0x10: {  	[smem:$0x3FB5] =	sst s8  }
0x11: {  	[smem:$0x3FB6] =	sst s9;
	s0 =	simm.s32 @!p0 $0x0  }
0x12: {  	s1 =	sld [smem:$0x3F9C];
	s0 =	simm.s32 @p0 $0x1  }
0x13: {  	[smem:$0x3FB7] =	sst s0;
	s0 =	simm.s32 @!p1 $0x0  }
0x14: {  	s2 =	sld [smem:$0x3F9B];
	s0 =	simm.s32 @p1 $0x1  }
0x15: {  	[smem:$0x3FB8] =	sst s0;
	s0 =	simm.s32 @!p2 $0x0  }
0x16: {  	s3 =	sld [smem:$0x3FDB];
	s0 =	simm.s32 @p2 $0x1  }
0x17: {  	s4 =	simm.s32 $0x1BF5;
	[smem:$0x3FBA] =	sst s0  }
0x18: {  	s0 =	sld [smem:$0x3F9D];
	_ =	swait.ge [sflag:s4], $0x0  }
0x19: {  	s7 =	sld [smem:$0x3F9E]  }
0x1a: {  	s8 =	sadd.s32 $0xFFFFE003, lr  }
0x1b: {  	s9 =	sadd.s32 $0xFFFFFEF7, lr;
	s5 =	simm.s32 $0xFFFFFFFF;
	p2 =	slt.u32 s8, $0xFFFFF086  }
0x1c: {  	p1 =	slt.u32 s9, $0xF7A;
	s5 =	simm.s32 @!p2 $0x0  }
0x1d: {  	s5 =	simm.s32 @p1 $0x1;
	p0 =	seq.s32 s7, s2  }
0x1e: {  	s7 =	smul.u32 @!p0 $0xF7A, s2;
	p2 =	seq.s32 @!p0 s5, $0x0  }
0x1f: {  	s9 =	smul.u32 $0xF7A, s1;
	s8 =	simm.s32 @!p0 $0x1BF5;
	p2 =	por !p2, p0  }
0x20: {  	[sflag:s8] =	ssyncset.s32 @!p0 $0xFFFFF086;
	s6 =	sadd.s32 @!p0 s3, s7;
	s7 =	simm.s32 @!p0 $0x108  }
0x21: {  	s3 =	sadd.s32 s3, s9;
	s6 =	sadd.s32 @!p0 $0x88, s6;
	s7 =	simm.s32 @p2 $0x1082  }
0x22: {  	[simem:s7], [sflag:s8] =	dma.local @!p0 [hbm:s6], $0xF7A  }
0x23: {  	s9 =	sor.u32 $0xD0000000, s2;
	s6 =	simm.s32 $0x108;
	_ =	swait.ge @!p0 [sflag:s8], $0x0  }
0x24: {  	s3 =	sadd.s32 $0x88, s3;
	s6 =	simm.s32 @!p1 $0x1082;
	[sflag:s4] =	ssyncset.s32 $0xFFFFF086  }
0x25: {  	[simem:s6], [sflag:s4] =	dma.local [hbm:s3], $0xF7A  }
0x26: {  	[smem:$0x3F9E] =	sst s1;
	(tag) =	ssettag s2;
	_ =	strace s9  }
0x27: {  	s1 =	sld [smem:$0x3FAE]  }
0x28: {  	s2 =	sld [smem:$0x3FAF]  }
0x29: {  	s4 =	sld [smem:$0x3FB1]  }
0x2a: {  	p0 =	seq.s32 s5, $0x0;
	s5 =	sld [smem:$0x3FB2]  }
0x2b: {  	s6 =	sld [smem:$0x3FB3]  }
0x2c: {  	s7 =	sld [smem:$0x3FB4]  }
0x2d: {  	s3 =	simm.s32 $0x108;
	s8 =	sld [smem:$0x3FB5]  }
0x2e: {  	s3 =	simm.s32 @!p0 $0x1082;
	s9 =	sld [smem:$0x3FB6]  }
0x2f: {  	lr =	sadd.s32 s0, s3;
	s0 =	sld [smem:$0x3FAD]  }
0x30: {  	s3 =	sld [smem:$0x3FB0]  }
0x31: {  	[smem:$0x3FB9] =	sst s10  }
0x32: {  	s10 =	sld [smem:$0x3FB7];
	_ =	sdelay $0x3  }
0x33: {  	p0 =	seq.s32 s10, $0x1;
	s10 =	sld [smem:$0x3FB9];
	_ =	sdelay $0x3  }
0x34: {  	[smem:$0x3FB9] =	sst s10  }
0x35: {  	s10 =	sld [smem:$0x3FB8];
	_ =	sdelay $0x3  }
0x36: {  	p1 =	seq.s32 s10, $0x1;
	s10 =	sld [smem:$0x3FB9];
	_ =	sdelay $0x3  }
0x37: {  	[smem:$0x3FB9] =	sst s10  }
0x38: {  	s10 =	sld [smem:$0x3FBA]  }
0x39: {  	_ = 	snop;
	(pc) =	sbr.ind lr, $3  }
0x3a: {  	_ = 	snop  }
0x3b: {  	_ = 	snop  }
0x3c: {  	p2 =	seq.s32 s10, $0x1;
	s10 =	sld [smem:$0x3FB9]  }
0x3d: {  	_ =	shalt  }
0x3e: {  	_ =	shalt  }
0x3f: {  	_ =	shalt  }
0x40: {  	_ =	shalt  }
0x41: {  	_ =	shalt  }
0x42: {  	_ =	shalt  }
0x43: {  	_ =	shalt  }
0x44: {  	_ =	shalt  }
0x45: {  	_ =	shalt  }
0x46: {  	_ =	shalt  }
0x47: {  	_ =	shalt  }
0x48: {  	_ =	shalt  }
0x49: {  	_ =	shalt  }
0x4a: {  	_ =	shalt  }
0x4b: {  	_ =	shalt  }
0x4c: {  	_ =	shalt  }
0x4d: {  	_ =	shalt  }
0x4e: {  	_ =	shalt  }
0x4f: {  	_ =	shalt  }
0x50: {  	_ =	shalt  }
0x51: {  	_ =	shalt  }
0x52: {  	_ =	shalt  }
0x53: {  	_ =	shalt  }
0x54: {  	_ =	shalt  }
0x55: {  	_ =	shalt  }
0x56: {  	_ =	shalt  }
0x57: {  	_ =	shalt  }
0x58: {  	_ =	shalt  }
0x59: {  	_ =	shalt  }
0x5a: {  	_ =	shalt  }
0x5b: {  	_ =	shalt  }
0x5c: {  	_ =	shalt  }
0x5d: {  	_ =	shalt  }
0x5e: {  	_ =	shalt  }
0x5f: {  	_ =	shalt  }
0x60: {  	_ =	shalt  }
0x61: {  	_ =	shalt  }
0x62: {  	_ =	shalt  }
0x63: {  	_ =	shalt  }
0x64: {  	_ =	shalt  }
0x65: {  	_ =	shalt  }
0x66: {  	_ =	shalt  }
0x67: {  	_ =	shalt  }
0x68: {  	_ =	shalt  }
0x69: {  	_ =	shalt  }
0x6a: {  	_ =	shalt  }
0x6b: {  	_ =	shalt  }
0x6c: {  	_ =	shalt  }
0x6d: {  	_ =	shalt  }
0x6e: {  	_ =	shalt  }
0x6f: {  	_ =	shalt  }
0x70: {  	_ =	shalt  }
0x71: {  	_ =	shalt  }
0x72: {  	_ =	shalt  }
0x73: {  	_ =	shalt  }
0x74: {  	_ =	shalt  }
0x75: {  	_ =	shalt  }
0x76: {  	_ =	shalt  }
0x77: {  	_ =	shalt  }
0x78: {  	_ =	shalt  }
0x79: {  	_ =	shalt  }
0x7a: {  	_ =	shalt  }
0x7b: {  	_ =	shalt  }
0x7c: {  	_ =	shalt  }
0x7d: {  	_ =	shalt  }
0x7e: {  	_ =	shalt  }
0x7f: {  	_ =	shalt  }
0x80: {  	_ =	shalt  }
0x81: {  	_ =	shalt  }
0x82: {  	_ =	shalt  }
0x83: {  	_ =	shalt  }
0x84: {  	_ =	shalt  }
0x85: {  	_ =	shalt  }
0x86: {  	_ =	shalt  }
0x87: {  	_ =	shalt  }
.Lfunc_end0:
.L_simem_size_0:
called_computation.3_lowered:
.L_overlay_start_0:
0x88: {  	s2 =	sld [smem:$0x3FD9]  }
0x89: {  	s3 =	sld [smem:$0x3FFE];
	_ =	sdelay $0x1  }
0x8a: {  	s1 =	srdreg.scid  }
0x8b: {  	s0 =	sand.u32 $0x1, s1  }
0x8c: {  	s17 =	sshll.u32 s0, $0xA;
	s2 =	sadd.s32 s3, s2  }
0x8d: {  	s2 =	sadd.s32 s2, s17  }
0x8e: {  	[smem:$0x3FC5] =	sst s2  }
0x8f: {  	_ = 	snop  }
0x90: {  	s18 =	sld [smem:$0x3FC9]  }
0x91: {  	s4 =	sld [smem:$0x3FC8];
	(tm) =	ssettm $0x1  }
0x92: {  	s19 =	sld [smem:$0x3FFB];
	_ =	sdelay $0x3  }
0x93: {  	_ =	strace s19  }
0x94: {  	s2 =	sld [smem:$0x3FFC];
	_ =	sdelay $0x3  }
0x95: {  	_ =	strace s2  }
0x96: {  	s2 =	sld [smem:$0x3FFD];
	_ =	sdelay $0x3  }
0x97: {  	_ =	strace s2  }
0x98: {  	_ =	strace $0x8FFFFFFF  }
0x99: {  	s20 =	sld [smem:$0x3FDB];
	_ =	sdelay $0x1  }
0x9a: {  	s5 =	simm.s32 $_scs_section_size  }
0x9b: {  	s6 =	simm.s32 $_size__tile_overlayer_lowered;
	s7 =	simm.s32 $_tile_overlayer_lowered  }
0x9c: {  	s8 =	simm.s32 $0x1BFF;
	s21 =	sshll.u32 s7, $0x1;
	s5 =	sadd.s32 s5, s20  }
0x9d: {  	s22 =	simm.s32 $0x0;
	s6 =	sshll.u32 s6, $0x1;
	s7 =	sadd.s32 s21, s5  }
0x9e: {  	[timem:s22], [sflag:s8] =	dma.local [hbm:s7], s6  }
0x9f: {  	_ =	swait.ge [sflag:s8], s6  }
0xa0: {  	s6 =	ssub.s32 $0x0, s6;
	[sflag:s8] =	ssyncset.done $0x0  }
0xa1: {  	[sflag:s8] =	ssyncadd.s32 s6;
	_ =	sdelay $0x1  }
0xa2: {  	s23 =	simm.s32 $0x1B8B  }
0xa3: {  	_ =	swait.ge [sflag:s23], $0x1  }
0xa4: {  	[sflag:s23] =	ssyncset.done $0x0  }
0xa5: {  	[sflag:s23] =	ssyncadd.s32 $0xFFFFFFFF  }
0xa6: {  	s6 =	sld [smem:$0x0]  }
0xa7: {  	s7 =	sand.u32 $0xFFFFFFFE, s1  }
0xa8: {  	p0 =	sne.s32 s1, s7  }
0xa9: {  	s7 =	sshll.u32 @p0 s7, $0xE  }
0xaa: {  	s7 =	sadd.s32 @p0 $0x11B8D, s7;
	s8 =	sshll.u32 @p0 s6, $0x11  }
0xab: {  	s7 =	sor.u32 @p0 s8, s7  }
0xac: {  	[sflag:s7] =	ssyncadd.remote.s32 @p0 $0x1;
	_ =	sdelay $0x1  }
0xad: {  	s7 =	simm.s32 @p0 $0x1B8D  }
0xae: {  	_ =	swait.eq @p0 [sflag:s7], $0x1  }
0xaf: {  	[sflag:s7] =	ssyncadd.s32 @p0 $0xFFFFFFFF  }
0xb0: {  	s8 =	sshll.u32 @!p0 s1, $0xE  }
0xb1: {  	s8 =	sor.u32 @!p0 $0x4000, s8;
	s7 =	simm.s32 @!p0 $0x1B8D  }
0xb2: {  	s6 =	sshll.u32 @!p0 s6, $0x11;
	s8 =	sadd.s32 @!p0 $0x11B8D, s8;
	_ =	swait.eq @!p0 [sflag:s7], $0x1  }
0xb3: {  	s6 =	sor.u32 @!p0 s6, s8;
	[sflag:s7] =	ssyncadd.s32 @!p0 $0xFFFFFFFF  }
0xb4: {  	s25 =	simm.s32 $0x1B8E;
	s24 =	sld [smem:$0x3FFE];
	[sflag:s6] =	ssyncadd.remote.s32 @!p0 $0x1  }
0xb5: {  	s26 =	simm.s32 $execute0_lowered;
	[smem:$0x3FD2] =	sst s25  }
0xb6: {  	s7 =	sshll.u32 s26, $0x1;
	_ =	strace $0x8000004F;
	[dreg:$0x1] =	wrdreg $0xFFFFFFFF  }
0xb7: {  	s28 =	simm.s32 $_size_execute0_lowered;
	s5 =	sadd.s32 s5, s7;
	[dreg:$0x0] =	wrdreg $0x0  }
0xb8: {  	s7 =	sshll.u32 s28, $0x1;
	[dreg:$0x2] =	wrdreg s5  }
0xb9: {  	[dreg:$0x3] =	wrdreg s7  }
0xba: {  	[dreg:$0x4] =	wrdreg $0xC0  }
0xbb: {  	_ =	task [dreg:s22], $0x5FFFF  }
0xbc: {  	[dreg:$0x1] =	wrdreg $0xFFFFFFFF  }
0xbd: {  	[dreg:$0x0] =	wrdreg $0x60  }
0xbe: {  	[dreg:$0x2] =	wrdreg s4  }
0xbf: {  	[dreg:$0x3] =	wrdreg s18  }
0xc0: {  	[dreg:$0x4] =	wrdreg s24  }
0xc1: {  	[dreg:$0x5] =	wrdreg $0xC  }
0xc2: {  	_ =	task.clear_ibuf [dreg:s22], $0x6FFFF;
	_ =	strace $0x9000004F  }
0xc3: {  	s29 =	simm.s32 $0xC;
	_ =	strace $0x80000051  }
0xc4: {  	_ =	swait.ge [sflag:s29], $0x1  }
0xc5: {  	[sflag:s29] =	ssyncadd.s32 $0xFFFFFFFF  }
0xc6: {  	_ =	strace $0x90000051  }
0xc7: {  	_ =	sfence  }
0xc8: {  	s30 =	sld [smem:$0x0];
	_ =	sdelay $0x2  }
0xc9: {  	s31 =	sshll.u32 s1, $0xD;
	s1 =	sshrl.u32 s1, $0x2  }
0xca: {  	s4 =	sand.u32 $0x4000, s31;
	s1 =	sadd.s32 s1, s30  }
0xcb: {  	s0 =	sor.u32 s4, s0;
	s1 =	sshll.u32 s1, $0x11  }
0xcc: {  	s0 =	sor.u32 s1, s0  }
0xcd: {  	s0 =	sadd.s32 $0x8F2B, s0  }
0xce: {  	[sflag:s0] =	ssyncadd.remote.s32 $0x1  }
0xcf: {  	_ =	sfence.sel $0xFFFF  }
0xd0: {  	[dreg:$0x0] =	wrdreg $0xFFFFFFFF;
	(pc) =	sbr.abs _section_cstart, $3  }
0xd1: {  	[dreg:$0x1] =	wrdreg $0xFFFFFFFF  }
0xd2: {  	_ =	task.clear_ibuf [dreg:s22], $0x2FFFF;
	_ =	strace $0x9FFFFFFF  }
0xd3: {  	(tm) =	ssettm $0x7FFFFFFF  }
tec
execute0_lowered:
.L_overlay_start_1:
0x0: {  	(tag) =	ssettag $0x1  }
0x1: {  	s1 =	rddreg [dreg:$0x0]  }
0x2: {  	s0 =	rddreg [dreg:$0x1]  }
0x3: {  	s2 =	rddreg [dreg:$0x2];
	s4 =	srdreg.scid;
	s3 =	simm.s32 $0x0  }
0x4: {  	s5 =	stileid.u32;
	s10 =	simm.s32 $0x880;
	s11 =	simm.s32 $0x1080  }
0x5: {  	s12 =	simm.s32 $0x1880;
	s13 =	simm.s32 $0x2080;
	s14 =	simm.s32 $0x2880  }
0x6: {  	s15 =	simm.s32 $0x3080;
	s16 =	simm.s32 $0x3880;
	s17 =	simm.s32 $0x4080  }
0x7: {  	s18 =	simm.s32 $0x4880;
	s19 =	simm.s32 $0x5080;
	s20 =	simm.s32 $0x5880  }
0x8: {  	s21 =	simm.s32 $0x6080;
	s22 =	simm.s32 $0x6880;
	s23 =	simm.s32 $0x7080  }
0x9: {  	s28 =	simm.s32 $0x9080;
	s29 =	simm.s32 $0x9880;
	s30 =	simm.s32 $0xA080  }
0xa: {  	s31 =	simm.s32 $0xA880;
	s4 =	sand.u32 $0x1, s4;
	[smem:$0x7FF] =	sst s3  }
0xb: {  	s5 =	sshll.u32 s5, $0x9;
	s2 =	sadd.s32 $0x122200, s2;
	s6 =	sshll.u32 s4, $0x8  }
0xc: {  	s0 =	sadd.s32 $0x20, s0;
	s4 =	ssub.s32 $0x2, s4;
	s5 =	sor.u32 s6, s5  }
0xd: {  	_ =	strace $0x80000050;
	s8 =	sshrl.u32 s4, $0x1;
	s6 =	sshrl.u32 s5, $0x1  }
0xe: {  	s7 =	sshrl.u32 s5, $0x3;
	s5 =	sor.u32 $0x80, s5;
	s25 =	ssub.s32 s4, s8  }
0xf: {  	s4 =	sadd.s32 $0x100, s1;
	s8 =	simm.s32 $0xB880;
	s6 =	sadd.s32 s6, s0  }
0x10: {  	s7 =	smul.u32 $0x300, s7;
	s24 =	sshrl.u32 s5, $0x3;
	s5 =	sshrl.u32 s5, $0x1  }
0x11: {  	[dreg:$0x4] =	wrdreg s6;
	s6 =	smul.u32 $0x300, s24;
	s0 =	sadd.s32 s5, s0  }
0x12: {  	s5 =	sadd.s32 $0x200, s1;
	s7 =	sadd.s32 s2, s7;
	[dreg:$0x6] =	wrdreg s0  }
0x13: {  	v2 =	vlaneseq.u32;
	s24 =	simm.s32 $0x7880;
	[dreg:$0x5] =	wrdreg s7;
	s26 =	sadd.s32 s2, s6  }
0x14: {  	vm0 =	vmmov $0xffff;
	v1 =	vshrl.u32 v2, $0x3;
	s6 =	smax.u32 s25, $0x1;
	s7 =	simm.s32 $0x2;
	s2 =	simm.s32 $0x1  }
0x15: {  	v0 =	vand.u32 $0x7, v2;
	v2 =	vor.u32 $0x8, v2;
	v1 =	vmul.u32 $0x8, v1;
	s25 =	simm.s32 $0x8080;
	[dreg:$0x7] =	wrdreg s26;
	s26 =	simm.s32 $0x8880  }
.LBB2_1:
0x16: {  	s9 =	rddreg [dreg:$0x4]  }
0x17: {  	[tilespmem:s3], [sflag:$0x2] =	stream.linear.gather [hbm4b:s9+s3], $0x80, $0x38;
	[tilespmem:$0x18080] =	vst v63  }
0x18: {  	_ =	swait.ge [sflag:s7], $0x80  }
0x19: {  	[sflag:s7] =	ssyncset.done $0x0  }
0x1a: {  	[sflag:s7] =	ssyncadd.s32 $0xFFFFFF80  }
0x1b: {  	v3 =	vld [tilespmem:$0x0];
	_ =	sdelay $0x4  }
0x1c: {  	v4 =	vshrl.u32 v3, $0x3  }
0x1d: {  	v4 =	vmul.u32 $0x30, v4  }
0x1e: {  	v3 =	vand.u32 $0x7, v3  }
0x1f: {  	v3 =	vor.u32 v3, v4  }
0x20: {  	v4 =	vperm.xlane v3, v0;
	_ =	sdelay $0x1  }
0x21: {  	v4 =	vadd.s32 v1, v4;
	_ =	sdelay $0x3  }
0x22: {  	s0 =	simm.s32 $0x80;
	v3 =	vperm.xlane v3, v2  }
0x23: {  	[tilespmem:s0], [sflag:$0x1] =	stream.indirect_vreg.gather [hbm4b:s1+s3], $0x80, v4, vm0, $0xb8;
	[tilespmem:$0x18080] =	vst v63  }
0x24: {  	v3 =	vadd.s32 v1, v3  }
0x25: {  	[tilespmem:s10], [sflag:$0x1] =	stream.indirect_vreg.gather [hbm4b:s4+s3], $0x80, v4, vm0, $0xb8;
	[tilespmem:$0x18080] =	vst v63  }
0x26: {  	_ = 	snop  }
0x27: {  	[tilespmem:s11], [sflag:$0x1] =	stream.indirect_vreg.gather [hbm4b:s5+s3], $0x80, v4, vm0, $0xb8;
	[tilespmem:$0x18080] =	vst v63  }
0x28: {  	_ = 	snop  }
0x29: {  	[tilespmem:s12], [sflag:$0x1] =	stream.indirect_vreg.gather [hbm4b:s1+s3], $0x80, v3, vm0, $0xb8;
	[tilespmem:$0x18080] =	vst v63  }
0x2a: {  	_ = 	snop  }
0x2b: {  	[tilespmem:s13], [sflag:$0x1] =	stream.indirect_vreg.gather [hbm4b:s4+s3], $0x80, v3, vm0, $0xb8;
	[tilespmem:$0x18080] =	vst v63  }
0x2c: {  	_ = 	snop  }
0x2d: {  	[tilespmem:s14], [sflag:$0x1] =	stream.indirect_vreg.gather [hbm4b:s5+s3], $0x80, v3, vm0, $0xb8;
	[tilespmem:$0x18080] =	vst v63  }
0x2e: {  	v3 =	vld [tilespmem:$0x10];
	_ =	sdelay $0x4  }
0x2f: {  	v49 =	vshrl.u32 v3, $0x3  }
0x30: {  	v4 =	vmul.u32 $0x30, v49  }
0x31: {  	v3 =	vand.u32 $0x7, v3  }
0x32: {  	v3 =	vor.u32 v3, v4  }
0x33: {  	v4 =	vperm.xlane v3, v0;
	_ =	sdelay $0x1  }
0x34: {  	v4 =	vadd.s32 v1, v4;
	_ =	sdelay $0x3  }
0x35: {  	v3 =	vperm.xlane v3, v2  }
0x36: {  	[tilespmem:s15], [sflag:$0x1] =	stream.indirect_vreg.gather [hbm4b:s1+s3], $0x80, v4, vm0, $0xb8;
	[tilespmem:$0x18080] =	vst v63  }
0x37: {  	v3 =	vadd.s32 v1, v3  }
0x38: {  	[tilespmem:s16], [sflag:$0x1] =	stream.indirect_vreg.gather [hbm4b:s4+s3], $0x80, v4, vm0, $0xb8;
	[tilespmem:$0x18080] =	vst v63  }
0x39: {  	_ = 	snop  }
0x3a: {  	[tilespmem:s17], [sflag:$0x1] =	stream.indirect_vreg.gather [hbm4b:s5+s3], $0x80, v4, vm0, $0xb8;
	[tilespmem:$0x18080] =	vst v63  }
0x3b: {  	_ = 	snop  }
0x3c: {  	[tilespmem:s18], [sflag:$0x1] =	stream.indirect_vreg.gather [hbm4b:s1+s3], $0x80, v3, vm0, $0xb8;
	[tilespmem:$0x18080] =	vst v63  }
0x3d: {  	_ = 	snop  }
0x3e: {  	[tilespmem:s19], [sflag:$0x1] =	stream.indirect_vreg.gather [hbm4b:s4+s3], $0x80, v3, vm0, $0xb8;
	[tilespmem:$0x18080] =	vst v63  }
0x3f: {  	_ = 	snop  }
0x40: {  	[tilespmem:s20], [sflag:$0x1] =	stream.indirect_vreg.gather [hbm4b:s5+s3], $0x80, v3, vm0, $0xb8;
	[tilespmem:$0x18080] =	vst v63  }
0x41: {  	v3 =	vld [tilespmem:$0x20];
	_ =	sdelay $0x4  }
0x42: {  	v50 =	vshrl.u32 v3, $0x3  }
0x43: {  	v4 =	vmul.u32 $0x30, v50  }
0x44: {  	v3 =	vand.u32 $0x7, v3  }
0x45: {  	v3 =	vor.u32 v3, v4  }
0x46: {  	v4 =	vperm.xlane v3, v0;
	_ =	sdelay $0x1  }
0x47: {  	v4 =	vadd.s32 v1, v4;
	_ =	sdelay $0x3  }
0x48: {  	v3 =	vperm.xlane v3, v2  }
0x49: {  	[tilespmem:s21], [sflag:$0x1] =	stream.indirect_vreg.gather [hbm4b:s1+s3], $0x80, v4, vm0, $0xb8;
	[tilespmem:$0x18080] =	vst v63  }
0x4a: {  	v3 =	vadd.s32 v1, v3  }
0x4b: {  	[tilespmem:s22], [sflag:$0x1] =	stream.indirect_vreg.gather [hbm4b:s4+s3], $0x80, v4, vm0, $0xb8;
	[tilespmem:$0x18080] =	vst v63  }
0x4c: {  	_ = 	snop  }
0x4d: {  	[tilespmem:s23], [sflag:$0x1] =	stream.indirect_vreg.gather [hbm4b:s5+s3], $0x80, v4, vm0, $0xb8;
	[tilespmem:$0x18080] =	vst v63  }
0x4e: {  	_ = 	snop  }
0x4f: {  	[tilespmem:s24], [sflag:$0x1] =	stream.indirect_vreg.gather [hbm4b:s1+s3], $0x80, v3, vm0, $0xb8;
	[tilespmem:$0x18080] =	vst v63  }
0x50: {  	_ = 	snop  }
0x51: {  	[tilespmem:s25], [sflag:$0x1] =	stream.indirect_vreg.gather [hbm4b:s4+s3], $0x80, v3, vm0, $0xb8;
	[tilespmem:$0x18080] =	vst v63  }
0x52: {  	_ = 	snop  }
0x53: {  	[tilespmem:s26], [sflag:$0x1] =	stream.indirect_vreg.gather [hbm4b:s5+s3], $0x80, v3, vm0, $0xb8;
	[tilespmem:$0x18080] =	vst v63  }
0x54: {  	v3 =	vld [tilespmem:$0x30];
	_ =	sdelay $0x4  }
0x55: {  	v51 =	vshrl.u32 v3, $0x3  }
0x56: {  	v4 =	vmul.u32 $0x30, v51  }
0x57: {  	v3 =	vand.u32 $0x7, v3  }
0x58: {  	v3 =	vor.u32 v3, v4  }
0x59: {  	v4 =	vperm.xlane v3, v0;
	_ =	sdelay $0x1  }
0x5a: {  	v4 =	vadd.s32 v1, v4;
	_ =	sdelay $0x3  }
0x5b: {  	v3 =	vperm.xlane v3, v2  }
0x5c: {  	[tilespmem:s28], [sflag:$0x1] =	stream.indirect_vreg.gather [hbm4b:s1+s3], $0x80, v4, vm0, $0xb8;
	[tilespmem:$0x18080] =	vst v63  }
0x5d: {  	v3 =	vadd.s32 v1, v3  }
0x5e: {  	[tilespmem:s29], [sflag:$0x1] =	stream.indirect_vreg.gather [hbm4b:s4+s3], $0x80, v4, vm0, $0xb8;
	[tilespmem:$0x18080] =	vst v63  }
0x5f: {  	_ = 	snop  }
0x60: {  	[tilespmem:s30], [sflag:$0x1] =	stream.indirect_vreg.gather [hbm4b:s5+s3], $0x80, v4, vm0, $0xb8;
	[tilespmem:$0x18080] =	vst v63  }
0x61: {  	_ = 	snop  }
0x62: {  	[tilespmem:s31], [sflag:$0x1] =	stream.indirect_vreg.gather [hbm4b:s1+s3], $0x80, v3, vm0, $0xb8;
	[tilespmem:$0x18080] =	vst v63  }
0x63: {  	s9 =	simm.s32 $0xB080  }
0x64: {  	[tilespmem:s9], [sflag:$0x1] =	stream.indirect_vreg.gather [hbm4b:s4+s3], $0x80, v3, vm0, $0xb8;
	[tilespmem:$0x18080] =	vst v63  }
0x65: {  	_ = 	snop  }
0x66: {  	[tilespmem:s8], [sflag:$0x1] =	stream.indirect_vreg.gather [hbm4b:s5+s3], $0x80, v3, vm0, $0xb8;
	[tilespmem:$0x18080] =	vst v63  }
0x67: {  	v3 =	vld [tilespmem:$0x40];
	_ =	sdelay $0x4  }
0x68: {  	v52 =	vshrl.u32 v3, $0x3  }
0x69: {  	v4 =	vmul.u32 $0x30, v52  }
0x6a: {  	v3 =	vand.u32 $0x7, v3  }
0x6b: {  	v3 =	vor.u32 v3, v4  }
0x6c: {  	v4 =	vperm.xlane v3, v0;
	_ =	sdelay $0x1  }
0x6d: {  	v4 =	vadd.s32 v1, v4;
	_ =	sdelay $0x3  }
0x6e: {  	s9 =	simm.s32 $0xC080;
	v3 =	vperm.xlane v3, v2  }
0x6f: {  	[tilespmem:s9], [sflag:$0x1] =	stream.indirect_vreg.gather [hbm4b:s1+s3], $0x80, v4, vm0, $0xb8;
	[tilespmem:$0x18080] =	vst v63  }
0x70: {  	v3 =	vadd.s32 v1, v3;
	s9 =	simm.s32 $0xC880  }
0x71: {  	[tilespmem:s9], [sflag:$0x1] =	stream.indirect_vreg.gather [hbm4b:s4+s3], $0x80, v4, vm0, $0xb8;
	[tilespmem:$0x18080] =	vst v63  }
0x72: {  	s9 =	simm.s32 $0xD080  }
0x73: {  	[tilespmem:s9], [sflag:$0x1] =	stream.indirect_vreg.gather [hbm4b:s5+s3], $0x80, v4, vm0, $0xb8;
	[tilespmem:$0x18080] =	vst v63  }
0x74: {  	s9 =	simm.s32 $0xD880  }
0x75: {  	[tilespmem:s9], [sflag:$0x1] =	stream.indirect_vreg.gather [hbm4b:s1+s3], $0x80, v3, vm0, $0xb8;
	[tilespmem:$0x18080] =	vst v63  }
0x76: {  	s9 =	simm.s32 $0xE080  }
0x77: {  	[tilespmem:s9], [sflag:$0x1] =	stream.indirect_vreg.gather [hbm4b:s4+s3], $0x80, v3, vm0, $0xb8;
	[tilespmem:$0x18080] =	vst v63  }
0x78: {  	s9 =	simm.s32 $0xE880  }
0x79: {  	[tilespmem:s9], [sflag:$0x1] =	stream.indirect_vreg.gather [hbm4b:s5+s3], $0x80, v3, vm0, $0xb8;
	[tilespmem:$0x18080] =	vst v63  }
0x7a: {  	v3 =	vld [tilespmem:$0x50];
	_ =	sdelay $0x4  }
0x7b: {  	v53 =	vshrl.u32 v3, $0x3  }
0x7c: {  	v4 =	vmul.u32 $0x30, v53  }
0x7d: {  	v3 =	vand.u32 $0x7, v3  }
0x7e: {  	v3 =	vor.u32 v3, v4  }
0x7f: {  	v4 =	vperm.xlane v3, v0;
	_ =	sdelay $0x1  }
0x80: {  	v4 =	vadd.s32 v1, v4;
	_ =	sdelay $0x3  }
0x81: {  	s9 =	simm.s32 $0xF080;
	v3 =	vperm.xlane v3, v2  }
0x82: {  	[tilespmem:s9], [sflag:$0x1] =	stream.indirect_vreg.gather [hbm4b:s1+s3], $0x80, v4, vm0, $0xb8;
	[tilespmem:$0x18080] =	vst v63  }
0x83: {  	v3 =	vadd.s32 v1, v3;
	s9 =	simm.s32 $0xF880  }
0x84: {  	[tilespmem:s9], [sflag:$0x1] =	stream.indirect_vreg.gather [hbm4b:s4+s3], $0x80, v4, vm0, $0xb8;
	[tilespmem:$0x18080] =	vst v63  }
0x85: {  	s9 =	simm.s32 $0x10080  }
0x86: {  	[tilespmem:s9], [sflag:$0x1] =	stream.indirect_vreg.gather [hbm4b:s5+s3], $0x80, v4, vm0, $0xb8;
	[tilespmem:$0x18080] =	vst v63  }
0x87: {  	s9 =	simm.s32 $0x10880  }
0x88: {  	[tilespmem:s9], [sflag:$0x1] =	stream.indirect_vreg.gather [hbm4b:s1+s3], $0x80, v3, vm0, $0xb8;
	[tilespmem:$0x18080] =	vst v63  }
0x89: {  	s9 =	simm.s32 $0x11080  }
0x8a: {  	[tilespmem:s9], [sflag:$0x1] =	stream.indirect_vreg.gather [hbm4b:s4+s3], $0x80, v3, vm0, $0xb8;
	[tilespmem:$0x18080] =	vst v63  }
0x8b: {  	s9 =	simm.s32 $0x11880  }
0x8c: {  	[tilespmem:s9], [sflag:$0x1] =	stream.indirect_vreg.gather [hbm4b:s5+s3], $0x80, v3, vm0, $0xb8;
	[tilespmem:$0x18080] =	vst v63  }
0x8d: {  	v3 =	vld [tilespmem:$0x60];
	_ =	sdelay $0x4  }
0x8e: {  	v54 =	vshrl.u32 v3, $0x3  }
0x8f: {  	v4 =	vmul.u32 $0x30, v54  }
0x90: {  	v3 =	vand.u32 $0x7, v3  }
0x91: {  	v3 =	vor.u32 v3, v4  }
0x92: {  	v4 =	vperm.xlane v3, v0;
	_ =	sdelay $0x1  }
0x93: {  	v4 =	vadd.s32 v1, v4;
	_ =	sdelay $0x3  }
0x94: {  	s9 =	simm.s32 $0x12080;
	v3 =	vperm.xlane v3, v2  }
0x95: {  	[tilespmem:s9], [sflag:$0x1] =	stream.indirect_vreg.gather [hbm4b:s1+s3], $0x80, v4, vm0, $0xb8;
	[tilespmem:$0x18080] =	vst v63  }
0x96: {  	v3 =	vadd.s32 v1, v3;
	s9 =	simm.s32 $0x12880  }
0x97: {  	[tilespmem:s9], [sflag:$0x1] =	stream.indirect_vreg.gather [hbm4b:s4+s3], $0x80, v4, vm0, $0xb8;
	[tilespmem:$0x18080] =	vst v63  }
0x98: {  	s9 =	simm.s32 $0x13080  }
0x99: {  	[tilespmem:s9], [sflag:$0x1] =	stream.indirect_vreg.gather [hbm4b:s5+s3], $0x80, v4, vm0, $0xb8;
	[tilespmem:$0x18080] =	vst v63  }
0x9a: {  	s9 =	simm.s32 $0x13880  }
0x9b: {  	[tilespmem:s9], [sflag:$0x1] =	stream.indirect_vreg.gather [hbm4b:s1+s3], $0x80, v3, vm0, $0xb8;
	[tilespmem:$0x18080] =	vst v63  }
0x9c: {  	s9 =	simm.s32 $0x14080  }
0x9d: {  	[tilespmem:s9], [sflag:$0x1] =	stream.indirect_vreg.gather [hbm4b:s4+s3], $0x80, v3, vm0, $0xb8;
	[tilespmem:$0x18080] =	vst v63  }
0x9e: {  	s9 =	simm.s32 $0x14880  }
0x9f: {  	[tilespmem:s9], [sflag:$0x1] =	stream.indirect_vreg.gather [hbm4b:s5+s3], $0x80, v3, vm0, $0xb8;
	[tilespmem:$0x18080] =	vst v63  }
0xa0: {  	v3 =	vld [tilespmem:$0x70];
	_ =	sdelay $0x4  }
0xa1: {  	v55 =	vshrl.u32 v3, $0x3  }
0xa2: {  	v4 =	vmul.u32 $0x30, v55  }
0xa3: {  	v3 =	vand.u32 $0x7, v3  }
0xa4: {  	v3 =	vor.u32 v3, v4  }
0xa5: {  	v4 =	vperm.xlane v3, v0;
	_ =	sdelay $0x1  }
0xa6: {  	v4 =	vadd.s32 v1, v4;
	_ =	sdelay $0x3  }
0xa7: {  	s9 =	simm.s32 $0x15080;
	v3 =	vperm.xlane v3, v2  }
0xa8: {  	[tilespmem:s9], [sflag:$0x1] =	stream.indirect_vreg.gather [hbm4b:s1+s3], $0x80, v4, vm0, $0xb8;
	[tilespmem:$0x18080] =	vst v63  }
0xa9: {  	v3 =	vadd.s32 v1, v3;
	s9 =	simm.s32 $0x15880  }
0xaa: {  	[tilespmem:s9], [sflag:$0x1] =	stream.indirect_vreg.gather [hbm4b:s4+s3], $0x80, v4, vm0, $0xb8;
	[tilespmem:$0x18080] =	vst v63  }
0xab: {  	s9 =	simm.s32 $0x16080  }
0xac: {  	[tilespmem:s9], [sflag:$0x1] =	stream.indirect_vreg.gather [hbm4b:s5+s3], $0x80, v4, vm0, $0xb8;
	[tilespmem:$0x18080] =	vst v63  }
0xad: {  	s9 =	simm.s32 $0x16880  }
0xae: {  	[tilespmem:s9], [sflag:$0x1] =	stream.indirect_vreg.gather [hbm4b:s1+s3], $0x80, v3, vm0, $0xb8;
	[tilespmem:$0x18080] =	vst v63  }
0xaf: {  	s9 =	simm.s32 $0x17080  }
0xb0: {  	[tilespmem:s9], [sflag:$0x1] =	stream.indirect_vreg.gather [hbm4b:s4+s3], $0x80, v3, vm0, $0xb8;
	[tilespmem:$0x18080] =	vst v63  }
0xb1: {  	s9 =	simm.s32 $0x17880  }
0xb2: {  	[tilespmem:s9], [sflag:$0x1] =	stream.indirect_vreg.gather [hbm4b:s5+s3], $0x80, v3, vm0, $0xb8;
	[tilespmem:$0x18080] =	vst v63  }
0xb3: {  	_ =	swait.ge [sflag:s2], $0x18000  }
0xb4: {  	[sflag:s2] =	ssyncset.done $0x0  }
0xb5: {  	s0 =	simm.s32 $0x80;
	s9 =	rddreg [dreg:$0x5];
	[sflag:s2] =	ssyncadd.s32 $0xFFFE8000  }
0xb6: {  	[hbm4b:s9+s3] =	stream.linear.scatter [tilespmem:s0], [sflag:$0x2], $0x18000, $0x38;
	[tilespmem:$0x18080] =	vst v63  }
0xb7: {  	_ =	swait.ge [sflag:s7], $0x18000  }
0xb8: {  	[sflag:s7] =	ssyncset.done $0x0  }
0xb9: {  	s9 =	rddreg [dreg:$0x6];
	[sflag:s7] =	ssyncadd.s32 $0xFFFE8000  }
0xba: {  	[tilespmem:s3], [sflag:$0x2] =	stream.linear.gather [hbm4b:s9+s3], $0x80, $0x38;
	[tilespmem:$0x18080] =	vst v63  }
0xbb: {  	_ =	swait.ge [sflag:s7], $0x80  }
0xbc: {  	[sflag:s7] =	ssyncset.done $0x0  }
0xbd: {  	[sflag:s7] =	ssyncadd.s32 $0xFFFFFF80  }
0xbe: {  	v3 =	vld [tilespmem:$0x0];
	_ =	sdelay $0x4  }
0xbf: {  	v56 =	vshrl.u32 v3, $0x3  }
0xc0: {  	v4 =	vmul.u32 $0x30, v56  }
0xc1: {  	v3 =	vand.u32 $0x7, v3  }
0xc2: {  	v3 =	vor.u32 v3, v4  }
0xc3: {  	v4 =	vperm.xlane v3, v0;
	_ =	sdelay $0x1  }
0xc4: {  	v4 =	vadd.s32 v1, v4;
	_ =	sdelay $0x3  }
0xc5: {  	v3 =	vperm.xlane v3, v2  }
0xc6: {  	[tilespmem:s0], [sflag:$0x1] =	stream.indirect_vreg.gather [hbm4b:s1+s3], $0x80, v4, vm0, $0xb8;
	[tilespmem:$0x18080] =	vst v63  }
0xc7: {  	v3 =	vadd.s32 v1, v3  }
0xc8: {  	[tilespmem:s10], [sflag:$0x1] =	stream.indirect_vreg.gather [hbm4b:s4+s3], $0x80, v4, vm0, $0xb8;
	[tilespmem:$0x18080] =	vst v63  }
0xc9: {  	_ = 	snop  }
0xca: {  	[tilespmem:s11], [sflag:$0x1] =	stream.indirect_vreg.gather [hbm4b:s5+s3], $0x80, v4, vm0, $0xb8;
	[tilespmem:$0x18080] =	vst v63  }
0xcb: {  	_ = 	snop  }
0xcc: {  	[tilespmem:s12], [sflag:$0x1] =	stream.indirect_vreg.gather [hbm4b:s1+s3], $0x80, v3, vm0, $0xb8;
	[tilespmem:$0x18080] =	vst v63  }
0xcd: {  	_ = 	snop  }
0xce: {  	[tilespmem:s13], [sflag:$0x1] =	stream.indirect_vreg.gather [hbm4b:s4+s3], $0x80, v3, vm0, $0xb8;
	[tilespmem:$0x18080] =	vst v63  }
0xcf: {  	_ = 	snop  }
0xd0: {  	[tilespmem:s14], [sflag:$0x1] =	stream.indirect_vreg.gather [hbm4b:s5+s3], $0x80, v3, vm0, $0xb8;
	[tilespmem:$0x18080] =	vst v63  }
0xd1: {  	v3 =	vld [tilespmem:$0x10];
	_ =	sdelay $0x4  }
0xd2: {  	v57 =	vshrl.u32 v3, $0x3  }
0xd3: {  	v4 =	vmul.u32 $0x30, v57  }
0xd4: {  	v3 =	vand.u32 $0x7, v3  }
0xd5: {  	v3 =	vor.u32 v3, v4  }
0xd6: {  	v4 =	vperm.xlane v3, v0;
	_ =	sdelay $0x1  }
0xd7: {  	v4 =	vadd.s32 v1, v4;
	_ =	sdelay $0x3  }
0xd8: {  	v3 =	vperm.xlane v3, v2  }
0xd9: {  	[tilespmem:s15], [sflag:$0x1] =	stream.indirect_vreg.gather [hbm4b:s1+s3], $0x80, v4, vm0, $0xb8;
	[tilespmem:$0x18080] =	vst v63  }
0xda: {  	v3 =	vadd.s32 v1, v3  }
0xdb: {  	[tilespmem:s16], [sflag:$0x1] =	stream.indirect_vreg.gather [hbm4b:s4+s3], $0x80, v4, vm0, $0xb8;
	[tilespmem:$0x18080] =	vst v63  }
0xdc: {  	_ = 	snop  }
0xdd: {  	[tilespmem:s17], [sflag:$0x1] =	stream.indirect_vreg.gather [hbm4b:s5+s3], $0x80, v4, vm0, $0xb8;
	[tilespmem:$0x18080] =	vst v63  }
0xde: {  	_ = 	snop  }
0xdf: {  	[tilespmem:s18], [sflag:$0x1] =	stream.indirect_vreg.gather [hbm4b:s1+s3], $0x80, v3, vm0, $0xb8;
	[tilespmem:$0x18080] =	vst v63  }
0xe0: {  	_ = 	snop  }
0xe1: {  	[tilespmem:s19], [sflag:$0x1] =	stream.indirect_vreg.gather [hbm4b:s4+s3], $0x80, v3, vm0, $0xb8;
	[tilespmem:$0x18080] =	vst v63  }
0xe2: {  	_ = 	snop  }
0xe3: {  	[tilespmem:s20], [sflag:$0x1] =	stream.indirect_vreg.gather [hbm4b:s5+s3], $0x80, v3, vm0, $0xb8;
	[tilespmem:$0x18080] =	vst v63  }
0xe4: {  	v3 =	vld [tilespmem:$0x20];
	_ =	sdelay $0x4  }
0xe5: {  	v58 =	vshrl.u32 v3, $0x3  }
0xe6: {  	v4 =	vmul.u32 $0x30, v58  }
0xe7: {  	v3 =	vand.u32 $0x7, v3  }
0xe8: {  	v3 =	vor.u32 v3, v4  }
0xe9: {  	v4 =	vperm.xlane v3, v0;
	_ =	sdelay $0x1  }
0xea: {  	v4 =	vadd.s32 v1, v4;
	_ =	sdelay $0x3  }
0xeb: {  	v3 =	vperm.xlane v3, v2  }
0xec: {  	[tilespmem:s21], [sflag:$0x1] =	stream.indirect_vreg.gather [hbm4b:s1+s3], $0x80, v4, vm0, $0xb8;
	[tilespmem:$0x18080] =	vst v63  }
0xed: {  	v3 =	vadd.s32 v1, v3  }
0xee: {  	[tilespmem:s22], [sflag:$0x1] =	stream.indirect_vreg.gather [hbm4b:s4+s3], $0x80, v4, vm0, $0xb8;
	[tilespmem:$0x18080] =	vst v63  }
0xef: {  	_ = 	snop  }
0xf0: {  	[tilespmem:s23], [sflag:$0x1] =	stream.indirect_vreg.gather [hbm4b:s5+s3], $0x80, v4, vm0, $0xb8;
	[tilespmem:$0x18080] =	vst v63  }
0xf1: {  	_ = 	snop  }
0xf2: {  	[tilespmem:s24], [sflag:$0x1] =	stream.indirect_vreg.gather [hbm4b:s1+s3], $0x80, v3, vm0, $0xb8;
	[tilespmem:$0x18080] =	vst v63  }
0xf3: {  	_ = 	snop  }
0xf4: {  	[tilespmem:s25], [sflag:$0x1] =	stream.indirect_vreg.gather [hbm4b:s4+s3], $0x80, v3, vm0, $0xb8;
	[tilespmem:$0x18080] =	vst v63  }
0xf5: {  	_ = 	snop  }
0xf6: {  	[tilespmem:s26], [sflag:$0x1] =	stream.indirect_vreg.gather [hbm4b:s5+s3], $0x80, v3, vm0, $0xb8;
	[tilespmem:$0x18080] =	vst v63  }
0xf7: {  	v3 =	vld [tilespmem:$0x30];
	_ =	sdelay $0x4  }
0xf8: {  	v59 =	vshrl.u32 v3, $0x3  }
0xf9: {  	v4 =	vmul.u32 $0x30, v59  }
0xfa: {  	v3 =	vand.u32 $0x7, v3  }
0xfb: {  	v3 =	vor.u32 v3, v4  }
0xfc: {  	v4 =	vperm.xlane v3, v0;
	_ =	sdelay $0x1  }
0xfd: {  	v4 =	vadd.s32 v1, v4;
	_ =	sdelay $0x3  }
0xfe: {  	v3 =	vperm.xlane v3, v2  }
0xff: {  	[tilespmem:s28], [sflag:$0x1] =	stream.indirect_vreg.gather [hbm4b:s1+s3], $0x80, v4, vm0, $0xb8;
	[tilespmem:$0x18080] =	vst v63  }
0x100: {  	v3 =	vadd.s32 v1, v3  }
0x101: {  	[tilespmem:s29], [sflag:$0x1] =	stream.indirect_vreg.gather [hbm4b:s4+s3], $0x80, v4, vm0, $0xb8;
	[tilespmem:$0x18080] =	vst v63  }
0x102: {  	_ = 	snop  }
0x103: {  	[tilespmem:s30], [sflag:$0x1] =	stream.indirect_vreg.gather [hbm4b:s5+s3], $0x80, v4, vm0, $0xb8;
	[tilespmem:$0x18080] =	vst v63  }
0x104: {  	_ = 	snop  }
0x105: {  	[tilespmem:s31], [sflag:$0x1] =	stream.indirect_vreg.gather [hbm4b:s1+s3], $0x80, v3, vm0, $0xb8;
	[tilespmem:$0x18080] =	vst v63  }
0x106: {  	s9 =	simm.s32 $0xB080  }
0x107: {  	[tilespmem:s9], [sflag:$0x1] =	stream.indirect_vreg.gather [hbm4b:s4+s3], $0x80, v3, vm0, $0xb8;
	[tilespmem:$0x18080] =	vst v63  }
0x108: {  	_ = 	snop  }
0x109: {  	[tilespmem:s8], [sflag:$0x1] =	stream.indirect_vreg.gather [hbm4b:s5+s3], $0x80, v3, vm0, $0xb8;
	[tilespmem:$0x18080] =	vst v63  }
0x10a: {  	v3 =	vld [tilespmem:$0x40];
	_ =	sdelay $0x4  }
0x10b: {  	v60 =	vshrl.u32 v3, $0x3  }
0x10c: {  	v4 =	vmul.u32 $0x30, v60  }
0x10d: {  	v3 =	vand.u32 $0x7, v3  }
0x10e: {  	v3 =	vor.u32 v3, v4  }
0x10f: {  	v4 =	vperm.xlane v3, v0;
	_ =	sdelay $0x1  }
0x110: {  	v4 =	vadd.s32 v1, v4;
	_ =	sdelay $0x3  }
0x111: {  	s9 =	simm.s32 $0xC080;
	v3 =	vperm.xlane v3, v2  }
0x112: {  	[tilespmem:s9], [sflag:$0x1] =	stream.indirect_vreg.gather [hbm4b:s1+s3], $0x80, v4, vm0, $0xb8;
	[tilespmem:$0x18080] =	vst v63  }
0x113: {  	v3 =	vadd.s32 v1, v3;
	s9 =	simm.s32 $0xC880  }
0x114: {  	[tilespmem:s9], [sflag:$0x1] =	stream.indirect_vreg.gather [hbm4b:s4+s3], $0x80, v4, vm0, $0xb8;
	[tilespmem:$0x18080] =	vst v63  }
0x115: {  	s9 =	simm.s32 $0xD080  }
0x116: {  	[tilespmem:s9], [sflag:$0x1] =	stream.indirect_vreg.gather [hbm4b:s5+s3], $0x80, v4, vm0, $0xb8;
	[tilespmem:$0x18080] =	vst v63  }
0x117: {  	s9 =	simm.s32 $0xD880  }
0x118: {  	[tilespmem:s9], [sflag:$0x1] =	stream.indirect_vreg.gather [hbm4b:s1+s3], $0x80, v3, vm0, $0xb8;
	[tilespmem:$0x18080] =	vst v63  }
0x119: {  	s9 =	simm.s32 $0xE080  }
0x11a: {  	[tilespmem:s9], [sflag:$0x1] =	stream.indirect_vreg.gather [hbm4b:s4+s3], $0x80, v3, vm0, $0xb8;
	[tilespmem:$0x18080] =	vst v63  }
0x11b: {  	s9 =	simm.s32 $0xE880  }
0x11c: {  	[tilespmem:s9], [sflag:$0x1] =	stream.indirect_vreg.gather [hbm4b:s5+s3], $0x80, v3, vm0, $0xb8;
	[tilespmem:$0x18080] =	vst v63  }
0x11d: {  	v3 =	vld [tilespmem:$0x50];
	_ =	sdelay $0x4  }
0x11e: {  	v61 =	vshrl.u32 v3, $0x3  }
0x11f: {  	v4 =	vmul.u32 $0x30, v61  }
0x120: {  	v3 =	vand.u32 $0x7, v3  }
0x121: {  	v3 =	vor.u32 v3, v4  }
0x122: {  	v4 =	vperm.xlane v3, v0;
	_ =	sdelay $0x1  }
0x123: {  	v4 =	vadd.s32 v1, v4;
	_ =	sdelay $0x3  }
0x124: {  	s9 =	simm.s32 $0xF080;
	v3 =	vperm.xlane v3, v2  }
0x125: {  	[tilespmem:s9], [sflag:$0x1] =	stream.indirect_vreg.gather [hbm4b:s1+s3], $0x80, v4, vm0, $0xb8;
	[tilespmem:$0x18080] =	vst v63  }
0x126: {  	v3 =	vadd.s32 v1, v3;
	s9 =	simm.s32 $0xF880  }
0x127: {  	[tilespmem:s9], [sflag:$0x1] =	stream.indirect_vreg.gather [hbm4b:s4+s3], $0x80, v4, vm0, $0xb8;
	[tilespmem:$0x18080] =	vst v63  }
0x128: {  	s9 =	simm.s32 $0x10080  }
0x129: {  	[tilespmem:s9], [sflag:$0x1] =	stream.indirect_vreg.gather [hbm4b:s5+s3], $0x80, v4, vm0, $0xb8;
	[tilespmem:$0x18080] =	vst v63  }
0x12a: {  	s9 =	simm.s32 $0x10880  }
0x12b: {  	[tilespmem:s9], [sflag:$0x1] =	stream.indirect_vreg.gather [hbm4b:s1+s3], $0x80, v3, vm0, $0xb8;
	[tilespmem:$0x18080] =	vst v63  }
0x12c: {  	s9 =	simm.s32 $0x11080  }
0x12d: {  	[tilespmem:s9], [sflag:$0x1] =	stream.indirect_vreg.gather [hbm4b:s4+s3], $0x80, v3, vm0, $0xb8;
	[tilespmem:$0x18080] =	vst v63  }
0x12e: {  	s9 =	simm.s32 $0x11880  }
0x12f: {  	[tilespmem:s9], [sflag:$0x1] =	stream.indirect_vreg.gather [hbm4b:s5+s3], $0x80, v3, vm0, $0xb8;
	[tilespmem:$0x18080] =	vst v63  }
0x130: {  	v3 =	vld [tilespmem:$0x60];
	_ =	sdelay $0x4  }
0x131: {  	v62 =	vshrl.u32 v3, $0x3  }
0x132: {  	v4 =	vmul.u32 $0x30, v62  }
0x133: {  	v3 =	vand.u32 $0x7, v3  }
0x134: {  	v3 =	vor.u32 v3, v4  }
0x135: {  	v4 =	vperm.xlane v3, v0;
	_ =	sdelay $0x1  }
0x136: {  	v4 =	vadd.s32 v1, v4;
	_ =	sdelay $0x3  }
0x137: {  	s9 =	simm.s32 $0x12080;
	v3 =	vperm.xlane v3, v2  }
0x138: {  	[tilespmem:s9], [sflag:$0x1] =	stream.indirect_vreg.gather [hbm4b:s1+s3], $0x80, v4, vm0, $0xb8;
	[tilespmem:$0x18080] =	vst v63  }
0x139: {  	v3 =	vadd.s32 v1, v3;
	s9 =	simm.s32 $0x12880  }
0x13a: {  	[tilespmem:s9], [sflag:$0x1] =	stream.indirect_vreg.gather [hbm4b:s4+s3], $0x80, v4, vm0, $0xb8;
	[tilespmem:$0x18080] =	vst v63  }
0x13b: {  	s9 =	simm.s32 $0x13080  }
0x13c: {  	[tilespmem:s9], [sflag:$0x1] =	stream.indirect_vreg.gather [hbm4b:s5+s3], $0x80, v4, vm0, $0xb8;
	[tilespmem:$0x18080] =	vst v63  }
0x13d: {  	s9 =	simm.s32 $0x13880  }
0x13e: {  	[tilespmem:s9], [sflag:$0x1] =	stream.indirect_vreg.gather [hbm4b:s1+s3], $0x80, v3, vm0, $0xb8;
	[tilespmem:$0x18080] =	vst v63  }
0x13f: {  	s9 =	simm.s32 $0x14080  }
0x140: {  	[tilespmem:s9], [sflag:$0x1] =	stream.indirect_vreg.gather [hbm4b:s4+s3], $0x80, v3, vm0, $0xb8;
	[tilespmem:$0x18080] =	vst v63  }
0x141: {  	s9 =	simm.s32 $0x14880  }
0x142: {  	[tilespmem:s9], [sflag:$0x1] =	stream.indirect_vreg.gather [hbm4b:s5+s3], $0x80, v3, vm0, $0xb8;
	[tilespmem:$0x18080] =	vst v63  }
0x143: {  	v3 =	vld [tilespmem:$0x70];
	_ =	sdelay $0x4  }
0x144: {  	v63 =	vshrl.u32 v3, $0x3  }
0x145: {  	v4 =	vmul.u32 $0x30, v63  }
0x146: {  	v3 =	vand.u32 $0x7, v3  }
0x147: {  	v3 =	vor.u32 v3, v4  }
0x148: {  	v4 =	vperm.xlane v3, v0;
	_ =	sdelay $0x1  }
0x149: {  	v4 =	vadd.s32 v1, v4;
	_ =	sdelay $0x3  }
0x14a: {  	s9 =	simm.s32 $0x15080;
	v3 =	vperm.xlane v3, v2  }
0x14b: {  	[tilespmem:s9], [sflag:$0x1] =	stream.indirect_vreg.gather [hbm4b:s1+s3], $0x80, v4, vm0, $0xb8;
	[tilespmem:$0x18080] =	vst v63  }
0x14c: {  	v3 =	vadd.s32 v1, v3;
	s9 =	simm.s32 $0x15880  }
0x14d: {  	[tilespmem:s9], [sflag:$0x1] =	stream.indirect_vreg.gather [hbm4b:s4+s3], $0x80, v4, vm0, $0xb8;
	[tilespmem:$0x18080] =	vst v63  }
0x14e: {  	s9 =	simm.s32 $0x16080  }
0x14f: {  	[tilespmem:s9], [sflag:$0x1] =	stream.indirect_vreg.gather [hbm4b:s5+s3], $0x80, v4, vm0, $0xb8;
	[tilespmem:$0x18080] =	vst v63  }
0x150: {  	s9 =	simm.s32 $0x16880  }
0x151: {  	[tilespmem:s9], [sflag:$0x1] =	stream.indirect_vreg.gather [hbm4b:s1+s3], $0x80, v3, vm0, $0xb8;
	[tilespmem:$0x18080] =	vst v63  }
0x152: {  	s9 =	simm.s32 $0x17080  }
0x153: {  	[tilespmem:s9], [sflag:$0x1] =	stream.indirect_vreg.gather [hbm4b:s4+s3], $0x80, v3, vm0, $0xb8;
	[tilespmem:$0x18080] =	vst v63  }
0x154: {  	s9 =	simm.s32 $0x17880  }
0x155: {  	[tilespmem:s9], [sflag:$0x1] =	stream.indirect_vreg.gather [hbm4b:s5+s3], $0x80, v3, vm0, $0xb8;
	[tilespmem:$0x18080] =	vst v63  }
0x156: {  	_ =	swait.ge [sflag:s2], $0x18000  }
0x157: {  	p0 =	sne.s32 s6, $0x1;
	s0 =	simm.s32 $0x80;
	[sflag:s2] =	ssyncset.done $0x0  }
.Ltmp0:
0x158: {  	s9 =	rddreg [dreg:$0x7];
	[sflag:s2] =	ssyncadd.s32 $0xFFFE8000;
	(pc) =	sbr.rel @p0 .LBB2_1-.Ltmp0, $4  }
0x159: {  	[hbm4b:s9+s3] =	stream.linear.scatter [tilespmem:s0], [sflag:$0x2], $0x18000, $0x38;
	[tilespmem:$0x18080] =	vst v63  }
0x15a: {  	_ =	swait.ge [sflag:s7], $0x18000  }
0x15b: {  	[sflag:s7] =	ssyncset.done $0x0  }
0x15c: {  	s6 =	sadd.s32 $0xFFFFFFFF, s6;
	[sflag:s7] =	ssyncadd.s32 $0xFFFE8000  }
0x15d: {  	_ =	sfence.sel $0x180000  }
0x15e: {  	[bflag:$0x0] =	sbarrier.arrive $0xFFFF  }
0x15f: {  	_ =	strace $0x90000050  }
0x160: {  	s0 =	stileid.u32;
	[bflag:$0x2] =	sbarrier.arrive $0xFFFF  }
0x161: {  	p0 =	sne.s32 s0, $0x0;
	s0 =	rddreg [dreg:$0x3]  }
0x162: {  	s0 =	sadd.s32 @!p0 $0x100000, s0  }
0x163: {  	[sflag:s0] =	ssyncadd.tile.s32 @!p0 $0x1;
	_ =	shalt  }
.Lfunc_end2:
_tile_overlayer_lowered:
.L_overlay_start_2:
0x164: {  	(tag) =	ssettag $0x2  }
0x165: {  	s0 =	rddreg [dreg:$0x0];
	s2 =	stileid.u32  }
0x166: {  	s1 =	rddreg [dreg:$0x1];
	p0 =	sne.s32 s2, $0x0  }
0x167: {  	s3 =	rddreg [dreg:$0x2];
	[bflag:$0x3] =	sbarrier.arrive $0xFFFF;
	s2 =	simm.s32 @!p0 $0x1C02  }
0x168: {  	[timem:s3], [sflag:s2] =	dma.local @!p0 [hbm:s0], s1  }
0x169: {  	s0 =	simm.s32 @!p0 $0x2  }
0x16a: {  	_ =	swait.ge @!p0 [sflag:s0], s1  }
0x16b: {  	s1 =	ssub.s32 @!p0 $0x0, s1;
	[sflag:s0] =	ssyncset.done @!p0 $0x0  }
0x16c: {  	[sflag:s0] =	ssyncadd.s32 @!p0 s1  }
0x16d: {  	[bflag:$0x3] =	sbarrier.arrive $0xFFFF  }
0x16e: {  	_ =	shalt  }

// kernel: kernel.26.cloned.1.call-start
scs
__scs_entry_jumppad:
0x0: {  	(pc) =	sbr.rel $0x88, $3  }
0x1: {  	(tag) =	ssettag $0x0;
	lr =	simm.s32 $0x1  }
0x2: {  	[smem:$0x3F9E] =	sst lr;
	_ =	strace $0xD0000000  }
0x3: {  	_ = 	snop  }
0x4: {  	_ = 	snop  }
0x5: {  	_ = 	snop  }
0x6: {  	_ = 	snop  }
0x7: {  	_ = 	snop  }
__scs_overlays_trampoline_lowered:
0x8: {  	[smem:$0x3FAD] =	sst s0  }
0x9: {  	[smem:$0x3FAE] =	sst s1  }
0xa: {  	[smem:$0x3FAF] =	sst s2  }
0xb: {  	[smem:$0x3FB0] =	sst s3  }
0xc: {  	[smem:$0x3FB1] =	sst s4  }
0xd: {  	[smem:$0x3FB2] =	sst s5  }
0xe: {  	[smem:$0x3FB3] =	sst s6  }
0xf: {  	[smem:$0x3FB4] =	sst s7  }
0x10: {  	[smem:$0x3FB5] =	sst s8  }
0x11: {  	[smem:$0x3FB6] =	sst s9;
	s0 =	simm.s32 @!p0 $0x0  }
0x12: {  	s1 =	sld [smem:$0x3F9C];
	s0 =	simm.s32 @p0 $0x1  }
0x13: {  	[smem:$0x3FB7] =	sst s0;
	s0 =	simm.s32 @!p1 $0x0  }
0x14: {  	s2 =	sld [smem:$0x3F9B];
	s0 =	simm.s32 @p1 $0x1  }
0x15: {  	[smem:$0x3FB8] =	sst s0;
	s0 =	simm.s32 @!p2 $0x0  }
0x16: {  	s3 =	sld [smem:$0x3FDB];
	s0 =	simm.s32 @p2 $0x1  }
0x17: {  	s4 =	simm.s32 $0x1BF5;
	[smem:$0x3FBA] =	sst s0  }
0x18: {  	s0 =	sld [smem:$0x3F9D];
	_ =	swait.ge [sflag:s4], $0x0  }
0x19: {  	s7 =	sld [smem:$0x3F9E]  }
0x1a: {  	s8 =	sadd.s32 $0xFFFFE003, lr  }
0x1b: {  	s9 =	sadd.s32 $0xFFFFFEF7, lr;
	s5 =	simm.s32 $0xFFFFFFFF;
	p2 =	slt.u32 s8, $0xFFFFF086  }
0x1c: {  	p1 =	slt.u32 s9, $0xF7A;
	s5 =	simm.s32 @!p2 $0x0  }
0x1d: {  	s5 =	simm.s32 @p1 $0x1;
	p0 =	seq.s32 s7, s2  }
0x1e: {  	s7 =	smul.u32 @!p0 $0xF7A, s2;
	p2 =	seq.s32 @!p0 s5, $0x0  }
0x1f: {  	s9 =	smul.u32 $0xF7A, s1;
	s8 =	simm.s32 @!p0 $0x1BF5;
	p2 =	por !p2, p0  }
0x20: {  	[sflag:s8] =	ssyncset.s32 @!p0 $0xFFFFF086;
	s6 =	sadd.s32 @!p0 s3, s7;
	s7 =	simm.s32 @!p0 $0x108  }
0x21: {  	s3 =	sadd.s32 s3, s9;
	s6 =	sadd.s32 @!p0 $0x88, s6;
	s7 =	simm.s32 @p2 $0x1082  }
0x22: {  	[simem:s7], [sflag:s8] =	dma.local @!p0 [hbm:s6], $0xF7A  }
0x23: {  	s9 =	sor.u32 $0xD0000000, s2;
	s6 =	simm.s32 $0x108;
	_ =	swait.ge @!p0 [sflag:s8], $0x0  }
0x24: {  	s3 =	sadd.s32 $0x88, s3;
	s6 =	simm.s32 @!p1 $0x1082;
	[sflag:s4] =	ssyncset.s32 $0xFFFFF086  }
0x25: {  	[simem:s6], [sflag:s4] =	dma.local [hbm:s3], $0xF7A  }
0x26: {  	[smem:$0x3F9E] =	sst s1;
	(tag) =	ssettag s2;
	_ =	strace s9  }
0x27: {  	s1 =	sld [smem:$0x3FAE]  }
0x28: {  	s2 =	sld [smem:$0x3FAF]  }
0x29: {  	s4 =	sld [smem:$0x3FB1]  }
0x2a: {  	p0 =	seq.s32 s5, $0x0;
	s5 =	sld [smem:$0x3FB2]  }
0x2b: {  	s6 =	sld [smem:$0x3FB3]  }
0x2c: {  	s7 =	sld [smem:$0x3FB4]  }
0x2d: {  	s3 =	simm.s32 $0x108;
	s8 =	sld [smem:$0x3FB5]  }
0x2e: {  	s3 =	simm.s32 @!p0 $0x1082;
	s9 =	sld [smem:$0x3FB6]  }
0x2f: {  	lr =	sadd.s32 s0, s3;
	s0 =	sld [smem:$0x3FAD]  }
0x30: {  	s3 =	sld [smem:$0x3FB0]  }
0x31: {  	[smem:$0x3FB9] =	sst s10  }
0x32: {  	s10 =	sld [smem:$0x3FB7];
	_ =	sdelay $0x3  }
0x33: {  	p0 =	seq.s32 s10, $0x1;
	s10 =	sld [smem:$0x3FB9];
	_ =	sdelay $0x3  }
0x34: {  	[smem:$0x3FB9] =	sst s10  }
0x35: {  	s10 =	sld [smem:$0x3FB8];
	_ =	sdelay $0x3  }
0x36: {  	p1 =	seq.s32 s10, $0x1;
	s10 =	sld [smem:$0x3FB9];
	_ =	sdelay $0x3  }
0x37: {  	[smem:$0x3FB9] =	sst s10  }
0x38: {  	s10 =	sld [smem:$0x3FBA]  }
0x39: {  	_ = 	snop;
	(pc) =	sbr.ind lr, $3  }
0x3a: {  	_ = 	snop  }
0x3b: {  	_ = 	snop  }
0x3c: {  	p2 =	seq.s32 s10, $0x1;
	s10 =	sld [smem:$0x3FB9]  }
0x3d: {  	_ =	shalt  }
0x3e: {  	_ =	shalt  }
0x3f: {  	_ =	shalt  }
0x40: {  	_ =	shalt  }
0x41: {  	_ =	shalt  }
0x42: {  	_ =	shalt  }
0x43: {  	_ =	shalt  }
0x44: {  	_ =	shalt  }
0x45: {  	_ =	shalt  }
0x46: {  	_ =	shalt  }
0x47: {  	_ =	shalt  }
0x48: {  	_ =	shalt  }
0x49: {  	_ =	shalt  }
0x4a: {  	_ =	shalt  }
0x4b: {  	_ =	shalt  }
0x4c: {  	_ =	shalt  }
0x4d: {  	_ =	shalt  }
0x4e: {  	_ =	shalt  }
0x4f: {  	_ =	shalt  }
0x50: {  	_ =	shalt  }
0x51: {  	_ =	shalt  }
0x52: {  	_ =	shalt  }
0x53: {  	_ =	shalt  }
0x54: {  	_ =	shalt  }
0x55: {  	_ =	shalt  }
0x56: {  	_ =	shalt  }
0x57: {  	_ =	shalt  }
0x58: {  	_ =	shalt  }
0x59: {  	_ =	shalt  }
0x5a: {  	_ =	shalt  }
0x5b: {  	_ =	shalt  }
0x5c: {  	_ =	shalt  }
0x5d: {  	_ =	shalt  }
0x5e: {  	_ =	shalt  }
0x5f: {  	_ =	shalt  }
0x60: {  	_ =	shalt  }
0x61: {  	_ =	shalt  }
0x62: {  	_ =	shalt  }
0x63: {  	_ =	shalt  }
0x64: {  	_ =	shalt  }
0x65: {  	_ =	shalt  }
0x66: {  	_ =	shalt  }
0x67: {  	_ =	shalt  }
0x68: {  	_ =	shalt  }
0x69: {  	_ =	shalt  }
0x6a: {  	_ =	shalt  }
0x6b: {  	_ =	shalt  }
0x6c: {  	_ =	shalt  }
0x6d: {  	_ =	shalt  }
0x6e: {  	_ =	shalt  }
0x6f: {  	_ =	shalt  }
0x70: {  	_ =	shalt  }
0x71: {  	_ =	shalt  }
0x72: {  	_ =	shalt  }
0x73: {  	_ =	shalt  }
0x74: {  	_ =	shalt  }
0x75: {  	_ =	shalt  }
0x76: {  	_ =	shalt  }
0x77: {  	_ =	shalt  }
0x78: {  	_ =	shalt  }
0x79: {  	_ =	shalt  }
0x7a: {  	_ =	shalt  }
0x7b: {  	_ =	shalt  }
0x7c: {  	_ =	shalt  }
0x7d: {  	_ =	shalt  }
0x7e: {  	_ =	shalt  }
0x7f: {  	_ =	shalt  }
0x80: {  	_ =	shalt  }
0x81: {  	_ =	shalt  }
0x82: {  	_ =	shalt  }
0x83: {  	_ =	shalt  }
0x84: {  	_ =	shalt  }
0x85: {  	_ =	shalt  }
0x86: {  	_ =	shalt  }
0x87: {  	_ =	shalt  }
.Lfunc_end0:
.L_simem_size_0:
called_computation.4_lowered:
.L_overlay_start_0:
0x88: {  	s2 =	sld [smem:$0x3FD9]  }
0x89: {  	s3 =	sld [smem:$0x3FFE];
	_ =	sdelay $0x1  }
0x8a: {  	s1 =	srdreg.scid  }
0x8b: {  	s0 =	sand.u32 $0x1, s1  }
0x8c: {  	s17 =	sshll.u32 s0, $0xA;
	s2 =	sadd.s32 s3, s2  }
0x8d: {  	s2 =	sadd.s32 s2, s17  }
0x8e: {  	[smem:$0x3FC5] =	sst s2  }
0x8f: {  	_ = 	snop  }
0x90: {  	s18 =	sld [smem:$0x3FC9]  }
0x91: {  	s4 =	sld [smem:$0x3FC8];
	(tm) =	ssettm $0x1  }
0x92: {  	s19 =	sld [smem:$0x3FFB];
	_ =	sdelay $0x3  }
0x93: {  	_ =	strace s19  }
0x94: {  	s2 =	sld [smem:$0x3FFC];
	_ =	sdelay $0x3  }
0x95: {  	_ =	strace s2  }
0x96: {  	s2 =	sld [smem:$0x3FFD];
	_ =	sdelay $0x3  }
0x97: {  	_ =	strace s2  }
0x98: {  	_ =	strace $0x8FFFFFFF  }
0x99: {  	s20 =	sld [smem:$0x3FDB];
	_ =	sdelay $0x1  }
0x9a: {  	s5 =	simm.s32 $_scs_section_size  }
0x9b: {  	s6 =	simm.s32 $_size__tile_overlayer_lowered;
	s7 =	simm.s32 $_tile_overlayer_lowered  }
0x9c: {  	s8 =	simm.s32 $0x1BFF;
	s21 =	sshll.u32 s7, $0x1;
	s5 =	sadd.s32 s5, s20  }
0x9d: {  	s22 =	simm.s32 $0x0;
	s6 =	sshll.u32 s6, $0x1;
	s7 =	sadd.s32 s21, s5  }
0x9e: {  	[timem:s22], [sflag:s8] =	dma.local [hbm:s7], s6  }
0x9f: {  	_ =	swait.ge [sflag:s8], s6  }
0xa0: {  	s6 =	ssub.s32 $0x0, s6;
	[sflag:s8] =	ssyncset.done $0x0  }
0xa1: {  	[sflag:s8] =	ssyncadd.s32 s6;
	_ =	sdelay $0x1  }
0xa2: {  	s23 =	simm.s32 $0x1B8B  }
0xa3: {  	_ =	swait.ge [sflag:s23], $0x1  }
0xa4: {  	[sflag:s23] =	ssyncset.done $0x0  }
0xa5: {  	[sflag:s23] =	ssyncadd.s32 $0xFFFFFFFF  }
0xa6: {  	s6 =	sld [smem:$0x0]  }
0xa7: {  	s7 =	sand.u32 $0xFFFFFFFE, s1  }
0xa8: {  	p0 =	sne.s32 s1, s7  }
0xa9: {  	s7 =	sshll.u32 @p0 s7, $0xE  }
0xaa: {  	s7 =	sadd.s32 @p0 $0x11B8D, s7;
	s8 =	sshll.u32 @p0 s6, $0x11  }
0xab: {  	s7 =	sor.u32 @p0 s8, s7  }
0xac: {  	[sflag:s7] =	ssyncadd.remote.s32 @p0 $0x1;
	_ =	sdelay $0x1  }
0xad: {  	s7 =	simm.s32 @p0 $0x1B8D  }
0xae: {  	_ =	swait.eq @p0 [sflag:s7], $0x1  }
0xaf: {  	[sflag:s7] =	ssyncadd.s32 @p0 $0xFFFFFFFF  }
0xb0: {  	s8 =	sshll.u32 @!p0 s1, $0xE  }
0xb1: {  	s8 =	sor.u32 @!p0 $0x4000, s8;
	s7 =	simm.s32 @!p0 $0x1B8D  }
0xb2: {  	s6 =	sshll.u32 @!p0 s6, $0x11;
	s8 =	sadd.s32 @!p0 $0x11B8D, s8;
	_ =	swait.eq @!p0 [sflag:s7], $0x1  }
0xb3: {  	s6 =	sor.u32 @!p0 s6, s8;
	[sflag:s7] =	ssyncadd.s32 @!p0 $0xFFFFFFFF  }
0xb4: {  	s25 =	simm.s32 $0x1B8E;
	s24 =	sld [smem:$0x3FFE];
	[sflag:s6] =	ssyncadd.remote.s32 @!p0 $0x1  }
0xb5: {  	s26 =	simm.s32 $execute0_lowered;
	[smem:$0x3FD2] =	sst s25  }
0xb6: {  	s7 =	sshll.u32 s26, $0x1;
	_ =	strace $0x80000052;
	[dreg:$0x1] =	wrdreg $0xFFFFFFFF  }
0xb7: {  	s28 =	simm.s32 $_size_execute0_lowered;
	s5 =	sadd.s32 s5, s7;
	[dreg:$0x0] =	wrdreg $0x0  }
0xb8: {  	s7 =	sshll.u32 s28, $0x1;
	[dreg:$0x2] =	wrdreg s5  }
0xb9: {  	[dreg:$0x3] =	wrdreg s7  }
0xba: {  	[dreg:$0x4] =	wrdreg $0xC0  }
0xbb: {  	_ =	task [dreg:s22], $0x5FFFF  }
0xbc: {  	[dreg:$0x1] =	wrdreg $0xFFFFFFFF  }
0xbd: {  	[dreg:$0x0] =	wrdreg $0x60  }
0xbe: {  	[dreg:$0x2] =	wrdreg s4  }
0xbf: {  	[dreg:$0x3] =	wrdreg s18  }
0xc0: {  	[dreg:$0x4] =	wrdreg s24  }
0xc1: {  	[dreg:$0x5] =	wrdreg $0xD  }
0xc2: {  	_ =	task.clear_ibuf [dreg:s22], $0x6FFFF;
	_ =	strace $0x90000052  }
0xc3: {  	s29 =	simm.s32 $0xD;
	_ =	strace $0x80000054  }
0xc4: {  	_ =	swait.ge [sflag:s29], $0x1  }
0xc5: {  	[sflag:s29] =	ssyncadd.s32 $0xFFFFFFFF  }
0xc6: {  	_ =	strace $0x90000054  }
0xc7: {  	_ =	sfence  }
0xc8: {  	s30 =	sld [smem:$0x0];
	_ =	sdelay $0x2  }
0xc9: {  	s31 =	sshll.u32 s1, $0xD;
	s1 =	sshrl.u32 s1, $0x2  }
0xca: {  	s4 =	sand.u32 $0x4000, s31;
	s1 =	sadd.s32 s1, s30  }
0xcb: {  	s0 =	sor.u32 s4, s0;
	s1 =	sshll.u32 s1, $0x11  }
0xcc: {  	s0 =	sor.u32 s1, s0  }
0xcd: {  	s0 =	sadd.s32 $0x8F2B, s0  }
0xce: {  	[sflag:s0] =	ssyncadd.remote.s32 $0x1  }
0xcf: {  	_ =	sfence.sel $0xFFFF  }
0xd0: {  	[dreg:$0x0] =	wrdreg $0xFFFFFFFF;
	(pc) =	sbr.abs _section_cstart, $3  }
0xd1: {  	[dreg:$0x1] =	wrdreg $0xFFFFFFFF  }
0xd2: {  	_ =	task.clear_ibuf [dreg:s22], $0x2FFFF;
	_ =	strace $0x9FFFFFFF  }
0xd3: {  	(tm) =	ssettm $0x7FFFFFFF  }
tec
execute0_lowered:
.L_overlay_start_1:
0x0: {  	(tag) =	ssettag $0x1  }
0x1: {  	s2 =	srdreg.scid  }
0x2: {  	s1 =	rddreg [dreg:$0x0];
	s0 =	stileid.u32;
	s2 =	sand.u32 $0x1, s2  }
0x3: {  	s4 =	rddreg [dreg:$0x1];
	s3 =	sshll.u32 s0, $0x8;
	s5 =	sshll.u32 s2, $0x7  }
0x4: {  	s6 =	rddreg [dreg:$0x2];
	s5 =	sor.u32 s5, s3;
	s3 =	simm.s32 $0x0  }
0x5: {  	s24 =	simm.s32 $0x880;
	[smem:$0x7FF] =	sst s3  }
0x6: {  	s25 =	simm.s32 $0x1080;
	_ =	strace $0x80000053;
	[dreg:$0x6] =	wrdreg s24  }
0x7: {  	s26 =	simm.s32 $0x1880;
	[dreg:$0x7] =	wrdreg s25  }
0x8: {  	s0 =	simm.s32 $0x2080;
	[dreg:$0x8] =	wrdreg s26  }
0x9: {  	s8 =	simm.s32 $0x4080;
	[dreg:$0x9] =	wrdreg s0  }
0xa: {  	s9 =	simm.s32 $0x4880;
	[dreg:$0xd] =	wrdreg s8  }
0xb: {  	s10 =	simm.s32 $0x5080;
	s11 =	simm.s32 $0x5880;
	[dreg:$0xe] =	wrdreg s9  }
0xc: {  	s12 =	simm.s32 $0x6080;
	s13 =	simm.s32 $0x6880;
	[dreg:$0xf] =	wrdreg s10  }
0xd: {  	s14 =	simm.s32 $0x7080;
	s15 =	simm.s32 $0x7880;
	[dreg:$0x10] =	wrdreg s11  }
0xe: {  	s16 =	simm.s32 $0x8080;
	s17 =	simm.s32 $0x8880;
	[dreg:$0x11] =	wrdreg s12  }
0xf: {  	s18 =	simm.s32 $0x9080;
	s20 =	simm.s32 $0x9880;
	[dreg:$0x12] =	wrdreg s13  }
0x10: {  	s21 =	simm.s32 $0xA080;
	s28 =	simm.s32 $0x16080;
	[dreg:$0x13] =	wrdreg s14  }
0x11: {  	s29 =	simm.s32 $0x16880;
	s30 =	simm.s32 $0x17080;
	[dreg:$0x14] =	wrdreg s15  }
0x12: {  	s31 =	simm.s32 $0x17880;
	s2 =	ssub.s32 $0x2, s2;
	[dreg:$0x15] =	wrdreg s16  }
0x13: {  	s19 =	sshrl.u32 s2, $0x1;
	s7 =	sshrl.u32 s5, $0x3;
	[dreg:$0x16] =	wrdreg s17  }
0x14: {  	s5 =	sshrl.u32 s5, $0x1;
	s2 =	ssub.s32 s2, s19;
	[dreg:$0x17] =	wrdreg s18  }
0x15: {  	s19 =	simm.s32 $0x12080;
	s7 =	smul.u32 $0x300, s7;
	[dreg:$0x18] =	wrdreg s20  }
0x16: {  	s4 =	sadd.s32 s5, s4;
	s5 =	simm.s32 $0x2880;
	[dreg:$0x19] =	wrdreg s21  }
0x17: {  	s24 =	simm.s32 $0xB880;
	s25 =	simm.s32 $0xC080;
	s8 =	simm.s32 $0x80  }
0x18: {  	s26 =	simm.s32 $0xC880;
	s10 =	simm.s32 $0xD880;
	s11 =	simm.s32 $0xE080  }
0x19: {  	s12 =	simm.s32 $0xE880;
	s13 =	simm.s32 $0xF080;
	s14 =	simm.s32 $0xF880  }
0x1a: {  	s15 =	simm.s32 $0x10080;
	s16 =	simm.s32 $0x10880;
	[dreg:$0xa] =	wrdreg s5  }
0x1b: {  	s17 =	simm.s32 $0x11080;
	s18 =	simm.s32 $0x11880;
	[dreg:$0x1c] =	wrdreg s24  }
0x1c: {  	s20 =	simm.s32 $0x12880;
	s21 =	simm.s32 $0x13080;
	[dreg:$0x1d] =	wrdreg s25  }
0x1d: {  	s4 =	sadd.s32 $0x30, s4;
	s5 =	sadd.s32 $0x200, s1;
	[dreg:$0x1e] =	wrdreg s26  }
0x1e: {  	s24 =	simm.s32 $0x14880;
	s25 =	simm.s32 $0x15080;
	s26 =	simm.s32 $0x15880  }
0x1f: {  	s22 =	sadd.s32 s7, s6;
	[dreg:$0x4] =	wrdreg s4;
	s6 =	simm.s32 $0x3080  }
0x20: {  	s7 =	simm.s32 $0x3880;
	s4 =	sadd.s32 $0x100, s1;
	[dreg:$0xb] =	wrdreg s6  }
0x21: {  	s23 =	sadd.s32 $0x1E2200, s22;
	[dreg:$0xc] =	wrdreg s7;
	s22 =	simm.s32 $0xA880  }
0x22: {  	v2 =	vlaneseq.u32;
	s6 =	smax.u32 s2, $0x1;
	s7 =	simm.s32 $0x2;
	[dreg:$0x5] =	wrdreg s23  }
0x23: {  	vm0 =	vmmov $0xffff;
	v1 =	vshrl.u32 v2, $0x3;
	s2 =	simm.s32 $0x1;
	[dreg:$0x1a] =	wrdreg s22;
	s23 =	simm.s32 $0xB080  }
0x24: {  	v0 =	vand.u32 $0x7, v2;
	v2 =	vor.u32 $0x8, v2;
	v1 =	vmul.u32 $0x8, v1;
	s22 =	simm.s32 $0x13880;
	[dreg:$0x1b] =	wrdreg s23;
	s23 =	simm.s32 $0x14080  }
.LBB2_1:
0x25: {  	s0 =	rddreg [dreg:$0x4]  }
0x26: {  	[tilespmem:s3], [sflag:$0x2] =	stream.linear.gather [hbm4b:s0+s3], $0x80, $0x38;
	[tilespmem:$0x18080] =	vst v63  }
0x27: {  	_ =	swait.ge [sflag:s7], $0x80  }
0x28: {  	[sflag:s7] =	ssyncset.done $0x0  }
0x29: {  	[sflag:s7] =	ssyncadd.s32 $0xFFFFFF80  }
0x2a: {  	v3 =	vld [tilespmem:$0x0];
	_ =	sdelay $0x4  }
0x2b: {  	v4 =	vshrl.u32 v3, $0x3  }
0x2c: {  	v4 =	vmul.u32 $0x30, v4  }
0x2d: {  	v3 =	vand.u32 $0x7, v3  }
0x2e: {  	v3 =	vor.u32 v3, v4  }
0x2f: {  	v4 =	vperm.xlane v3, v0;
	_ =	sdelay $0x1  }
0x30: {  	v4 =	vadd.s32 v1, v4;
	_ =	sdelay $0x3  }
0x31: {  	v3 =	vperm.xlane v3, v2  }
0x32: {  	[tilespmem:s8], [sflag:$0x1] =	stream.indirect_vreg.gather [hbm4b:s1+s3], $0x80, v4, vm0, $0xb8;
	[tilespmem:$0x18080] =	vst v63  }
0x33: {  	s0 =	rddreg [dreg:$0x6];
	v3 =	vadd.s32 v1, v3  }
0x34: {  	[tilespmem:s0], [sflag:$0x1] =	stream.indirect_vreg.gather [hbm4b:s4+s3], $0x80, v4, vm0, $0xb8;
	[tilespmem:$0x18080] =	vst v63  }
0x35: {  	s9 =	rddreg [dreg:$0x7]  }
0x36: {  	[tilespmem:s9], [sflag:$0x1] =	stream.indirect_vreg.gather [hbm4b:s5+s3], $0x80, v4, vm0, $0xb8;
	[tilespmem:$0x18080] =	vst v63  }
0x37: {  	s0 =	rddreg [dreg:$0x8]  }
0x38: {  	[tilespmem:s0], [sflag:$0x1] =	stream.indirect_vreg.gather [hbm4b:s1+s3], $0x80, v3, vm0, $0xb8;
	[tilespmem:$0x18080] =	vst v63  }
0x39: {  	s9 =	rddreg [dreg:$0x9]  }
0x3a: {  	[tilespmem:s9], [sflag:$0x1] =	stream.indirect_vreg.gather [hbm4b:s4+s3], $0x80, v3, vm0, $0xb8;
	[tilespmem:$0x18080] =	vst v63  }
0x3b: {  	s0 =	rddreg [dreg:$0xa]  }
0x3c: {  	[tilespmem:s0], [sflag:$0x1] =	stream.indirect_vreg.gather [hbm4b:s5+s3], $0x80, v3, vm0, $0xb8;
	[tilespmem:$0x18080] =	vst v63  }
0x3d: {  	v3 =	vld [tilespmem:$0x10];
	_ =	sdelay $0x4  }
0x3e: {  	v57 =	vshrl.u32 v3, $0x3  }
0x3f: {  	v4 =	vmul.u32 $0x30, v57  }
0x40: {  	v3 =	vand.u32 $0x7, v3  }
0x41: {  	v3 =	vor.u32 v3, v4  }
0x42: {  	v4 =	vperm.xlane v3, v0;
	_ =	sdelay $0x1  }
0x43: {  	v4 =	vadd.s32 v1, v4;
	_ =	sdelay $0x3  }
0x44: {  	s0 =	rddreg [dreg:$0xb];
	v3 =	vperm.xlane v3, v2  }
0x45: {  	[tilespmem:s0], [sflag:$0x1] =	stream.indirect_vreg.gather [hbm4b:s1+s3], $0x80, v4, vm0, $0xb8;
	[tilespmem:$0x18080] =	vst v63  }
0x46: {  	s9 =	rddreg [dreg:$0xc];
	v3 =	vadd.s32 v1, v3  }
0x47: {  	[tilespmem:s9], [sflag:$0x1] =	stream.indirect_vreg.gather [hbm4b:s4+s3], $0x80, v4, vm0, $0xb8;
	[tilespmem:$0x18080] =	vst v63  }
0x48: {  	s0 =	rddreg [dreg:$0xd]  }
0x49: {  	[tilespmem:s0], [sflag:$0x1] =	stream.indirect_vreg.gather [hbm4b:s5+s3], $0x80, v4, vm0, $0xb8;
	[tilespmem:$0x18080] =	vst v63  }
0x4a: {  	s9 =	rddreg [dreg:$0xe]  }
0x4b: {  	[tilespmem:s9], [sflag:$0x1] =	stream.indirect_vreg.gather [hbm4b:s1+s3], $0x80, v3, vm0, $0xb8;
	[tilespmem:$0x18080] =	vst v63  }
0x4c: {  	s0 =	rddreg [dreg:$0xf]  }
0x4d: {  	[tilespmem:s0], [sflag:$0x1] =	stream.indirect_vreg.gather [hbm4b:s4+s3], $0x80, v3, vm0, $0xb8;
	[tilespmem:$0x18080] =	vst v63  }
0x4e: {  	s9 =	rddreg [dreg:$0x10]  }
0x4f: {  	[tilespmem:s9], [sflag:$0x1] =	stream.indirect_vreg.gather [hbm4b:s5+s3], $0x80, v3, vm0, $0xb8;
	[tilespmem:$0x18080] =	vst v63  }
0x50: {  	v3 =	vld [tilespmem:$0x20];
	_ =	sdelay $0x4  }
0x51: {  	v58 =	vshrl.u32 v3, $0x3  }
0x52: {  	v4 =	vmul.u32 $0x30, v58  }
0x53: {  	v3 =	vand.u32 $0x7, v3  }
0x54: {  	v3 =	vor.u32 v3, v4  }
0x55: {  	v4 =	vperm.xlane v3, v0;
	_ =	sdelay $0x1  }
0x56: {  	v4 =	vadd.s32 v1, v4;
	_ =	sdelay $0x3  }
0x57: {  	s0 =	rddreg [dreg:$0x11];
	v3 =	vperm.xlane v3, v2  }
0x58: {  	[tilespmem:s0], [sflag:$0x1] =	stream.indirect_vreg.gather [hbm4b:s1+s3], $0x80, v4, vm0, $0xb8;
	[tilespmem:$0x18080] =	vst v63  }
0x59: {  	s9 =	rddreg [dreg:$0x12];
	v3 =	vadd.s32 v1, v3  }
0x5a: {  	[tilespmem:s9], [sflag:$0x1] =	stream.indirect_vreg.gather [hbm4b:s4+s3], $0x80, v4, vm0, $0xb8;
	[tilespmem:$0x18080] =	vst v63  }
0x5b: {  	s0 =	rddreg [dreg:$0x13]  }
0x5c: {  	[tilespmem:s0], [sflag:$0x1] =	stream.indirect_vreg.gather [hbm4b:s5+s3], $0x80, v4, vm0, $0xb8;
	[tilespmem:$0x18080] =	vst v63  }
0x5d: {  	s9 =	rddreg [dreg:$0x14]  }
0x5e: {  	[tilespmem:s9], [sflag:$0x1] =	stream.indirect_vreg.gather [hbm4b:s1+s3], $0x80, v3, vm0, $0xb8;
	[tilespmem:$0x18080] =	vst v63  }
0x5f: {  	s0 =	rddreg [dreg:$0x15]  }
0x60: {  	[tilespmem:s0], [sflag:$0x1] =	stream.indirect_vreg.gather [hbm4b:s4+s3], $0x80, v3, vm0, $0xb8;
	[tilespmem:$0x18080] =	vst v63  }
0x61: {  	s9 =	rddreg [dreg:$0x16]  }
0x62: {  	[tilespmem:s9], [sflag:$0x1] =	stream.indirect_vreg.gather [hbm4b:s5+s3], $0x80, v3, vm0, $0xb8;
	[tilespmem:$0x18080] =	vst v63  }
0x63: {  	v3 =	vld [tilespmem:$0x30];
	_ =	sdelay $0x4  }
0x64: {  	v59 =	vshrl.u32 v3, $0x3  }
0x65: {  	v4 =	vmul.u32 $0x30, v59  }
0x66: {  	v3 =	vand.u32 $0x7, v3  }
0x67: {  	v3 =	vor.u32 v3, v4  }
0x68: {  	v4 =	vperm.xlane v3, v0;
	_ =	sdelay $0x1  }
0x69: {  	v4 =	vadd.s32 v1, v4;
	_ =	sdelay $0x3  }
0x6a: {  	s0 =	rddreg [dreg:$0x17];
	v3 =	vperm.xlane v3, v2  }
0x6b: {  	[tilespmem:s0], [sflag:$0x1] =	stream.indirect_vreg.gather [hbm4b:s1+s3], $0x80, v4, vm0, $0xb8;
	[tilespmem:$0x18080] =	vst v63  }
0x6c: {  	s9 =	rddreg [dreg:$0x18];
	v3 =	vadd.s32 v1, v3  }
0x6d: {  	[tilespmem:s9], [sflag:$0x1] =	stream.indirect_vreg.gather [hbm4b:s4+s3], $0x80, v4, vm0, $0xb8;
	[tilespmem:$0x18080] =	vst v63  }
0x6e: {  	s0 =	rddreg [dreg:$0x19]  }
0x6f: {  	[tilespmem:s0], [sflag:$0x1] =	stream.indirect_vreg.gather [hbm4b:s5+s3], $0x80, v4, vm0, $0xb8;
	[tilespmem:$0x18080] =	vst v63  }
0x70: {  	s9 =	rddreg [dreg:$0x1a]  }
0x71: {  	[tilespmem:s9], [sflag:$0x1] =	stream.indirect_vreg.gather [hbm4b:s1+s3], $0x80, v3, vm0, $0xb8;
	[tilespmem:$0x18080] =	vst v63  }
0x72: {  	s0 =	rddreg [dreg:$0x1b]  }
0x73: {  	[tilespmem:s0], [sflag:$0x1] =	stream.indirect_vreg.gather [hbm4b:s4+s3], $0x80, v3, vm0, $0xb8;
	[tilespmem:$0x18080] =	vst v63  }
0x74: {  	s9 =	rddreg [dreg:$0x1c]  }
0x75: {  	[tilespmem:s9], [sflag:$0x1] =	stream.indirect_vreg.gather [hbm4b:s5+s3], $0x80, v3, vm0, $0xb8;
	[tilespmem:$0x18080] =	vst v63  }
0x76: {  	v3 =	vld [tilespmem:$0x40];
	_ =	sdelay $0x4  }
0x77: {  	v60 =	vshrl.u32 v3, $0x3  }
0x78: {  	v4 =	vmul.u32 $0x30, v60  }
0x79: {  	v3 =	vand.u32 $0x7, v3  }
0x7a: {  	v3 =	vor.u32 v3, v4  }
0x7b: {  	v4 =	vperm.xlane v3, v0;
	_ =	sdelay $0x1  }
0x7c: {  	v4 =	vadd.s32 v1, v4;
	_ =	sdelay $0x3  }
0x7d: {  	s0 =	rddreg [dreg:$0x1d];
	v3 =	vperm.xlane v3, v2  }
0x7e: {  	[tilespmem:s0], [sflag:$0x1] =	stream.indirect_vreg.gather [hbm4b:s1+s3], $0x80, v4, vm0, $0xb8;
	[tilespmem:$0x18080] =	vst v63  }
0x7f: {  	s9 =	rddreg [dreg:$0x1e];
	v3 =	vadd.s32 v1, v3  }
0x80: {  	[tilespmem:s9], [sflag:$0x1] =	stream.indirect_vreg.gather [hbm4b:s4+s3], $0x80, v4, vm0, $0xb8;
	[tilespmem:$0x18080] =	vst v63  }
0x81: {  	s9 =	simm.s32 $0xD080  }
0x82: {  	[tilespmem:s9], [sflag:$0x1] =	stream.indirect_vreg.gather [hbm4b:s5+s3], $0x80, v4, vm0, $0xb8;
	[tilespmem:$0x18080] =	vst v63  }
0x83: {  	_ = 	snop  }
0x84: {  	[tilespmem:s10], [sflag:$0x1] =	stream.indirect_vreg.gather [hbm4b:s1+s3], $0x80, v3, vm0, $0xb8;
	[tilespmem:$0x18080] =	vst v63  }
0x85: {  	_ = 	snop  }
0x86: {  	[tilespmem:s11], [sflag:$0x1] =	stream.indirect_vreg.gather [hbm4b:s4+s3], $0x80, v3, vm0, $0xb8;
	[tilespmem:$0x18080] =	vst v63  }
0x87: {  	_ = 	snop  }
0x88: {  	[tilespmem:s12], [sflag:$0x1] =	stream.indirect_vreg.gather [hbm4b:s5+s3], $0x80, v3, vm0, $0xb8;
	[tilespmem:$0x18080] =	vst v63  }
0x89: {  	v3 =	vld [tilespmem:$0x50];
	_ =	sdelay $0x4  }
0x8a: {  	v61 =	vshrl.u32 v3, $0x3  }
0x8b: {  	v4 =	vmul.u32 $0x30, v61  }
0x8c: {  	v3 =	vand.u32 $0x7, v3  }
0x8d: {  	v3 =	vor.u32 v3, v4  }
0x8e: {  	v4 =	vperm.xlane v3, v0;
	_ =	sdelay $0x1  }
0x8f: {  	v4 =	vadd.s32 v1, v4;
	_ =	sdelay $0x3  }
0x90: {  	v3 =	vperm.xlane v3, v2  }
0x91: {  	[tilespmem:s13], [sflag:$0x1] =	stream.indirect_vreg.gather [hbm4b:s1+s3], $0x80, v4, vm0, $0xb8;
	[tilespmem:$0x18080] =	vst v63  }
0x92: {  	v3 =	vadd.s32 v1, v3  }
0x93: {  	[tilespmem:s14], [sflag:$0x1] =	stream.indirect_vreg.gather [hbm4b:s4+s3], $0x80, v4, vm0, $0xb8;
	[tilespmem:$0x18080] =	vst v63  }
0x94: {  	_ = 	snop  }
0x95: {  	[tilespmem:s15], [sflag:$0x1] =	stream.indirect_vreg.gather [hbm4b:s5+s3], $0x80, v4, vm0, $0xb8;
	[tilespmem:$0x18080] =	vst v63  }
0x96: {  	_ = 	snop  }
0x97: {  	[tilespmem:s16], [sflag:$0x1] =	stream.indirect_vreg.gather [hbm4b:s1+s3], $0x80, v3, vm0, $0xb8;
	[tilespmem:$0x18080] =	vst v63  }
0x98: {  	_ = 	snop  }
0x99: {  	[tilespmem:s17], [sflag:$0x1] =	stream.indirect_vreg.gather [hbm4b:s4+s3], $0x80, v3, vm0, $0xb8;
	[tilespmem:$0x18080] =	vst v63  }
0x9a: {  	_ = 	snop  }
0x9b: {  	[tilespmem:s18], [sflag:$0x1] =	stream.indirect_vreg.gather [hbm4b:s5+s3], $0x80, v3, vm0, $0xb8;
	[tilespmem:$0x18080] =	vst v63  }
0x9c: {  	v3 =	vld [tilespmem:$0x60];
	_ =	sdelay $0x4  }
0x9d: {  	v62 =	vshrl.u32 v3, $0x3  }
0x9e: {  	v4 =	vmul.u32 $0x30, v62  }
0x9f: {  	v3 =	vand.u32 $0x7, v3  }
0xa0: {  	v3 =	vor.u32 v3, v4  }
0xa1: {  	v4 =	vperm.xlane v3, v0;
	_ =	sdelay $0x1  }
0xa2: {  	v4 =	vadd.s32 v1, v4;
	_ =	sdelay $0x3  }
0xa3: {  	v3 =	vperm.xlane v3, v2  }
0xa4: {  	[tilespmem:s19], [sflag:$0x1] =	stream.indirect_vreg.gather [hbm4b:s1+s3], $0x80, v4, vm0, $0xb8;
	[tilespmem:$0x18080] =	vst v63  }
0xa5: {  	v3 =	vadd.s32 v1, v3  }
0xa6: {  	[tilespmem:s20], [sflag:$0x1] =	stream.indirect_vreg.gather [hbm4b:s4+s3], $0x80, v4, vm0, $0xb8;
	[tilespmem:$0x18080] =	vst v63  }
0xa7: {  	_ = 	snop  }
0xa8: {  	[tilespmem:s21], [sflag:$0x1] =	stream.indirect_vreg.gather [hbm4b:s5+s3], $0x80, v4, vm0, $0xb8;
	[tilespmem:$0x18080] =	vst v63  }
0xa9: {  	_ = 	snop  }
0xaa: {  	[tilespmem:s22], [sflag:$0x1] =	stream.indirect_vreg.gather [hbm4b:s1+s3], $0x80, v3, vm0, $0xb8;
	[tilespmem:$0x18080] =	vst v63  }
0xab: {  	_ = 	snop  }
0xac: {  	[tilespmem:s23], [sflag:$0x1] =	stream.indirect_vreg.gather [hbm4b:s4+s3], $0x80, v3, vm0, $0xb8;
	[tilespmem:$0x18080] =	vst v63  }
0xad: {  	_ = 	snop  }
0xae: {  	[tilespmem:s24], [sflag:$0x1] =	stream.indirect_vreg.gather [hbm4b:s5+s3], $0x80, v3, vm0, $0xb8;
	[tilespmem:$0x18080] =	vst v63  }
0xaf: {  	v3 =	vld [tilespmem:$0x70];
	_ =	sdelay $0x4  }
0xb0: {  	v63 =	vshrl.u32 v3, $0x3  }
0xb1: {  	v4 =	vmul.u32 $0x30, v63  }
0xb2: {  	v3 =	vand.u32 $0x7, v3  }
0xb3: {  	v3 =	vor.u32 v3, v4  }
0xb4: {  	v4 =	vperm.xlane v3, v0;
	_ =	sdelay $0x1  }
0xb5: {  	v4 =	vadd.s32 v1, v4;
	_ =	sdelay $0x3  }
0xb6: {  	v3 =	vperm.xlane v3, v2  }
0xb7: {  	[tilespmem:s25], [sflag:$0x1] =	stream.indirect_vreg.gather [hbm4b:s1+s3], $0x80, v4, vm0, $0xb8;
	[tilespmem:$0x18080] =	vst v63  }
0xb8: {  	v3 =	vadd.s32 v1, v3  }
0xb9: {  	[tilespmem:s26], [sflag:$0x1] =	stream.indirect_vreg.gather [hbm4b:s4+s3], $0x80, v4, vm0, $0xb8;
	[tilespmem:$0x18080] =	vst v63  }
0xba: {  	_ = 	snop  }
0xbb: {  	[tilespmem:s28], [sflag:$0x1] =	stream.indirect_vreg.gather [hbm4b:s5+s3], $0x80, v4, vm0, $0xb8;
	[tilespmem:$0x18080] =	vst v63  }
0xbc: {  	_ = 	snop  }
0xbd: {  	[tilespmem:s29], [sflag:$0x1] =	stream.indirect_vreg.gather [hbm4b:s1+s3], $0x80, v3, vm0, $0xb8;
	[tilespmem:$0x18080] =	vst v63  }
0xbe: {  	_ = 	snop  }
0xbf: {  	[tilespmem:s30], [sflag:$0x1] =	stream.indirect_vreg.gather [hbm4b:s4+s3], $0x80, v3, vm0, $0xb8;
	[tilespmem:$0x18080] =	vst v63  }
0xc0: {  	_ = 	snop  }
0xc1: {  	[tilespmem:s31], [sflag:$0x1] =	stream.indirect_vreg.gather [hbm4b:s5+s3], $0x80, v3, vm0, $0xb8;
	[tilespmem:$0x18080] =	vst v63  }
0xc2: {  	_ =	swait.ge [sflag:s2], $0x18000  }
0xc3: {  	p0 =	sne.s32 s6, $0x1;
	[sflag:s2] =	ssyncset.done $0x0  }
.Ltmp0:
0xc4: {  	s9 =	rddreg [dreg:$0x5];
	[sflag:s2] =	ssyncadd.s32 $0xFFFE8000;
	(pc) =	sbr.rel @p0 .LBB2_1-.Ltmp0, $4  }
0xc5: {  	[hbm4b:s9+s3] =	stream.linear.scatter [tilespmem:s8], [sflag:$0x2], $0x18000, $0x38;
	[tilespmem:$0x18080] =	vst v63  }
0xc6: {  	_ =	swait.ge [sflag:s7], $0x18000  }
0xc7: {  	[sflag:s7] =	ssyncset.done $0x0  }
0xc8: {  	s6 =	sadd.s32 $0xFFFFFFFF, s6;
	[sflag:s7] =	ssyncadd.s32 $0xFFFE8000  }
0xc9: {  	_ =	sfence.sel $0x180000  }
0xca: {  	[bflag:$0x0] =	sbarrier.arrive $0xFFFF  }
0xcb: {  	_ =	strace $0x90000053  }
0xcc: {  	s0 =	stileid.u32;
	[bflag:$0x2] =	sbarrier.arrive $0xFFFF  }
0xcd: {  	p0 =	sne.s32 s0, $0x0;
	s0 =	rddreg [dreg:$0x3]  }
0xce: {  	s0 =	sadd.s32 @!p0 $0x100000, s0  }
0xcf: {  	[sflag:s0] =	ssyncadd.tile.s32 @!p0 $0x1;
	_ =	shalt  }
.Lfunc_end2:
_tile_overlayer_lowered:
.L_overlay_start_2:
0xd0: {  	(tag) =	ssettag $0x2  }
0xd1: {  	s0 =	rddreg [dreg:$0x0];
	s2 =	stileid.u32  }
0xd2: {  	s1 =	rddreg [dreg:$0x1];
	p0 =	sne.s32 s2, $0x0  }
0xd3: {  	s3 =	rddreg [dreg:$0x2];
	[bflag:$0x3] =	sbarrier.arrive $0xFFFF;
	s2 =	simm.s32 @!p0 $0x1C02  }
0xd4: {  	[timem:s3], [sflag:s2] =	dma.local @!p0 [hbm:s0], s1  }
0xd5: {  	s0 =	simm.s32 @!p0 $0x2  }
0xd6: {  	_ =	swait.ge @!p0 [sflag:s0], s1  }
0xd7: {  	s1 =	ssub.s32 @!p0 $0x0, s1;
	[sflag:s0] =	ssyncset.done @!p0 $0x0  }
0xd8: {  	[sflag:s0] =	ssyncadd.s32 @!p0 s1  }
0xd9: {  	[bflag:$0x3] =	sbarrier.arrive $0xFFFF  }
0xda: {  	_ =	shalt  }

// kernel: kernel.29.cloned.1.call-start
scs
__scs_entry_jumppad:
0x0: {  	(pc) =	sbr.rel $0x88, $3  }
0x1: {  	(tag) =	ssettag $0x0;
	lr =	simm.s32 $0x1  }
0x2: {  	[smem:$0x3F9E] =	sst lr;
	_ =	strace $0xD0000000  }
0x3: {  	_ = 	snop  }
0x4: {  	_ = 	snop  }
0x5: {  	_ = 	snop  }
0x6: {  	_ = 	snop  }
0x7: {  	_ = 	snop  }
__scs_overlays_trampoline_lowered:
0x8: {  	[smem:$0x3FAD] =	sst s0  }
0x9: {  	[smem:$0x3FAE] =	sst s1  }
0xa: {  	[smem:$0x3FAF] =	sst s2  }
0xb: {  	[smem:$0x3FB0] =	sst s3  }
0xc: {  	[smem:$0x3FB1] =	sst s4  }
0xd: {  	[smem:$0x3FB2] =	sst s5  }
0xe: {  	[smem:$0x3FB3] =	sst s6  }
0xf: {  	[smem:$0x3FB4] =	sst s7  }
0x10: {  	[smem:$0x3FB5] =	sst s8  }
0x11: {  	[smem:$0x3FB6] =	sst s9;
	s0 =	simm.s32 @!p0 $0x0  }
0x12: {  	s1 =	sld [smem:$0x3F9C];
	s0 =	simm.s32 @p0 $0x1  }
0x13: {  	[smem:$0x3FB7] =	sst s0;
	s0 =	simm.s32 @!p1 $0x0  }
0x14: {  	s2 =	sld [smem:$0x3F9B];
	s0 =	simm.s32 @p1 $0x1  }
0x15: {  	[smem:$0x3FB8] =	sst s0;
	s0 =	simm.s32 @!p2 $0x0  }
0x16: {  	s3 =	sld [smem:$0x3FDB];
	s0 =	simm.s32 @p2 $0x1  }
0x17: {  	s4 =	simm.s32 $0x1BF5;
	[smem:$0x3FBA] =	sst s0  }
0x18: {  	s0 =	sld [smem:$0x3F9D];
	_ =	swait.ge [sflag:s4], $0x0  }
0x19: {  	s7 =	sld [smem:$0x3F9E]  }
0x1a: {  	s8 =	sadd.s32 $0xFFFFE003, lr  }
0x1b: {  	s9 =	sadd.s32 $0xFFFFFEF7, lr;
	s5 =	simm.s32 $0xFFFFFFFF;
	p2 =	slt.u32 s8, $0xFFFFF086  }
0x1c: {  	p1 =	slt.u32 s9, $0xF7A;
	s5 =	simm.s32 @!p2 $0x0  }
0x1d: {  	s5 =	simm.s32 @p1 $0x1;
	p0 =	seq.s32 s7, s2  }
0x1e: {  	s7 =	smul.u32 @!p0 $0xF7A, s2;
	p2 =	seq.s32 @!p0 s5, $0x0  }
0x1f: {  	s9 =	smul.u32 $0xF7A, s1;
	s8 =	simm.s32 @!p0 $0x1BF5;
	p2 =	por !p2, p0  }
0x20: {  	[sflag:s8] =	ssyncset.s32 @!p0 $0xFFFFF086;
	s6 =	sadd.s32 @!p0 s3, s7;
	s7 =	simm.s32 @!p0 $0x108  }
0x21: {  	s3 =	sadd.s32 s3, s9;
	s6 =	sadd.s32 @!p0 $0x88, s6;
	s7 =	simm.s32 @p2 $0x1082  }
0x22: {  	[simem:s7], [sflag:s8] =	dma.local @!p0 [hbm:s6], $0xF7A  }
0x23: {  	s9 =	sor.u32 $0xD0000000, s2;
	s6 =	simm.s32 $0x108;
	_ =	swait.ge @!p0 [sflag:s8], $0x0  }
0x24: {  	s3 =	sadd.s32 $0x88, s3;
	s6 =	simm.s32 @!p1 $0x1082;
	[sflag:s4] =	ssyncset.s32 $0xFFFFF086  }
0x25: {  	[simem:s6], [sflag:s4] =	dma.local [hbm:s3], $0xF7A  }
0x26: {  	[smem:$0x3F9E] =	sst s1;
	(tag) =	ssettag s2;
	_ =	strace s9  }
0x27: {  	s1 =	sld [smem:$0x3FAE]  }
0x28: {  	s2 =	sld [smem:$0x3FAF]  }
0x29: {  	s4 =	sld [smem:$0x3FB1]  }
0x2a: {  	p0 =	seq.s32 s5, $0x0;
	s5 =	sld [smem:$0x3FB2]  }
0x2b: {  	s6 =	sld [smem:$0x3FB3]  }
0x2c: {  	s7 =	sld [smem:$0x3FB4]  }
0x2d: {  	s3 =	simm.s32 $0x108;
	s8 =	sld [smem:$0x3FB5]  }
0x2e: {  	s3 =	simm.s32 @!p0 $0x1082;
	s9 =	sld [smem:$0x3FB6]  }
0x2f: {  	lr =	sadd.s32 s0, s3;
	s0 =	sld [smem:$0x3FAD]  }
0x30: {  	s3 =	sld [smem:$0x3FB0]  }
0x31: {  	[smem:$0x3FB9] =	sst s10  }
0x32: {  	s10 =	sld [smem:$0x3FB7];
	_ =	sdelay $0x3  }
0x33: {  	p0 =	seq.s32 s10, $0x1;
	s10 =	sld [smem:$0x3FB9];
	_ =	sdelay $0x3  }
0x34: {  	[smem:$0x3FB9] =	sst s10  }
0x35: {  	s10 =	sld [smem:$0x3FB8];
	_ =	sdelay $0x3  }
0x36: {  	p1 =	seq.s32 s10, $0x1;
	s10 =	sld [smem:$0x3FB9];
	_ =	sdelay $0x3  }
0x37: {  	[smem:$0x3FB9] =	sst s10  }
0x38: {  	s10 =	sld [smem:$0x3FBA]  }
0x39: {  	_ = 	snop;
	(pc) =	sbr.ind lr, $3  }
0x3a: {  	_ = 	snop  }
0x3b: {  	_ = 	snop  }
0x3c: {  	p2 =	seq.s32 s10, $0x1;
	s10 =	sld [smem:$0x3FB9]  }
0x3d: {  	_ =	shalt  }
0x3e: {  	_ =	shalt  }
0x3f: {  	_ =	shalt  }
0x40: {  	_ =	shalt  }
0x41: {  	_ =	shalt  }
0x42: {  	_ =	shalt  }
0x43: {  	_ =	shalt  }
0x44: {  	_ =	shalt  }
0x45: {  	_ =	shalt  }
0x46: {  	_ =	shalt  }
0x47: {  	_ =	shalt  }
0x48: {  	_ =	shalt  }
0x49: {  	_ =	shalt  }
0x4a: {  	_ =	shalt  }
0x4b: {  	_ =	shalt  }
0x4c: {  	_ =	shalt  }
0x4d: {  	_ =	shalt  }
0x4e: {  	_ =	shalt  }
0x4f: {  	_ =	shalt  }
0x50: {  	_ =	shalt  }
0x51: {  	_ =	shalt  }
0x52: {  	_ =	shalt  }
0x53: {  	_ =	shalt  }
0x54: {  	_ =	shalt  }
0x55: {  	_ =	shalt  }
0x56: {  	_ =	shalt  }
0x57: {  	_ =	shalt  }
0x58: {  	_ =	shalt  }
0x59: {  	_ =	shalt  }
0x5a: {  	_ =	shalt  }
0x5b: {  	_ =	shalt  }
0x5c: {  	_ =	shalt  }
0x5d: {  	_ =	shalt  }
0x5e: {  	_ =	shalt  }
0x5f: {  	_ =	shalt  }
0x60: {  	_ =	shalt  }
0x61: {  	_ =	shalt  }
0x62: {  	_ =	shalt  }
0x63: {  	_ =	shalt  }
0x64: {  	_ =	shalt  }
0x65: {  	_ =	shalt  }
0x66: {  	_ =	shalt  }
0x67: {  	_ =	shalt  }
0x68: {  	_ =	shalt  }
0x69: {  	_ =	shalt  }
0x6a: {  	_ =	shalt  }
0x6b: {  	_ =	shalt  }
0x6c: {  	_ =	shalt  }
0x6d: {  	_ =	shalt  }
0x6e: {  	_ =	shalt  }
0x6f: {  	_ =	shalt  }
0x70: {  	_ =	shalt  }
0x71: {  	_ =	shalt  }
0x72: {  	_ =	shalt  }
0x73: {  	_ =	shalt  }
0x74: {  	_ =	shalt  }
0x75: {  	_ =	shalt  }
0x76: {  	_ =	shalt  }
0x77: {  	_ =	shalt  }
0x78: {  	_ =	shalt  }
0x79: {  	_ =	shalt  }
0x7a: {  	_ =	shalt  }
0x7b: {  	_ =	shalt  }
0x7c: {  	_ =	shalt  }
0x7d: {  	_ =	shalt  }
0x7e: {  	_ =	shalt  }
0x7f: {  	_ =	shalt  }
0x80: {  	_ =	shalt  }
0x81: {  	_ =	shalt  }
0x82: {  	_ =	shalt  }
0x83: {  	_ =	shalt  }
0x84: {  	_ =	shalt  }
0x85: {  	_ =	shalt  }
0x86: {  	_ =	shalt  }
0x87: {  	_ =	shalt  }
.Lfunc_end0:
.L_simem_size_0:
called_computation.5_lowered:
.L_overlay_start_0:
0x88: {  	s2 =	sld [smem:$0x3FD9]  }
0x89: {  	s3 =	sld [smem:$0x3FFE];
	_ =	sdelay $0x1  }
0x8a: {  	s1 =	srdreg.scid  }
0x8b: {  	s0 =	sand.u32 $0x1, s1  }
0x8c: {  	s17 =	sshll.u32 s0, $0xA;
	s2 =	sadd.s32 s3, s2  }
0x8d: {  	s2 =	sadd.s32 s2, s17  }
0x8e: {  	[smem:$0x3FC5] =	sst s2  }
0x8f: {  	_ = 	snop  }
0x90: {  	s18 =	sld [smem:$0x3FC9]  }
0x91: {  	s4 =	sld [smem:$0x3FC8];
	(tm) =	ssettm $0x1  }
0x92: {  	s19 =	sld [smem:$0x3FFB];
	_ =	sdelay $0x3  }
0x93: {  	_ =	strace s19  }
0x94: {  	s2 =	sld [smem:$0x3FFC];
	_ =	sdelay $0x3  }
0x95: {  	_ =	strace s2  }
0x96: {  	s2 =	sld [smem:$0x3FFD];
	_ =	sdelay $0x3  }
0x97: {  	_ =	strace s2  }
0x98: {  	_ =	strace $0x8FFFFFFF  }
0x99: {  	s20 =	sld [smem:$0x3FDB];
	_ =	sdelay $0x1  }
0x9a: {  	s5 =	simm.s32 $_scs_section_size  }
0x9b: {  	s6 =	simm.s32 $_size__tile_overlayer_lowered;
	s7 =	simm.s32 $_tile_overlayer_lowered  }
0x9c: {  	s8 =	simm.s32 $0x1BFF;
	s21 =	sshll.u32 s7, $0x1;
	s5 =	sadd.s32 s5, s20  }
0x9d: {  	s22 =	simm.s32 $0x0;
	s6 =	sshll.u32 s6, $0x1;
	s7 =	sadd.s32 s21, s5  }
0x9e: {  	[timem:s22], [sflag:s8] =	dma.local [hbm:s7], s6  }
0x9f: {  	_ =	swait.ge [sflag:s8], s6  }
0xa0: {  	s6 =	ssub.s32 $0x0, s6;
	[sflag:s8] =	ssyncset.done $0x0  }
0xa1: {  	[sflag:s8] =	ssyncadd.s32 s6;
	_ =	sdelay $0x1  }
0xa2: {  	s23 =	simm.s32 $0x1B8B  }
0xa3: {  	_ =	swait.ge [sflag:s23], $0x1  }
0xa4: {  	[sflag:s23] =	ssyncset.done $0x0  }
0xa5: {  	[sflag:s23] =	ssyncadd.s32 $0xFFFFFFFF  }
0xa6: {  	s6 =	sld [smem:$0x0]  }
0xa7: {  	s7 =	sand.u32 $0xFFFFFFFE, s1  }
0xa8: {  	p0 =	sne.s32 s1, s7  }
0xa9: {  	s7 =	sshll.u32 @p0 s7, $0xE  }
0xaa: {  	s7 =	sadd.s32 @p0 $0x11B8D, s7;
	s8 =	sshll.u32 @p0 s6, $0x11  }
0xab: {  	s7 =	sor.u32 @p0 s8, s7  }
0xac: {  	[sflag:s7] =	ssyncadd.remote.s32 @p0 $0x1;
	_ =	sdelay $0x1  }
0xad: {  	s7 =	simm.s32 @p0 $0x1B8D  }
0xae: {  	_ =	swait.eq @p0 [sflag:s7], $0x1  }
0xaf: {  	[sflag:s7] =	ssyncadd.s32 @p0 $0xFFFFFFFF  }
0xb0: {  	s8 =	sshll.u32 @!p0 s1, $0xE  }
0xb1: {  	s8 =	sor.u32 @!p0 $0x4000, s8;
	s7 =	simm.s32 @!p0 $0x1B8D  }
0xb2: {  	s6 =	sshll.u32 @!p0 s6, $0x11;
	s8 =	sadd.s32 @!p0 $0x11B8D, s8;
	_ =	swait.eq @!p0 [sflag:s7], $0x1  }
0xb3: {  	s6 =	sor.u32 @!p0 s6, s8;
	[sflag:s7] =	ssyncadd.s32 @!p0 $0xFFFFFFFF  }
0xb4: {  	s25 =	simm.s32 $0x1B8E;
	s24 =	sld [smem:$0x3FFE];
	[sflag:s6] =	ssyncadd.remote.s32 @!p0 $0x1  }
0xb5: {  	s26 =	simm.s32 $execute0_lowered;
	[smem:$0x3FD2] =	sst s25  }
0xb6: {  	s7 =	sshll.u32 s26, $0x1;
	_ =	strace $0x80000055;
	[dreg:$0x1] =	wrdreg $0xFFFFFFFF  }
0xb7: {  	s28 =	simm.s32 $_size_execute0_lowered;
	s5 =	sadd.s32 s5, s7;
	[dreg:$0x0] =	wrdreg $0x0  }
0xb8: {  	s7 =	sshll.u32 s28, $0x1;
	[dreg:$0x2] =	wrdreg s5  }
0xb9: {  	[dreg:$0x3] =	wrdreg s7  }
0xba: {  	[dreg:$0x4] =	wrdreg $0xC0  }
0xbb: {  	_ =	task [dreg:s22], $0x5FFFF  }
0xbc: {  	[dreg:$0x1] =	wrdreg $0xFFFFFFFF  }
0xbd: {  	[dreg:$0x0] =	wrdreg $0x60  }
0xbe: {  	[dreg:$0x2] =	wrdreg s4  }
0xbf: {  	[dreg:$0x3] =	wrdreg s18  }
0xc0: {  	[dreg:$0x4] =	wrdreg s24  }
0xc1: {  	[dreg:$0x5] =	wrdreg $0xE  }
0xc2: {  	_ =	task.clear_ibuf [dreg:s22], $0x6FFFF;
	_ =	strace $0x90000055  }
0xc3: {  	s29 =	simm.s32 $0xE;
	_ =	strace $0x80000057  }
0xc4: {  	_ =	swait.ge [sflag:s29], $0x1  }
0xc5: {  	[sflag:s29] =	ssyncadd.s32 $0xFFFFFFFF  }
0xc6: {  	_ =	strace $0x90000057  }
0xc7: {  	_ =	sfence  }
0xc8: {  	s30 =	sld [smem:$0x0];
	_ =	sdelay $0x2  }
0xc9: {  	s31 =	sshll.u32 s1, $0xD;
	s1 =	sshrl.u32 s1, $0x2  }
0xca: {  	s4 =	sand.u32 $0x4000, s31;
	s1 =	sadd.s32 s1, s30  }
0xcb: {  	s0 =	sor.u32 s4, s0;
	s1 =	sshll.u32 s1, $0x11  }
0xcc: {  	s0 =	sor.u32 s1, s0  }
0xcd: {  	s0 =	sadd.s32 $0x8F2B, s0  }
0xce: {  	[sflag:s0] =	ssyncadd.remote.s32 $0x1  }
0xcf: {  	_ =	sfence.sel $0xFFFF  }
0xd0: {  	[dreg:$0x0] =	wrdreg $0xFFFFFFFF;
	(pc) =	sbr.abs _section_cstart, $3  }
0xd1: {  	[dreg:$0x1] =	wrdreg $0xFFFFFFFF  }
0xd2: {  	_ =	task.clear_ibuf [dreg:s22], $0x2FFFF;
	_ =	strace $0x9FFFFFFF  }
0xd3: {  	(tm) =	ssettm $0x7FFFFFFF  }
tec
execute0_lowered:
.L_overlay_start_1:
0x0: {  	(tag) =	ssettag $0x1  }
0x1: {  	s2 =	srdreg.scid  }
0x2: {  	s1 =	rddreg [dreg:$0x0];
	s0 =	stileid.u32;
	s2 =	sand.u32 $0x1, s2  }
0x3: {  	s4 =	rddreg [dreg:$0x1];
	s3 =	sshll.u32 s0, $0x8;
	s5 =	sshll.u32 s2, $0x7  }
0x4: {  	s6 =	rddreg [dreg:$0x2];
	s5 =	sor.u32 s5, s3;
	s3 =	simm.s32 $0x0  }
0x5: {  	s24 =	simm.s32 $0x880;
	[smem:$0x7FF] =	sst s3  }
0x6: {  	s25 =	simm.s32 $0x1080;
	_ =	strace $0x80000056;
	[dreg:$0x6] =	wrdreg s24  }
0x7: {  	s26 =	simm.s32 $0x1880;
	[dreg:$0x7] =	wrdreg s25  }
0x8: {  	s0 =	simm.s32 $0x2080;
	[dreg:$0x8] =	wrdreg s26  }
0x9: {  	s8 =	simm.s32 $0x4080;
	[dreg:$0x9] =	wrdreg s0  }
0xa: {  	s9 =	simm.s32 $0x4880;
	[dreg:$0xd] =	wrdreg s8  }
0xb: {  	s10 =	simm.s32 $0x5080;
	s11 =	simm.s32 $0x5880;
	[dreg:$0xe] =	wrdreg s9  }
0xc: {  	s12 =	simm.s32 $0x6080;
	s13 =	simm.s32 $0x6880;
	[dreg:$0xf] =	wrdreg s10  }
0xd: {  	s14 =	simm.s32 $0x7080;
	s15 =	simm.s32 $0x7880;
	[dreg:$0x10] =	wrdreg s11  }
0xe: {  	s16 =	simm.s32 $0x8080;
	s17 =	simm.s32 $0x8880;
	[dreg:$0x11] =	wrdreg s12  }
0xf: {  	s18 =	simm.s32 $0x9080;
	s20 =	simm.s32 $0x9880;
	[dreg:$0x12] =	wrdreg s13  }
0x10: {  	s21 =	simm.s32 $0xA080;
	s28 =	simm.s32 $0x16080;
	[dreg:$0x13] =	wrdreg s14  }
0x11: {  	s29 =	simm.s32 $0x16880;
	s30 =	simm.s32 $0x17080;
	[dreg:$0x14] =	wrdreg s15  }
0x12: {  	s31 =	simm.s32 $0x17880;
	s2 =	ssub.s32 $0x2, s2;
	[dreg:$0x15] =	wrdreg s16  }
0x13: {  	s19 =	sshrl.u32 s2, $0x1;
	s7 =	sshrl.u32 s5, $0x3;
	[dreg:$0x16] =	wrdreg s17  }
0x14: {  	s5 =	sshrl.u32 s5, $0x1;
	s2 =	ssub.s32 s2, s19;
	[dreg:$0x17] =	wrdreg s18  }
0x15: {  	s19 =	simm.s32 $0x12080;
	s7 =	smul.u32 $0x300, s7;
	[dreg:$0x18] =	wrdreg s20  }
0x16: {  	s4 =	sadd.s32 s5, s4;
	s5 =	simm.s32 $0x2880;
	[dreg:$0x19] =	wrdreg s21  }
0x17: {  	s24 =	simm.s32 $0xB880;
	s25 =	simm.s32 $0xC080;
	s8 =	simm.s32 $0x80  }
0x18: {  	s26 =	simm.s32 $0xC880;
	s10 =	simm.s32 $0xD880;
	s11 =	simm.s32 $0xE080  }
0x19: {  	s12 =	simm.s32 $0xE880;
	s13 =	simm.s32 $0xF080;
	s14 =	simm.s32 $0xF880  }
0x1a: {  	s15 =	simm.s32 $0x10080;
	s16 =	simm.s32 $0x10880;
	[dreg:$0xa] =	wrdreg s5  }
0x1b: {  	s17 =	simm.s32 $0x11080;
	s18 =	simm.s32 $0x11880;
	[dreg:$0x1c] =	wrdreg s24  }
0x1c: {  	s20 =	simm.s32 $0x12880;
	s21 =	simm.s32 $0x13080;
	[dreg:$0x1d] =	wrdreg s25  }
0x1d: {  	s4 =	sadd.s32 $0x830, s4;
	s5 =	sadd.s32 $0x200, s1;
	[dreg:$0x1e] =	wrdreg s26  }
0x1e: {  	s24 =	simm.s32 $0x14880;
	s25 =	simm.s32 $0x15080;
	s26 =	simm.s32 $0x15880  }
0x1f: {  	s22 =	sadd.s32 s7, s6;
	[dreg:$0x4] =	wrdreg s4;
	s6 =	simm.s32 $0x3080  }
0x20: {  	s7 =	simm.s32 $0x3880;
	s4 =	sadd.s32 $0x100, s1;
	[dreg:$0xb] =	wrdreg s6  }
0x21: {  	s23 =	sadd.s32 $0x242200, s22;
	[dreg:$0xc] =	wrdreg s7;
	s22 =	simm.s32 $0xA880  }
0x22: {  	v2 =	vlaneseq.u32;
	s6 =	smax.u32 s2, $0x1;
	s7 =	simm.s32 $0x2;
	[dreg:$0x5] =	wrdreg s23  }
0x23: {  	vm0 =	vmmov $0xffff;
	v1 =	vshrl.u32 v2, $0x3;
	s2 =	simm.s32 $0x1;
	[dreg:$0x1a] =	wrdreg s22;
	s23 =	simm.s32 $0xB080  }
0x24: {  	v0 =	vand.u32 $0x7, v2;
	v2 =	vor.u32 $0x8, v2;
	v1 =	vmul.u32 $0x8, v1;
	s22 =	simm.s32 $0x13880;
	[dreg:$0x1b] =	wrdreg s23;
	s23 =	simm.s32 $0x14080  }
.LBB2_1:
0x25: {  	s0 =	rddreg [dreg:$0x4]  }
0x26: {  	[tilespmem:s3], [sflag:$0x2] =	stream.linear.gather [hbm4b:s0+s3], $0x80, $0x38;
	[tilespmem:$0x18080] =	vst v63  }
0x27: {  	_ =	swait.ge [sflag:s7], $0x80  }
0x28: {  	[sflag:s7] =	ssyncset.done $0x0  }
0x29: {  	[sflag:s7] =	ssyncadd.s32 $0xFFFFFF80  }
0x2a: {  	v3 =	vld [tilespmem:$0x0];
	_ =	sdelay $0x4  }
0x2b: {  	v4 =	vshrl.u32 v3, $0x3  }
0x2c: {  	v4 =	vmul.u32 $0x30, v4  }
0x2d: {  	v3 =	vand.u32 $0x7, v3  }
0x2e: {  	v3 =	vor.u32 v3, v4  }
0x2f: {  	v4 =	vperm.xlane v3, v0;
	_ =	sdelay $0x1  }
0x30: {  	v4 =	vadd.s32 v1, v4;
	_ =	sdelay $0x3  }
0x31: {  	v3 =	vperm.xlane v3, v2  }
0x32: {  	[tilespmem:s8], [sflag:$0x1] =	stream.indirect_vreg.gather [hbm4b:s1+s3], $0x80, v4, vm0, $0xb8;
	[tilespmem:$0x18080] =	vst v63  }
0x33: {  	s0 =	rddreg [dreg:$0x6];
	v3 =	vadd.s32 v1, v3  }
0x34: {  	[tilespmem:s0], [sflag:$0x1] =	stream.indirect_vreg.gather [hbm4b:s4+s3], $0x80, v4, vm0, $0xb8;
	[tilespmem:$0x18080] =	vst v63  }
0x35: {  	s9 =	rddreg [dreg:$0x7]  }
0x36: {  	[tilespmem:s9], [sflag:$0x1] =	stream.indirect_vreg.gather [hbm4b:s5+s3], $0x80, v4, vm0, $0xb8;
	[tilespmem:$0x18080] =	vst v63  }
0x37: {  	s0 =	rddreg [dreg:$0x8]  }
0x38: {  	[tilespmem:s0], [sflag:$0x1] =	stream.indirect_vreg.gather [hbm4b:s1+s3], $0x80, v3, vm0, $0xb8;
	[tilespmem:$0x18080] =	vst v63  }
0x39: {  	s9 =	rddreg [dreg:$0x9]  }
0x3a: {  	[tilespmem:s9], [sflag:$0x1] =	stream.indirect_vreg.gather [hbm4b:s4+s3], $0x80, v3, vm0, $0xb8;
	[tilespmem:$0x18080] =	vst v63  }
0x3b: {  	s0 =	rddreg [dreg:$0xa]  }
0x3c: {  	[tilespmem:s0], [sflag:$0x1] =	stream.indirect_vreg.gather [hbm4b:s5+s3], $0x80, v3, vm0, $0xb8;
	[tilespmem:$0x18080] =	vst v63  }
0x3d: {  	v3 =	vld [tilespmem:$0x10];
	_ =	sdelay $0x4  }
0x3e: {  	v57 =	vshrl.u32 v3, $0x3  }
0x3f: {  	v4 =	vmul.u32 $0x30, v57  }
0x40: {  	v3 =	vand.u32 $0x7, v3  }
0x41: {  	v3 =	vor.u32 v3, v4  }
0x42: {  	v4 =	vperm.xlane v3, v0;
	_ =	sdelay $0x1  }
0x43: {  	v4 =	vadd.s32 v1, v4;
	_ =	sdelay $0x3  }
0x44: {  	s0 =	rddreg [dreg:$0xb];
	v3 =	vperm.xlane v3, v2  }
0x45: {  	[tilespmem:s0], [sflag:$0x1] =	stream.indirect_vreg.gather [hbm4b:s1+s3], $0x80, v4, vm0, $0xb8;
	[tilespmem:$0x18080] =	vst v63  }
0x46: {  	s9 =	rddreg [dreg:$0xc];
	v3 =	vadd.s32 v1, v3  }
0x47: {  	[tilespmem:s9], [sflag:$0x1] =	stream.indirect_vreg.gather [hbm4b:s4+s3], $0x80, v4, vm0, $0xb8;
	[tilespmem:$0x18080] =	vst v63  }
0x48: {  	s0 =	rddreg [dreg:$0xd]  }
0x49: {  	[tilespmem:s0], [sflag:$0x1] =	stream.indirect_vreg.gather [hbm4b:s5+s3], $0x80, v4, vm0, $0xb8;
	[tilespmem:$0x18080] =	vst v63  }
0x4a: {  	s9 =	rddreg [dreg:$0xe]  }
0x4b: {  	[tilespmem:s9], [sflag:$0x1] =	stream.indirect_vreg.gather [hbm4b:s1+s3], $0x80, v3, vm0, $0xb8;
	[tilespmem:$0x18080] =	vst v63  }
0x4c: {  	s0 =	rddreg [dreg:$0xf]  }
0x4d: {  	[tilespmem:s0], [sflag:$0x1] =	stream.indirect_vreg.gather [hbm4b:s4+s3], $0x80, v3, vm0, $0xb8;
	[tilespmem:$0x18080] =	vst v63  }
0x4e: {  	s9 =	rddreg [dreg:$0x10]  }
0x4f: {  	[tilespmem:s9], [sflag:$0x1] =	stream.indirect_vreg.gather [hbm4b:s5+s3], $0x80, v3, vm0, $0xb8;
	[tilespmem:$0x18080] =	vst v63  }
0x50: {  	v3 =	vld [tilespmem:$0x20];
	_ =	sdelay $0x4  }
0x51: {  	v58 =	vshrl.u32 v3, $0x3  }
0x52: {  	v4 =	vmul.u32 $0x30, v58  }
0x53: {  	v3 =	vand.u32 $0x7, v3  }
0x54: {  	v3 =	vor.u32 v3, v4  }
0x55: {  	v4 =	vperm.xlane v3, v0;
	_ =	sdelay $0x1  }
0x56: {  	v4 =	vadd.s32 v1, v4;
	_ =	sdelay $0x3  }
0x57: {  	s0 =	rddreg [dreg:$0x11];
	v3 =	vperm.xlane v3, v2  }
0x58: {  	[tilespmem:s0], [sflag:$0x1] =	stream.indirect_vreg.gather [hbm4b:s1+s3], $0x80, v4, vm0, $0xb8;
	[tilespmem:$0x18080] =	vst v63  }
0x59: {  	s9 =	rddreg [dreg:$0x12];
	v3 =	vadd.s32 v1, v3  }
0x5a: {  	[tilespmem:s9], [sflag:$0x1] =	stream.indirect_vreg.gather [hbm4b:s4+s3], $0x80, v4, vm0, $0xb8;
	[tilespmem:$0x18080] =	vst v63  }
0x5b: {  	s0 =	rddreg [dreg:$0x13]  }
0x5c: {  	[tilespmem:s0], [sflag:$0x1] =	stream.indirect_vreg.gather [hbm4b:s5+s3], $0x80, v4, vm0, $0xb8;
	[tilespmem:$0x18080] =	vst v63  }
0x5d: {  	s9 =	rddreg [dreg:$0x14]  }
0x5e: {  	[tilespmem:s9], [sflag:$0x1] =	stream.indirect_vreg.gather [hbm4b:s1+s3], $0x80, v3, vm0, $0xb8;
	[tilespmem:$0x18080] =	vst v63  }
0x5f: {  	s0 =	rddreg [dreg:$0x15]  }
0x60: {  	[tilespmem:s0], [sflag:$0x1] =	stream.indirect_vreg.gather [hbm4b:s4+s3], $0x80, v3, vm0, $0xb8;
	[tilespmem:$0x18080] =	vst v63  }
0x61: {  	s9 =	rddreg [dreg:$0x16]  }
0x62: {  	[tilespmem:s9], [sflag:$0x1] =	stream.indirect_vreg.gather [hbm4b:s5+s3], $0x80, v3, vm0, $0xb8;
	[tilespmem:$0x18080] =	vst v63  }
0x63: {  	v3 =	vld [tilespmem:$0x30];
	_ =	sdelay $0x4  }
0x64: {  	v59 =	vshrl.u32 v3, $0x3  }
0x65: {  	v4 =	vmul.u32 $0x30, v59  }
0x66: {  	v3 =	vand.u32 $0x7, v3  }
0x67: {  	v3 =	vor.u32 v3, v4  }
0x68: {  	v4 =	vperm.xlane v3, v0;
	_ =	sdelay $0x1  }
0x69: {  	v4 =	vadd.s32 v1, v4;
	_ =	sdelay $0x3  }
0x6a: {  	s0 =	rddreg [dreg:$0x17];
	v3 =	vperm.xlane v3, v2  }
0x6b: {  	[tilespmem:s0], [sflag:$0x1] =	stream.indirect_vreg.gather [hbm4b:s1+s3], $0x80, v4, vm0, $0xb8;
	[tilespmem:$0x18080] =	vst v63  }
0x6c: {  	s9 =	rddreg [dreg:$0x18];
	v3 =	vadd.s32 v1, v3  }
0x6d: {  	[tilespmem:s9], [sflag:$0x1] =	stream.indirect_vreg.gather [hbm4b:s4+s3], $0x80, v4, vm0, $0xb8;
	[tilespmem:$0x18080] =	vst v63  }
0x6e: {  	s0 =	rddreg [dreg:$0x19]  }
0x6f: {  	[tilespmem:s0], [sflag:$0x1] =	stream.indirect_vreg.gather [hbm4b:s5+s3], $0x80, v4, vm0, $0xb8;
	[tilespmem:$0x18080] =	vst v63  }
0x70: {  	s9 =	rddreg [dreg:$0x1a]  }
0x71: {  	[tilespmem:s9], [sflag:$0x1] =	stream.indirect_vreg.gather [hbm4b:s1+s3], $0x80, v3, vm0, $0xb8;
	[tilespmem:$0x18080] =	vst v63  }
0x72: {  	s0 =	rddreg [dreg:$0x1b]  }
0x73: {  	[tilespmem:s0], [sflag:$0x1] =	stream.indirect_vreg.gather [hbm4b:s4+s3], $0x80, v3, vm0, $0xb8;
	[tilespmem:$0x18080] =	vst v63  }
0x74: {  	s9 =	rddreg [dreg:$0x1c]  }
0x75: {  	[tilespmem:s9], [sflag:$0x1] =	stream.indirect_vreg.gather [hbm4b:s5+s3], $0x80, v3, vm0, $0xb8;
	[tilespmem:$0x18080] =	vst v63  }
0x76: {  	v3 =	vld [tilespmem:$0x40];
	_ =	sdelay $0x4  }
0x77: {  	v60 =	vshrl.u32 v3, $0x3  }
0x78: {  	v4 =	vmul.u32 $0x30, v60  }
0x79: {  	v3 =	vand.u32 $0x7, v3  }
0x7a: {  	v3 =	vor.u32 v3, v4  }
0x7b: {  	v4 =	vperm.xlane v3, v0;
	_ =	sdelay $0x1  }
0x7c: {  	v4 =	vadd.s32 v1, v4;
	_ =	sdelay $0x3  }
0x7d: {  	s0 =	rddreg [dreg:$0x1d];
	v3 =	vperm.xlane v3, v2  }
0x7e: {  	[tilespmem:s0], [sflag:$0x1] =	stream.indirect_vreg.gather [hbm4b:s1+s3], $0x80, v4, vm0, $0xb8;
	[tilespmem:$0x18080] =	vst v63  }
0x7f: {  	s9 =	rddreg [dreg:$0x1e];
	v3 =	vadd.s32 v1, v3  }
0x80: {  	[tilespmem:s9], [sflag:$0x1] =	stream.indirect_vreg.gather [hbm4b:s4+s3], $0x80, v4, vm0, $0xb8;
	[tilespmem:$0x18080] =	vst v63  }
0x81: {  	s9 =	simm.s32 $0xD080  }
0x82: {  	[tilespmem:s9], [sflag:$0x1] =	stream.indirect_vreg.gather [hbm4b:s5+s3], $0x80, v4, vm0, $0xb8;
	[tilespmem:$0x18080] =	vst v63  }
0x83: {  	_ = 	snop  }
0x84: {  	[tilespmem:s10], [sflag:$0x1] =	stream.indirect_vreg.gather [hbm4b:s1+s3], $0x80, v3, vm0, $0xb8;
	[tilespmem:$0x18080] =	vst v63  }
0x85: {  	_ = 	snop  }
0x86: {  	[tilespmem:s11], [sflag:$0x1] =	stream.indirect_vreg.gather [hbm4b:s4+s3], $0x80, v3, vm0, $0xb8;
	[tilespmem:$0x18080] =	vst v63  }
0x87: {  	_ = 	snop  }
0x88: {  	[tilespmem:s12], [sflag:$0x1] =	stream.indirect_vreg.gather [hbm4b:s5+s3], $0x80, v3, vm0, $0xb8;
	[tilespmem:$0x18080] =	vst v63  }
0x89: {  	v3 =	vld [tilespmem:$0x50];
	_ =	sdelay $0x4  }
0x8a: {  	v61 =	vshrl.u32 v3, $0x3  }
0x8b: {  	v4 =	vmul.u32 $0x30, v61  }
0x8c: {  	v3 =	vand.u32 $0x7, v3  }
0x8d: {  	v3 =	vor.u32 v3, v4  }
0x8e: {  	v4 =	vperm.xlane v3, v0;
	_ =	sdelay $0x1  }
0x8f: {  	v4 =	vadd.s32 v1, v4;
	_ =	sdelay $0x3  }
0x90: {  	v3 =	vperm.xlane v3, v2  }
0x91: {  	[tilespmem:s13], [sflag:$0x1] =	stream.indirect_vreg.gather [hbm4b:s1+s3], $0x80, v4, vm0, $0xb8;
	[tilespmem:$0x18080] =	vst v63  }
0x92: {  	v3 =	vadd.s32 v1, v3  }
0x93: {  	[tilespmem:s14], [sflag:$0x1] =	stream.indirect_vreg.gather [hbm4b:s4+s3], $0x80, v4, vm0, $0xb8;
	[tilespmem:$0x18080] =	vst v63  }
0x94: {  	_ = 	snop  }
0x95: {  	[tilespmem:s15], [sflag:$0x1] =	stream.indirect_vreg.gather [hbm4b:s5+s3], $0x80, v4, vm0, $0xb8;
	[tilespmem:$0x18080] =	vst v63  }
0x96: {  	_ = 	snop  }
0x97: {  	[tilespmem:s16], [sflag:$0x1] =	stream.indirect_vreg.gather [hbm4b:s1+s3], $0x80, v3, vm0, $0xb8;
	[tilespmem:$0x18080] =	vst v63  }
0x98: {  	_ = 	snop  }
0x99: {  	[tilespmem:s17], [sflag:$0x1] =	stream.indirect_vreg.gather [hbm4b:s4+s3], $0x80, v3, vm0, $0xb8;
	[tilespmem:$0x18080] =	vst v63  }
0x9a: {  	_ = 	snop  }
0x9b: {  	[tilespmem:s18], [sflag:$0x1] =	stream.indirect_vreg.gather [hbm4b:s5+s3], $0x80, v3, vm0, $0xb8;
	[tilespmem:$0x18080] =	vst v63  }
0x9c: {  	v3 =	vld [tilespmem:$0x60];
	_ =	sdelay $0x4  }
0x9d: {  	v62 =	vshrl.u32 v3, $0x3  }
0x9e: {  	v4 =	vmul.u32 $0x30, v62  }
0x9f: {  	v3 =	vand.u32 $0x7, v3  }
0xa0: {  	v3 =	vor.u32 v3, v4  }
0xa1: {  	v4 =	vperm.xlane v3, v0;
	_ =	sdelay $0x1  }
0xa2: {  	v4 =	vadd.s32 v1, v4;
	_ =	sdelay $0x3  }
0xa3: {  	v3 =	vperm.xlane v3, v2  }
0xa4: {  	[tilespmem:s19], [sflag:$0x1] =	stream.indirect_vreg.gather [hbm4b:s1+s3], $0x80, v4, vm0, $0xb8;
	[tilespmem:$0x18080] =	vst v63  }
0xa5: {  	v3 =	vadd.s32 v1, v3  }
0xa6: {  	[tilespmem:s20], [sflag:$0x1] =	stream.indirect_vreg.gather [hbm4b:s4+s3], $0x80, v4, vm0, $0xb8;
	[tilespmem:$0x18080] =	vst v63  }
0xa7: {  	_ = 	snop  }
0xa8: {  	[tilespmem:s21], [sflag:$0x1] =	stream.indirect_vreg.gather [hbm4b:s5+s3], $0x80, v4, vm0, $0xb8;
	[tilespmem:$0x18080] =	vst v63  }
0xa9: {  	_ = 	snop  }
0xaa: {  	[tilespmem:s22], [sflag:$0x1] =	stream.indirect_vreg.gather [hbm4b:s1+s3], $0x80, v3, vm0, $0xb8;
	[tilespmem:$0x18080] =	vst v63  }
0xab: {  	_ = 	snop  }
0xac: {  	[tilespmem:s23], [sflag:$0x1] =	stream.indirect_vreg.gather [hbm4b:s4+s3], $0x80, v3, vm0, $0xb8;
	[tilespmem:$0x18080] =	vst v63  }
0xad: {  	_ = 	snop  }
0xae: {  	[tilespmem:s24], [sflag:$0x1] =	stream.indirect_vreg.gather [hbm4b:s5+s3], $0x80, v3, vm0, $0xb8;
	[tilespmem:$0x18080] =	vst v63  }
0xaf: {  	v3 =	vld [tilespmem:$0x70];
	_ =	sdelay $0x4  }
0xb0: {  	v63 =	vshrl.u32 v3, $0x3  }
0xb1: {  	v4 =	vmul.u32 $0x30, v63  }
0xb2: {  	v3 =	vand.u32 $0x7, v3  }
0xb3: {  	v3 =	vor.u32 v3, v4  }
0xb4: {  	v4 =	vperm.xlane v3, v0;
	_ =	sdelay $0x1  }
0xb5: {  	v4 =	vadd.s32 v1, v4;
	_ =	sdelay $0x3  }
0xb6: {  	v3 =	vperm.xlane v3, v2  }
0xb7: {  	[tilespmem:s25], [sflag:$0x1] =	stream.indirect_vreg.gather [hbm4b:s1+s3], $0x80, v4, vm0, $0xb8;
	[tilespmem:$0x18080] =	vst v63  }
0xb8: {  	v3 =	vadd.s32 v1, v3  }
0xb9: {  	[tilespmem:s26], [sflag:$0x1] =	stream.indirect_vreg.gather [hbm4b:s4+s3], $0x80, v4, vm0, $0xb8;
	[tilespmem:$0x18080] =	vst v63  }
0xba: {  	_ = 	snop  }
0xbb: {  	[tilespmem:s28], [sflag:$0x1] =	stream.indirect_vreg.gather [hbm4b:s5+s3], $0x80, v4, vm0, $0xb8;
	[tilespmem:$0x18080] =	vst v63  }
0xbc: {  	_ = 	snop  }
0xbd: {  	[tilespmem:s29], [sflag:$0x1] =	stream.indirect_vreg.gather [hbm4b:s1+s3], $0x80, v3, vm0, $0xb8;
	[tilespmem:$0x18080] =	vst v63  }
0xbe: {  	_ = 	snop  }
0xbf: {  	[tilespmem:s30], [sflag:$0x1] =	stream.indirect_vreg.gather [hbm4b:s4+s3], $0x80, v3, vm0, $0xb8;
	[tilespmem:$0x18080] =	vst v63  }
0xc0: {  	_ = 	snop  }
0xc1: {  	[tilespmem:s31], [sflag:$0x1] =	stream.indirect_vreg.gather [hbm4b:s5+s3], $0x80, v3, vm0, $0xb8;
	[tilespmem:$0x18080] =	vst v63  }
0xc2: {  	_ =	swait.ge [sflag:s2], $0x18000  }
0xc3: {  	p0 =	sne.s32 s6, $0x1;
	[sflag:s2] =	ssyncset.done $0x0  }
.Ltmp0:
0xc4: {  	s9 =	rddreg [dreg:$0x5];
	[sflag:s2] =	ssyncadd.s32 $0xFFFE8000;
	(pc) =	sbr.rel @p0 .LBB2_1-.Ltmp0, $4  }
0xc5: {  	[hbm4b:s9+s3] =	stream.linear.scatter [tilespmem:s8], [sflag:$0x2], $0x18000, $0x38;
	[tilespmem:$0x18080] =	vst v63  }
0xc6: {  	_ =	swait.ge [sflag:s7], $0x18000  }
0xc7: {  	[sflag:s7] =	ssyncset.done $0x0  }
0xc8: {  	s6 =	sadd.s32 $0xFFFFFFFF, s6;
	[sflag:s7] =	ssyncadd.s32 $0xFFFE8000  }
0xc9: {  	_ =	sfence.sel $0x180000  }
0xca: {  	[bflag:$0x0] =	sbarrier.arrive $0xFFFF  }
0xcb: {  	_ =	strace $0x90000056  }
0xcc: {  	s0 =	stileid.u32;
	[bflag:$0x2] =	sbarrier.arrive $0xFFFF  }
0xcd: {  	p0 =	sne.s32 s0, $0x0;
	s0 =	rddreg [dreg:$0x3]  }
0xce: {  	s0 =	sadd.s32 @!p0 $0x100000, s0  }
0xcf: {  	[sflag:s0] =	ssyncadd.tile.s32 @!p0 $0x1;
	_ =	shalt  }
.Lfunc_end2:
_tile_overlayer_lowered:
.L_overlay_start_2:
0xd0: {  	(tag) =	ssettag $0x2  }
0xd1: {  	s0 =	rddreg [dreg:$0x0];
	s2 =	stileid.u32  }
0xd2: {  	s1 =	rddreg [dreg:$0x1];
	p0 =	sne.s32 s2, $0x0  }
0xd3: {  	s3 =	rddreg [dreg:$0x2];
	[bflag:$0x3] =	sbarrier.arrive $0xFFFF;
	s2 =	simm.s32 @!p0 $0x1C02  }
0xd4: {  	[timem:s3], [sflag:s2] =	dma.local @!p0 [hbm:s0], s1  }
0xd5: {  	s0 =	simm.s32 @!p0 $0x2  }
0xd6: {  	_ =	swait.ge @!p0 [sflag:s0], s1  }
0xd7: {  	s1 =	ssub.s32 @!p0 $0x0, s1;
	[sflag:s0] =	ssyncset.done @!p0 $0x0  }
0xd8: {  	[sflag:s0] =	ssyncadd.s32 @!p0 s1  }
0xd9: {  	[bflag:$0x3] =	sbarrier.arrive $0xFFFF  }
0xda: {  	_ =	shalt  }

</sc_bundles>
